<compile_context>
chip_gen: v7x
topology: tpu7x:2x2x1
jax: 0.10.2.dev20260603
libtpu: 0.0.44.dev20260713+nightly
codegen_flags: <defaults>
</compile_context>

<pallas_src>
import functools

import jax
import jax.numpy as jnp
from jax import lax
from jax.experimental import pallas as pl
from jax.experimental.pallas import tpu as pltpu
from jax.experimental.pallas import tpu_sc as plsc

NC = 2
NS = 16
LANES = 16
NW = NC * NS

VOCAB = 1000000
EMBED = 128
NUM_TAGS = 50
B = 4096
L = 200

B_PER_W = B // NW
HALF = L // 2
EV = EMBED // LANES


def _sc_pool(table, ids3):
  mesh = plsc.VectorSubcoreMesh(core_axis_name="c", subcore_axis_name="s")

  NSLOT = 6
  NH = 2 * B_PER_W
  NFULL = NH // NSLOT
  NTAIL = NH - NFULL * NSLOT

  @functools.partial(
      pl.kernel,
      mesh=mesh,
      out_type=jax.ShapeDtypeStruct((NW, B_PER_W, EMBED), jnp.float32),
      scratch_types=[
          pltpu.VMEM((NH, HALF), jnp.int32),
          pltpu.VMEM((HALF, EMBED), jnp.float32),
          pltpu.VMEM((HALF, EMBED), jnp.float32),
          pltpu.VMEM((HALF, EMBED), jnp.float32),
          pltpu.VMEM((HALF, EMBED), jnp.float32),
          pltpu.VMEM((HALF, EMBED), jnp.float32),
          pltpu.VMEM((HALF, EMBED), jnp.float32),
          pltpu.VMEM((B_PER_W, EMBED), jnp.float32),
          pltpu.SemaphoreType.DMA,
          pltpu.SemaphoreType.DMA,
          pltpu.SemaphoreType.DMA,
          pltpu.SemaphoreType.DMA,
          pltpu.SemaphoreType.DMA,
          pltpu.SemaphoreType.DMA,
      ],
  )
  def k(table_hbm, ids_hbm, out_hbm, ids_v, r0, r1, r2, r3, r4, r5, out_v,
        s0, s1, s2, s3, s4, s5):
    wid = lax.axis_index("s") * NC + lax.axis_index("c")
    rows = (r0, r1, r2, r3, r4, r5)
    sems = (s0, s1, s2, s3, s4, s5)

    def start(j, h):
      pltpu.async_copy(table_hbm.at[ids_v.at[h]], rows[j], sems[j])

    def wait(j):
      pltpu.make_async_copy(table_hbm.at[ids_v.at[0]], rows[j], sems[j]).wait()

    def partial_sum(j):
      r = rows[j]

      def body(i, acc):
        return tuple(
            acc[k_] + r[i, pl.ds(LANES * k_, LANES)] for k_ in range(EV))

      return lax.fori_loop(
          0, HALF, body,
          tuple(jnp.zeros((LANES,), jnp.float32) for _ in range(EV)),
          unroll=2)

    pltpu.sync_copy(ids_hbm.at[wid], ids_v)

    for j in range(NSLOT):
      start(j, j)

    def half_step(j, h, do_start):
      s = h // 2
      wait(j)
      acc = partial_sum(j)
      if j % 2 == 0:
        for k_ in range(EV):
          out_v[s, pl.ds(LANES * k_, LANES)] = acc[k_]
      else:
        for k_ in range(EV):
          sl = pl.ds(LANES * k_, LANES)
          out_v[s, sl] = (out_v[s, sl] + acc[k_]) * (1.0 / L)

      if do_start:
        @pl.when(h + NSLOT < NH)
        def _():
          start(j, h + NSLOT)

    def g_body(g, carry):
      for j in range(NSLOT):
        half_step(j, NSLOT * g + j, True)
      return carry

    lax.fori_loop(0, NFULL, g_body, 0)
    for j in range(NTAIL):
      half_step(j, NFULL * NSLOT + j, False)
    pltpu.sync_copy(out_v, out_hbm.at[wid])

  return k(table, ids3)


def _tc_head(x_ref, w_ref, b_ref, o_ref):
  logits = lax.dot_general(
      x_ref[...], w_ref[...], (((1,), (1,)), ((), ())),
      preferred_element_type=jnp.float32)
  o_ref[...] = jax.nn.sigmoid(logits + b_ref[...])


def kernel(input_ids, emb_table, W, b):
  ids3 = input_ids.reshape(NW, 2 * B_PER_W, HALF)
  pooled = _sc_pool(emb_table, ids3).reshape(B, EMBED)

  return pl.pallas_call(
      _tc_head,
      out_shape=jax.ShapeDtypeStruct((B, NUM_TAGS), jnp.float32),
  )(pooled, W, b.reshape(1, NUM_TAGS))

# --- scband reference (transcript-rebuilt; emitter-appended) ---
"""Pipeline reference for scband-simple-nlptagger-70300024701613 (READ-ONLY COPY).

The authoritative reference and input builder live on the scoring server;
editing this copy changes nothing except your own understanding.
"""

import jax, jax.numpy as jnp
import numpy as np

VOCAB = 1000000
EMBED = 128
NUM_TAGS = 50
B = 4096
L = 200


def setup_inputs(seed: int = 0) -> dict:
    key = jax.random.key(seed)
    k_idx, k_emb, k_w, k_b = jax.random.split(key, 4)
    input_ids = jax.random.randint(k_idx, (B, L), 0, VOCAB, dtype=jnp.int64 if jax.config.jax_enable_x64 else jnp.int32).astype(jnp.int32)
    emb_table = jax.random.normal(k_emb, (VOCAB, EMBED), dtype=jnp.float32)
    W = jax.random.normal(k_w, (NUM_TAGS, EMBED), dtype=jnp.float32) * (1.0 / np.sqrt(EMBED))
    b = jax.random.normal(k_b, (NUM_TAGS,), dtype=jnp.float32) * 0.01
    return {"input_ids": input_ids, "emb_table": emb_table, "W": W, "b": b}


def reference(input_ids, emb_table, W, b):
    # nn.Embedding lookup: gather rows of the table
    x = jnp.take(emb_table, input_ids, axis=0)  # [B, L, E]
    # .mean(dim=1)
    x = jnp.mean(x, axis=1)  # [B, E]
    # nn.Linear: x @ W.T + b
    logits = x @ W.T + b  # [B, num_tags]
    # self.softmax is actually nn.Sigmoid() in the original module
    return jax.nn.sigmoid(logits)

if __name__ == "__main__":
    import jax
    _d = setup_inputs()
    print(jax.jit(kernel)(*tuple(_d.values())))

</pallas_src>

<mosaic_0001>
#map = affine_map<(d0, d1) -> (0, 0)>
#map1 = affine_map<(d0, d1) -> (0, 0, 0)>
module attributes {stable_mosaic.version = 14 : i64} {
  func.func @k(%arg0: i32, %arg1: i32, %arg2: memref<1000000x128xf32, #tpu.memory_space<hbm>>, %arg3: memref<32x256x100xi32, #tpu.memory_space<hbm>>, %arg4: memref<32x128x128xf32, #tpu.memory_space<hbm>>, %arg5: memref<256x100xi32, #tpu.memory_space<vmem>>, %arg6: memref<100x128xf32, #tpu.memory_space<vmem>>, %arg7: memref<100x128xf32, #tpu.memory_space<vmem>>, %arg8: memref<100x128xf32, #tpu.memory_space<vmem>>, %arg9: memref<100x128xf32, #tpu.memory_space<vmem>>, %arg10: memref<100x128xf32, #tpu.memory_space<vmem>>, %arg11: memref<100x128xf32, #tpu.memory_space<vmem>>, %arg12: memref<128x128xf32, #tpu.memory_space<vmem>>, %arg13: memref<!tpu.dma_semaphore, #tpu.memory_space<semaphore_mem>>, %arg14: memref<!tpu.dma_semaphore, #tpu.memory_space<semaphore_mem>>, %arg15: memref<!tpu.dma_semaphore, #tpu.memory_space<semaphore_mem>>, %arg16: memref<!tpu.dma_semaphore, #tpu.memory_space<semaphore_mem>>, %arg17: memref<!tpu.dma_semaphore, #tpu.memory_space<semaphore_mem>>, %arg18: memref<!tpu.dma_semaphore, #tpu.memory_space<semaphore_mem>>) attributes {dimension_semantics = [#tpu.dimension_semantics<core_parallel>, #tpu.dimension_semantics<subcore_parallel>], iteration_bounds = array<i64: 2, 16>, scalar_prefetch = 0 : i64, scratch_operands = 14 : i64, tpu.core_type = #tpu.core_type<sc_vector_subcore>, window_params = [{transform_indices = #map}, {transform_indices = #map1}, {transform_indices = #map1}]} {
    %mul3A = arith.constant 2 : i32
    %mul3A_0 = arith.muli %arg1, %mul3A : i32
    %add3A = arith.addi %mul3A_0, %arg0 : i32
    "tpu.region"() ({
      %run_scoped3A = tpu.sem_alloc : memref<!tpu.dma_semaphore, #tpu.memory_space<semaphore_mem>>
      %dma_start3A_495 = arith.constant 0 : i32
      %dma_start3A_496 = arith.constant 0 : i32
      %dma_start3A_497 = tpu.memref_slice %arg3[%add3A, %dma_start3A_495, %dma_start3A_496] : memref<32x256x100xi32, #tpu.memory_space<hbm>> -> memref<1x256x100xi32, #tpu.memory_space<hbm>>
      %dma_start3A_498 = tpu.memref_squeeze %dma_start3A_497 : memref<1x256x100xi32, #tpu.memory_space<hbm>> -> memref<256x100xi32, #tpu.memory_space<hbm>>
      %dma_start3A_499 = arith.constant 0 : i32
      %dma_start3A_500 = arith.constant 0 : i32
      %dma_start3A_501 = tpu.memref_slice %arg3[%add3A, %dma_start3A_499, %dma_start3A_500] : memref<32x256x100xi32, #tpu.memory_space<hbm>> -> memref<1x256x100xi32, #tpu.memory_space<hbm>>
      %dma_start3A_502 = tpu.memref_squeeze %dma_start3A_501 : memref<1x256x100xi32, #tpu.memory_space<hbm>> -> memref<256x100xi32, #tpu.memory_space<hbm>>
      tpu.enqueue_dma source(%dma_start3A_502 : memref<256x100xi32, #tpu.memory_space<hbm>>) target(%arg5 : memref<256x100xi32, #tpu.memory_space<vmem>>) target_semaphore(%run_scoped3A : memref<!tpu.dma_semaphore, #tpu.memory_space<semaphore_mem>>)
      %dma_wait3A_503 = arith.constant 0 : i32
      %dma_wait3A_504 = arith.constant 0 : i32
      %dma_wait3A_505 = tpu.memref_slice %arg3[%add3A, %dma_wait3A_503, %dma_wait3A_504] : memref<32x256x100xi32, #tpu.memory_space<hbm>> -> memref<1x256x100xi32, #tpu.memory_space<hbm>>
      %dma_wait3A_506 = tpu.memref_squeeze %dma_wait3A_505 : memref<1x256x100xi32, #tpu.memory_space<hbm>> -> memref<256x100xi32, #tpu.memory_space<hbm>>
      %dma_wait3A_507 = arith.constant 0 : i32
      %dma_wait3A_508 = arith.constant 0 : i32
      %dma_wait3A_509 = tpu.memref_slice %arg3[%add3A, %dma_wait3A_507, %dma_wait3A_508] : memref<32x256x100xi32, #tpu.memory_space<hbm>> -> memref<1x256x100xi32, #tpu.memory_space<hbm>>
      %dma_wait3A_510 = tpu.memref_squeeze %dma_wait3A_509 : memref<1x256x100xi32, #tpu.memory_space<hbm>> -> memref<256x100xi32, #tpu.memory_space<hbm>>
      tpu.wait_dma2 semaphore(%run_scoped3A : memref<!tpu.dma_semaphore, #tpu.memory_space<semaphore_mem>>) src(%dma_wait3A_510 : memref<256x100xi32, #tpu.memory_space<hbm>>) dst(%arg5 : memref<256x100xi32, #tpu.memory_space<vmem>>)
      tpu.yield
    }) : () -> ()
    %dma_start3A = arith.constant 0 : i32
    %dma_start3A_1 = arith.constant 0 : i32
    %dma_start3A_2 = tpu.memref_slice %arg5[%dma_start3A, %dma_start3A_1] : memref<256x100xi32, #tpu.memory_space<vmem>> -> memref<1x100xi32, #tpu.memory_space<vmem>>
    %dma_start3A_3 = tpu.memref_squeeze %dma_start3A_2 : memref<1x100xi32, #tpu.memory_space<vmem>> -> memref<100xi32, #tpu.memory_space<vmem>>
    %dma_start3A_4 = arith.constant 0 : i32
    %dma_start3A_5 = arith.constant 0 : i32
    %dma_start3A_6 = tpu.memref_slice %arg2[%dma_start3A_4, %dma_start3A_5] : memref<1000000x128xf32, #tpu.memory_space<hbm>> -> memref<1000000x128xf32, #tpu.memory_space<hbm>>
    tpu.enqueue_indirect_dma source(%dma_start3A_6 : memref<1000000x128xf32, #tpu.memory_space<hbm>>) target(%arg6 : memref<100x128xf32, #tpu.memory_space<vmem>>) offsets(%dma_start3A_3 : memref<100xi32, #tpu.memory_space<vmem>>) semaphore(%arg13 : memref<!tpu.dma_semaphore, #tpu.memory_space<semaphore_mem>>)
    %dma_start3A_7 = arith.constant 1 : i32
    %dma_start3A_8 = arith.constant 0 : i32
    %dma_start3A_9 = tpu.memref_slice %arg5[%dma_start3A_7, %dma_start3A_8] : memref<256x100xi32, #tpu.memory_space<vmem>> -> memref<1x100xi32, #tpu.memory_space<vmem>>
    %dma_start3A_10 = tpu.memref_squeeze %dma_start3A_9 : memref<1x100xi32, #tpu.memory_space<vmem>> -> memref<100xi32, #tpu.memory_space<vmem>>
    %dma_start3A_11 = arith.constant 0 : i32
    %dma_start3A_12 = arith.constant 0 : i32
    %dma_start3A_13 = tpu.memref_slice %arg2[%dma_start3A_11, %dma_start3A_12] : memref<1000000x128xf32, #tpu.memory_space<hbm>> -> memref<1000000x128xf32, #tpu.memory_space<hbm>>
    tpu.enqueue_indirect_dma source(%dma_start3A_13 : memref<1000000x128xf32, #tpu.memory_space<hbm>>) target(%arg7 : memref<100x128xf32, #tpu.memory_space<vmem>>) offsets(%dma_start3A_10 : memref<100xi32, #tpu.memory_space<vmem>>) semaphore(%arg14 : memref<!tpu.dma_semaphore, #tpu.memory_space<semaphore_mem>>)
    %dma_start3A_14 = arith.constant 2 : i32
    %dma_start3A_15 = arith.constant 0 : i32
    %dma_start3A_16 = tpu.memref_slice %arg5[%dma_start3A_14, %dma_start3A_15] : memref<256x100xi32, #tpu.memory_space<vmem>> -> memref<1x100xi32, #tpu.memory_space<vmem>>
    %dma_start3A_17 = tpu.memref_squeeze %dma_start3A_16 : memref<1x100xi32, #tpu.memory_space<vmem>> -> memref<100xi32, #tpu.memory_space<vmem>>
    %dma_start3A_18 = arith.constant 0 : i32
    %dma_start3A_19 = arith.constant 0 : i32
    %dma_start3A_20 = tpu.memref_slice %arg2[%dma_start3A_18, %dma_start3A_19] : memref<1000000x128xf32, #tpu.memory_space<hbm>> -> memref<1000000x128xf32, #tpu.memory_space<hbm>>
    tpu.enqueue_indirect_dma source(%dma_start3A_20 : memref<1000000x128xf32, #tpu.memory_space<hbm>>) target(%arg8 : memref<100x128xf32, #tpu.memory_space<vmem>>) offsets(%dma_start3A_17 : memref<100xi32, #tpu.memory_space<vmem>>) semaphore(%arg15 : memref<!tpu.dma_semaphore, #tpu.memory_space<semaphore_mem>>)
    %dma_start3A_21 = arith.constant 3 : i32
    %dma_start3A_22 = arith.constant 0 : i32
    %dma_start3A_23 = tpu.memref_slice %arg5[%dma_start3A_21, %dma_start3A_22] : memref<256x100xi32, #tpu.memory_space<vmem>> -> memref<1x100xi32, #tpu.memory_space<vmem>>
    %dma_start3A_24 = tpu.memref_squeeze %dma_start3A_23 : memref<1x100xi32, #tpu.memory_space<vmem>> -> memref<100xi32, #tpu.memory_space<vmem>>
    %dma_start3A_25 = arith.constant 0 : i32
    %dma_start3A_26 = arith.constant 0 : i32
    %dma_start3A_27 = tpu.memref_slice %arg2[%dma_start3A_25, %dma_start3A_26] : memref<1000000x128xf32, #tpu.memory_space<hbm>> -> memref<1000000x128xf32, #tpu.memory_space<hbm>>
    tpu.enqueue_indirect_dma source(%dma_start3A_27 : memref<1000000x128xf32, #tpu.memory_space<hbm>>) target(%arg9 : memref<100x128xf32, #tpu.memory_space<vmem>>) offsets(%dma_start3A_24 : memref<100xi32, #tpu.memory_space<vmem>>) semaphore(%arg16 : memref<!tpu.dma_semaphore, #tpu.memory_space<semaphore_mem>>)
    %dma_start3A_28 = arith.constant 4 : i32
    %dma_start3A_29 = arith.constant 0 : i32
    %dma_start3A_30 = tpu.memref_slice %arg5[%dma_start3A_28, %dma_start3A_29] : memref<256x100xi32, #tpu.memory_space<vmem>> -> memref<1x100xi32, #tpu.memory_space<vmem>>
    %dma_start3A_31 = tpu.memref_squeeze %dma_start3A_30 : memref<1x100xi32, #tpu.memory_space<vmem>> -> memref<100xi32, #tpu.memory_space<vmem>>
    %dma_start3A_32 = arith.constant 0 : i32
    %dma_start3A_33 = arith.constant 0 : i32
    %dma_start3A_34 = tpu.memref_slice %arg2[%dma_start3A_32, %dma_start3A_33] : memref<1000000x128xf32, #tpu.memory_space<hbm>> -> memref<1000000x128xf32, #tpu.memory_space<hbm>>
    tpu.enqueue_indirect_dma source(%dma_start3A_34 : memref<1000000x128xf32, #tpu.memory_space<hbm>>) target(%arg10 : memref<100x128xf32, #tpu.memory_space<vmem>>) offsets(%dma_start3A_31 : memref<100xi32, #tpu.memory_space<vmem>>) semaphore(%arg17 : memref<!tpu.dma_semaphore, #tpu.memory_space<semaphore_mem>>)
    %dma_start3A_35 = arith.constant 5 : i32
    %dma_start3A_36 = arith.constant 0 : i32
    %dma_start3A_37 = tpu.memref_slice %arg5[%dma_start3A_35, %dma_start3A_36] : memref<256x100xi32, #tpu.memory_space<vmem>> -> memref<1x100xi32, #tpu.memory_space<vmem>>
    %dma_start3A_38 = tpu.memref_squeeze %dma_start3A_37 : memref<1x100xi32, #tpu.memory_space<vmem>> -> memref<100xi32, #tpu.memory_space<vmem>>
    %dma_start3A_39 = arith.constant 0 : i32
    %dma_start3A_40 = arith.constant 0 : i32
    %dma_start3A_41 = tpu.memref_slice %arg2[%dma_start3A_39, %dma_start3A_40] : memref<1000000x128xf32, #tpu.memory_space<hbm>> -> memref<1000000x128xf32, #tpu.memory_space<hbm>>
    tpu.enqueue_indirect_dma source(%dma_start3A_41 : memref<1000000x128xf32, #tpu.memory_space<hbm>>) target(%arg11 : memref<100x128xf32, #tpu.memory_space<vmem>>) offsets(%dma_start3A_38 : memref<100xi32, #tpu.memory_space<vmem>>) semaphore(%arg18 : memref<!tpu.dma_semaphore, #tpu.memory_space<semaphore_mem>>)
    %scan3A = arith.constant 0 : i32
    %scan3A_42 = arith.constant 0 : i32
    %scan3A_43 = arith.constant 42 : i32
    %scan3A_44 = arith.addi %scan3A_42, %scan3A_43 : i32
    %scan3A_45 = arith.constant 1 : i32
    scf.for %scan3A_495 = %scan3A_42 to %scan3A_44 step %scan3A_45  : i32 {
      %mul3A_496 = arith.constant 6 : i32
      %mul3A_497 = arith.muli %mul3A_496, %scan3A_495 : i32
      %add3A_498 = arith.constant 0 : i32
      %add3A_499 = arith.addi %mul3A_497, %add3A_498 : i32
      %jit3A = arith.constant 2 : i32
      %div3A = arith.divsi %add3A_499, %jit3A : i32
      %sign3A = arith.constant 0 : i32
      %sign3A_500 = arith.cmpi sgt, %add3A_499, %sign3A : i32
      %sign3A_501 = arith.extui %sign3A_500 : i1 to i32
      %sign3A_502 = arith.constant 0 : i32
      %sign3A_503 = arith.cmpi slt, %add3A_499, %sign3A_502 : i32
      %sign3A_504 = arith.extui %sign3A_503 : i1 to i32
      %sign3A_505 = arith.subi %sign3A_501, %sign3A_504 : i32
      %sign3A_506 = arith.constant 0 : i32
      %sign3A_507 = arith.cmpi sgt, %jit3A, %sign3A_506 : i32
      %sign3A_508 = arith.extui %sign3A_507 : i1 to i32
      %sign3A_509 = arith.constant 0 : i32
      %sign3A_510 = arith.cmpi slt, %jit3A, %sign3A_509 : i32
      %sign3A_511 = arith.extui %sign3A_510 : i1 to i32
      %sign3A_512 = arith.subi %sign3A_508, %sign3A_511 : i32
      %ne3A = arith.cmpi ne, %sign3A_505, %sign3A_512 : i32
      %rem3A = arith.remsi %add3A_499, %jit3A : i32
      %ne3A_513 = arith.constant 0 : i32
      %ne3A_514 = arith.cmpi ne, %rem3A, %ne3A_513 : i32
      %and3A = arith.andi %ne3A, %ne3A_514 : i1
      %sub3A = arith.constant 1 : i32
      %sub3A_515 = arith.subi %div3A, %sub3A : i32
      %select_n3A = arith.select %and3A, %sub3A_515, %div3A : i32
      %dma_wait3A_516 = arith.constant 0 : i32
      %dma_wait3A_517 = arith.constant 0 : i32
      %dma_wait3A_518 = tpu.memref_slice %arg5[%dma_wait3A_516, %dma_wait3A_517] : memref<256x100xi32, #tpu.memory_space<vmem>> -> memref<1x100xi32, #tpu.memory_space<vmem>>
      %dma_wait3A_519 = tpu.memref_squeeze %dma_wait3A_518 : memref<1x100xi32, #tpu.memory_space<vmem>> -> memref<100xi32, #tpu.memory_space<vmem>>
      %dma_wait3A_520 = arith.constant 0 : i32
      %dma_wait3A_521 = arith.constant 0 : i32
      %dma_wait3A_522 = tpu.memref_slice %arg2[%dma_wait3A_520, %dma_wait3A_521] : memref<1000000x128xf32, #tpu.memory_space<hbm>> -> memref<1000000x128xf32, #tpu.memory_space<hbm>>
      tpu.wait_indirect_dma semaphore(%arg13 : memref<!tpu.dma_semaphore, #tpu.memory_space<semaphore_mem>>) src(%dma_wait3A_522 : memref<1000000x128xf32, #tpu.memory_space<hbm>>) dst(%arg6 : memref<100x128xf32, #tpu.memory_space<vmem>>)
      %broadcast_in_dim3A_523 = arith.constant 0.000000e+00 : f32
      %broadcast_in_dim3A_524 = vector.broadcast %broadcast_in_dim3A_523 : f32 to vector<16xf32>
      %broadcast_in_dim3A_525 = arith.constant 0.000000e+00 : f32
      %broadcast_in_dim3A_526 = vector.broadcast %broadcast_in_dim3A_525 : f32 to vector<16xf32>
      %broadcast_in_dim3A_527 = arith.constant 0.000000e+00 : f32
      %broadcast_in_dim3A_528 = vector.broadcast %broadcast_in_dim3A_527 : f32 to vector<16xf32>
      %broadcast_in_dim3A_529 = arith.constant 0.000000e+00 : f32
      %broadcast_in_dim3A_530 = vector.broadcast %broadcast_in_dim3A_529 : f32 to vector<16xf32>
      %broadcast_in_dim3A_531 = arith.constant 0.000000e+00 : f32
      %broadcast_in_dim3A_532 = vector.broadcast %broadcast_in_dim3A_531 : f32 to vector<16xf32>
      %broadcast_in_dim3A_533 = arith.constant 0.000000e+00 : f32
      %broadcast_in_dim3A_534 = vector.broadcast %broadcast_in_dim3A_533 : f32 to vector<16xf32>
      %broadcast_in_dim3A_535 = arith.constant 0.000000e+00 : f32
      %broadcast_in_dim3A_536 = vector.broadcast %broadcast_in_dim3A_535 : f32 to vector<16xf32>
      %broadcast_in_dim3A_537 = arith.constant 0.000000e+00 : f32
      %broadcast_in_dim3A_538 = vector.broadcast %broadcast_in_dim3A_537 : f32 to vector<16xf32>
      %scan3A_539 = arith.constant 0 : i32
      %scan3A_540 = arith.constant 100 : i32
      %scan3A_541 = arith.addi %scan3A_539, %scan3A_540 : i32
      %scan3A_542 = arith.constant 2 : i32
      %scan3A_543:8 = scf.for %scan3A_1301 = %scan3A_539 to %scan3A_541 step %scan3A_542 iter_args(%scan3A_1302 = %broadcast_in_dim3A_524, %scan3A_1303 = %broadcast_in_dim3A_526, %scan3A_1304 = %broadcast_in_dim3A_528, %scan3A_1305 = %broadcast_in_dim3A_530, %scan3A_1306 = %broadcast_in_dim3A_532, %scan3A_1307 = %broadcast_in_dim3A_534, %scan3A_1308 = %broadcast_in_dim3A_536, %scan3A_1309 = %broadcast_in_dim3A_538) -> (vector<16xf32>, vector<16xf32>, vector<16xf32>, vector<16xf32>, vector<16xf32>, vector<16xf32>, vector<16xf32>, vector<16xf32>)  : i32 {
        %get3A_1310 = arith.index_cast %scan3A_1301 : i32 to index
        %get3A_1311 = arith.constant 0 : index
        %get3A_1312 = tpu.vector_load %arg6[%get3A_1310, %get3A_1311] {strides = array<i32>} : memref<100x128xf32, #tpu.memory_space<vmem>>, vector<1x16xf32>,
        %get3A_1313 = vector.shape_cast %get3A_1312 : vector<1x16xf32> to vector<16xf32>
        %add3A_1314 = arith.addf %scan3A_1302, %get3A_1313 : vector<16xf32>
        %get3A_1315 = arith.index_cast %scan3A_1301 : i32 to index
        %get3A_1316 = arith.constant 16 : index
        %get3A_1317 = tpu.vector_load %arg6[%get3A_1315, %get3A_1316] {strides = array<i32>} : memref<100x128xf32, #tpu.memory_space<vmem>>, vector<1x16xf32>,
        %get3A_1318 = vector.shape_cast %get3A_1317 : vector<1x16xf32> to vector<16xf32>
        %add3A_1319 = arith.addf %scan3A_1303, %get3A_1318 : vector<16xf32>
        %get3A_1320 = arith.index_cast %scan3A_1301 : i32 to index
        %get3A_1321 = arith.constant 32 : index
        %get3A_1322 = tpu.vector_load %arg6[%get3A_1320, %get3A_1321] {strides = array<i32>} : memref<100x128xf32, #tpu.memory_space<vmem>>, vector<1x16xf32>,
        %get3A_1323 = vector.shape_cast %get3A_1322 : vector<1x16xf32> to vector<16xf32>
        %add3A_1324 = arith.addf %scan3A_1304, %get3A_1323 : vector<16xf32>
        %get3A_1325 = arith.index_cast %scan3A_1301 : i32 to index
        %get3A_1326 = arith.constant 48 : index
        %get3A_1327 = tpu.vector_load %arg6[%get3A_1325, %get3A_1326] {strides = array<i32>} : memref<100x128xf32, #tpu.memory_space<vmem>>, vector<1x16xf32>,
        %get3A_1328 = vector.shape_cast %get3A_1327 : vector<1x16xf32> to vector<16xf32>
        %add3A_1329 = arith.addf %scan3A_1305, %get3A_1328 : vector<16xf32>
        %get3A_1330 = arith.index_cast %scan3A_1301 : i32 to index
        %get3A_1331 = arith.constant 64 : index
        %get3A_1332 = tpu.vector_load %arg6[%get3A_1330, %get3A_1331] {strides = array<i32>} : memref<100x128xf32, #tpu.memory_space<vmem>>, vector<1x16xf32>,
        %get3A_1333 = vector.shape_cast %get3A_1332 : vector<1x16xf32> to vector<16xf32>
        %add3A_1334 = arith.addf %scan3A_1306, %get3A_1333 : vector<16xf32>
        %get3A_1335 = arith.index_cast %scan3A_1301 : i32 to index
        %get3A_1336 = arith.constant 80 : index
        %get3A_1337 = tpu.vector_load %arg6[%get3A_1335, %get3A_1336] {strides = array<i32>} : memref<100x128xf32, #tpu.memory_space<vmem>>, vector<1x16xf32>,
        %get3A_1338 = vector.shape_cast %get3A_1337 : vector<1x16xf32> to vector<16xf32>
        %add3A_1339 = arith.addf %scan3A_1307, %get3A_1338 : vector<16xf32>
        %get3A_1340 = arith.index_cast %scan3A_1301 : i32 to index
        %get3A_1341 = arith.constant 96 : index
        %get3A_1342 = tpu.vector_load %arg6[%get3A_1340, %get3A_1341] {strides = array<i32>} : memref<100x128xf32, #tpu.memory_space<vmem>>, vector<1x16xf32>,
        %get3A_1343 = vector.shape_cast %get3A_1342 : vector<1x16xf32> to vector<16xf32>
        %add3A_1344 = arith.addf %scan3A_1308, %get3A_1343 : vector<16xf32>
        %get3A_1345 = arith.index_cast %scan3A_1301 : i32 to index
        %get3A_1346 = arith.constant 112 : index
        %get3A_1347 = tpu.vector_load %arg6[%get3A_1345, %get3A_1346] {strides = array<i32>} : memref<100x128xf32, #tpu.memory_space<vmem>>, vector<1x16xf32>,
        %get3A_1348 = vector.shape_cast %get3A_1347 : vector<1x16xf32> to vector<16xf32>
        %add3A_1349 = arith.addf %scan3A_1309, %get3A_1348 : vector<16xf32>
        %scan3A_1350 = arith.constant 1 : i32
        %scan3A_1351 = arith.addi %scan3A_1301, %scan3A_1350 : i32
        %get3A_1352 = arith.index_cast %scan3A_1351 : i32 to index
        %get3A_1353 = arith.constant 0 : index
        %get3A_1354 = tpu.vector_load %arg6[%get3A_1352, %get3A_1353] {strides = array<i32>} : memref<100x128xf32, #tpu.memory_space<vmem>>, vector<1x16xf32>,
        %get3A_1355 = vector.shape_cast %get3A_1354 : vector<1x16xf32> to vector<16xf32>
        %add3A_1356 = arith.addf %add3A_1314, %get3A_1355 : vector<16xf32>
        %get3A_1357 = arith.index_cast %scan3A_1351 : i32 to index
        %get3A_1358 = arith.constant 16 : index
        %get3A_1359 = tpu.vector_load %arg6[%get3A_1357, %get3A_1358] {strides = array<i32>} : memref<100x128xf32, #tpu.memory_space<vmem>>, vector<1x16xf32>,
        %get3A_1360 = vector.shape_cast %get3A_1359 : vector<1x16xf32> to vector<16xf32>
        %add3A_1361 = arith.addf %add3A_1319, %get3A_1360 : vector<16xf32>
        %get3A_1362 = arith.index_cast %scan3A_1351 : i32 to index
        %get3A_1363 = arith.constant 32 : index
        %get3A_1364 = tpu.vector_load %arg6[%get3A_1362, %get3A_1363] {strides = array<i32>} : memref<100x128xf32, #tpu.memory_space<vmem>>, vector<1x16xf32>,
        %get3A_1365 = vector.shape_cast %get3A_1364 : vector<1x16xf32> to vector<16xf32>
        %add3A_1366 = arith.addf %add3A_1324, %get3A_1365 : vector<16xf32>
        %get3A_1367 = arith.index_cast %scan3A_1351 : i32 to index
        %get3A_1368 = arith.constant 48 : index
        %get3A_1369 = tpu.vector_load %arg6[%get3A_1367, %get3A_1368] {strides = array<i32>} : memref<100x128xf32, #tpu.memory_space<vmem>>, vector<1x16xf32>,
        %get3A_1370 = vector.shape_cast %get3A_1369 : vector<1x16xf32> to vector<16xf32>
        %add3A_1371 = arith.addf %add3A_1329, %get3A_1370 : vector<16xf32>
        %get3A_1372 = arith.index_cast %scan3A_1351 : i32 to index
        %get3A_1373 = arith.constant 64 : index
        %get3A_1374 = tpu.vector_load %arg6[%get3A_1372, %get3A_1373] {strides = array<i32>} : memref<100x128xf32, #tpu.memory_space<vmem>>, vector<1x16xf32>,
        %get3A_1375 = vector.shape_cast %get3A_1374 : vector<1x16xf32> to vector<16xf32>
        %add3A_1376 = arith.addf %add3A_1334, %get3A_1375 : vector<16xf32>
        %get3A_1377 = arith.index_cast %scan3A_1351 : i32 to index
        %get3A_1378 = arith.constant 80 : index
        %get3A_1379 = tpu.vector_load %arg6[%get3A_1377, %get3A_1378] {strides = array<i32>} : memref<100x128xf32, #tpu.memory_space<vmem>>, vector<1x16xf32>,
        %get3A_1380 = vector.shape_cast %get3A_1379 : vector<1x16xf32> to vector<16xf32>
        %add3A_1381 = arith.addf %add3A_1339, %get3A_1380 : vector<16xf32>
        %get3A_1382 = arith.index_cast %scan3A_1351 : i32 to index
        %get3A_1383 = arith.constant 96 : index
        %get3A_1384 = tpu.vector_load %arg6[%get3A_1382, %get3A_1383] {strides = array<i32>} : memref<100x128xf32, #tpu.memory_space<vmem>>, vector<1x16xf32>,
        %get3A_1385 = vector.shape_cast %get3A_1384 : vector<1x16xf32> to vector<16xf32>
        %add3A_1386 = arith.addf %add3A_1344, %get3A_1385 : vector<16xf32>
        %get3A_1387 = arith.index_cast %scan3A_1351 : i32 to index
        %get3A_1388 = arith.constant 112 : index
        %get3A_1389 = tpu.vector_load %arg6[%get3A_1387, %get3A_1388] {strides = array<i32>} : memref<100x128xf32, #tpu.memory_space<vmem>>, vector<1x16xf32>,
        %get3A_1390 = vector.shape_cast %get3A_1389 : vector<1x16xf32> to vector<16xf32>
        %add3A_1391 = arith.addf %add3A_1349, %get3A_1390 : vector<16xf32>
        scf.yield %add3A_1356, %add3A_1361, %add3A_1366, %add3A_1371, %add3A_1376, %add3A_1381, %add3A_1386, %add3A_1391 : vector<16xf32>, vector<16xf32>, vector<16xf32>, vector<16xf32>, vector<16xf32>, vector<16xf32>, vector<16xf32>, vector<16xf32>
      }
      %scan3A_544 = arith.constant 100 : i32
      %swap3A_545 = arith.index_cast %select_n3A : i32 to index
      %swap3A_546 = arith.constant 0 : index
      %swap3A_547 = tpu.vector_load %arg12[%swap3A_545, %swap3A_546] {strides = array<i32>} : memref<128x128xf32, #tpu.memory_space<vmem>>, vector<1x16xf32>,
      %swap3A_548 = vector.shape_cast %swap3A_547 : vector<1x16xf32> to vector<16xf32>
      %swap3A_549 = vector.shape_cast %scan3A_543#0 : vector<16xf32> to vector<1x16xf32>
      tpu.vector_store %arg12[%swap3A_545, %swap3A_546], %swap3A_549 {strides = array<i32>} : memref<128x128xf32, #tpu.memory_space<vmem>>, vector<1x16xf32>,
      %swap3A_550 = arith.index_cast %select_n3A : i32 to index
      %swap3A_551 = arith.constant 16 : index
      %swap3A_552 = tpu.vector_load %arg12[%swap3A_550, %swap3A_551] {strides = array<i32>} : memref<128x128xf32, #tpu.memory_space<vmem>>, vector<1x16xf32>,
      %swap3A_553 = vector.shape_cast %swap3A_552 : vector<1x16xf32> to vector<16xf32>
      %swap3A_554 = vector.shape_cast %scan3A_543#1 : vector<16xf32> to vector<1x16xf32>
      tpu.vector_store %arg12[%swap3A_550, %swap3A_551], %swap3A_554 {strides = array<i32>} : memref<128x128xf32, #tpu.memory_space<vmem>>, vector<1x16xf32>,
      %swap3A_555 = arith.index_cast %select_n3A : i32 to index
      %swap3A_556 = arith.constant 32 : index
      %swap3A_557 = tpu.vector_load %arg12[%swap3A_555, %swap3A_556] {strides = array<i32>} : memref<128x128xf32, #tpu.memory_space<vmem>>, vector<1x16xf32>,
      %swap3A_558 = vector.shape_cast %swap3A_557 : vector<1x16xf32> to vector<16xf32>
      %swap3A_559 = vector.shape_cast %scan3A_543#2 : vector<16xf32> to vector<1x16xf32>
      tpu.vector_store %arg12[%swap3A_555, %swap3A_556], %swap3A_559 {strides = array<i32>} : memref<128x128xf32, #tpu.memory_space<vmem>>, vector<1x16xf32>,
      %swap3A_560 = arith.index_cast %select_n3A : i32 to index
      %swap3A_561 = arith.constant 48 : index
      %swap3A_562 = tpu.vector_load %arg12[%swap3A_560, %swap3A_561] {strides = array<i32>} : memref<128x128xf32, #tpu.memory_space<vmem>>, vector<1x16xf32>,
      %swap3A_563 = vector.shape_cast %swap3A_562 : vector<1x16xf32> to vector<16xf32>
      %swap3A_564 = vector.shape_cast %scan3A_543#3 : vector<16xf32> to vector<1x16xf32>
      tpu.vector_store %arg12[%swap3A_560, %swap3A_561], %swap3A_564 {strides = array<i32>} : memref<128x128xf32, #tpu.memory_space<vmem>>, vector<1x16xf32>,
      %swap3A_565 = arith.index_cast %select_n3A : i32 to index
      %swap3A_566 = arith.constant 64 : index
      %swap3A_567 = tpu.vector_load %arg12[%swap3A_565, %swap3A_566] {strides = array<i32>} : memref<128x128xf32, #tpu.memory_space<vmem>>, vector<1x16xf32>,
      %swap3A_568 = vector.shape_cast %swap3A_567 : vector<1x16xf32> to vector<16xf32>
      %swap3A_569 = vector.shape_cast %scan3A_543#4 : vector<16xf32> to vector<1x16xf32>
      tpu.vector_store %arg12[%swap3A_565, %swap3A_566], %swap3A_569 {strides = array<i32>} : memref<128x128xf32, #tpu.memory_space<vmem>>, vector<1x16xf32>,
      %swap3A_570 = arith.index_cast %select_n3A : i32 to index
      %swap3A_571 = arith.constant 80 : index
      %swap3A_572 = tpu.vector_load %arg12[%swap3A_570, %swap3A_571] {strides = array<i32>} : memref<128x128xf32, #tpu.memory_space<vmem>>, vector<1x16xf32>,
      %swap3A_573 = vector.shape_cast %swap3A_572 : vector<1x16xf32> to vector<16xf32>
      %swap3A_574 = vector.shape_cast %scan3A_543#5 : vector<16xf32> to vector<1x16xf32>
      tpu.vector_store %arg12[%swap3A_570, %swap3A_571], %swap3A_574 {strides = array<i32>} : memref<128x128xf32, #tpu.memory_space<vmem>>, vector<1x16xf32>,
      %swap3A_575 = arith.index_cast %select_n3A : i32 to index
      %swap3A_576 = arith.constant 96 : index
      %swap3A_577 = tpu.vector_load %arg12[%swap3A_575, %swap3A_576] {strides = array<i32>} : memref<128x128xf32, #tpu.memory_space<vmem>>, vector<1x16xf32>,
      %swap3A_578 = vector.shape_cast %swap3A_577 : vector<1x16xf32> to vector<16xf32>
      %swap3A_579 = vector.shape_cast %scan3A_543#6 : vector<16xf32> to vector<1x16xf32>
      tpu.vector_store %arg12[%swap3A_575, %swap3A_576], %swap3A_579 {strides = array<i32>} : memref<128x128xf32, #tpu.memory_space<vmem>>, vector<1x16xf32>,
      %swap3A_580 = arith.index_cast %select_n3A : i32 to index
      %swap3A_581 = arith.constant 112 : index
      %swap3A_582 = tpu.vector_load %arg12[%swap3A_580, %swap3A_581] {strides = array<i32>} : memref<128x128xf32, #tpu.memory_space<vmem>>, vector<1x16xf32>,
      %swap3A_583 = vector.shape_cast %swap3A_582 : vector<1x16xf32> to vector<16xf32>
      %swap3A_584 = vector.shape_cast %scan3A_543#7 : vector<16xf32> to vector<1x16xf32>
      tpu.vector_store %arg12[%swap3A_580, %swap3A_581], %swap3A_584 {strides = array<i32>} : memref<128x128xf32, #tpu.memory_space<vmem>>, vector<1x16xf32>,
      %add3A_585 = arith.constant 6 : i32
      %add3A_586 = arith.addi %add3A_499, %add3A_585 : i32
      %lt3A = arith.constant 256 : i32
      %lt3A_587 = arith.cmpi slt, %add3A_586, %lt3A : i32
      %convert_element_type3A = arith.extui %lt3A_587 : i1 to i32
      %cond3A = arith.constant 0 : i32
      %cond3A_588 = arith.cmpi ne, %convert_element_type3A, %cond3A : i32
      scf.if %cond3A_588 {
        %add3A_1301 = arith.constant 6 : i32
        %add3A_1302 = arith.addi %add3A_499, %add3A_1301 : i32
        %dma_start3A_1303 = arith.constant 0 : i32
        %dma_start3A_1304 = tpu.memref_slice %arg5[%add3A_1302, %dma_start3A_1303] : memref<256x100xi32, #tpu.memory_space<vmem>> -> memref<1x100xi32, #tpu.memory_space<vmem>>
        %dma_start3A_1305 = tpu.memref_squeeze %dma_start3A_1304 : memref<1x100xi32, #tpu.memory_space<vmem>> -> memref<100xi32, #tpu.memory_space<vmem>>
        %dma_start3A_1306 = arith.constant 0 : i32
        %dma_start3A_1307 = arith.constant 0 : i32
        %dma_start3A_1308 = tpu.memref_slice %arg2[%dma_start3A_1306, %dma_start3A_1307] : memref<1000000x128xf32, #tpu.memory_space<hbm>> -> memref<1000000x128xf32, #tpu.memory_space<hbm>>
        tpu.enqueue_indirect_dma source(%dma_start3A_1308 : memref<1000000x128xf32, #tpu.memory_space<hbm>>) target(%arg6 : memref<100x128xf32, #tpu.memory_space<vmem>>) offsets(%dma_start3A_1305 : memref<100xi32, #tpu.memory_space<vmem>>) semaphore(%arg13 : memref<!tpu.dma_semaphore, #tpu.memory_space<semaphore_mem>>)
      } else {
      }
      %mul3A_589 = arith.constant 6 : i32
      %mul3A_590 = arith.muli %mul3A_589, %scan3A_495 : i32
      %add3A_591 = arith.constant 1 : i32
      %add3A_592 = arith.addi %mul3A_590, %add3A_591 : i32
      %jit3A_593 = arith.constant 2 : i32
      %div3A_594 = arith.divsi %add3A_592, %jit3A_593 : i32
      %sign3A_595 = arith.constant 0 : i32
      %sign3A_596 = arith.cmpi sgt, %add3A_592, %sign3A_595 : i32
      %sign3A_597 = arith.extui %sign3A_596 : i1 to i32
      %sign3A_598 = arith.constant 0 : i32
      %sign3A_599 = arith.cmpi slt, %add3A_592, %sign3A_598 : i32
      %sign3A_600 = arith.extui %sign3A_599 : i1 to i32
      %sign3A_601 = arith.subi %sign3A_597, %sign3A_600 : i32
      %sign3A_602 = arith.constant 0 : i32
      %sign3A_603 = arith.cmpi sgt, %jit3A_593, %sign3A_602 : i32
      %sign3A_604 = arith.extui %sign3A_603 : i1 to i32
      %sign3A_605 = arith.constant 0 : i32
      %sign3A_606 = arith.cmpi slt, %jit3A_593, %sign3A_605 : i32
      %sign3A_607 = arith.extui %sign3A_606 : i1 to i32
      %sign3A_608 = arith.subi %sign3A_604, %sign3A_607 : i32
      %ne3A_609 = arith.cmpi ne, %sign3A_601, %sign3A_608 : i32
      %rem3A_610 = arith.remsi %add3A_592, %jit3A_593 : i32
      %ne3A_611 = arith.constant 0 : i32
      %ne3A_612 = arith.cmpi ne, %rem3A_610, %ne3A_611 : i32
      %and3A_613 = arith.andi %ne3A_609, %ne3A_612 : i1
      %sub3A_614 = arith.constant 1 : i32
      %sub3A_615 = arith.subi %div3A_594, %sub3A_614 : i32
      %select_n3A_616 = arith.select %and3A_613, %sub3A_615, %div3A_594 : i32
      %dma_wait3A_617 = arith.constant 0 : i32
      %dma_wait3A_618 = arith.constant 0 : i32
      %dma_wait3A_619 = tpu.memref_slice %arg5[%dma_wait3A_617, %dma_wait3A_618] : memref<256x100xi32, #tpu.memory_space<vmem>> -> memref<1x100xi32, #tpu.memory_space<vmem>>
      %dma_wait3A_620 = tpu.memref_squeeze %dma_wait3A_619 : memref<1x100xi32, #tpu.memory_space<vmem>> -> memref<100xi32, #tpu.memory_space<vmem>>
      %dma_wait3A_621 = arith.constant 0 : i32
      %dma_wait3A_622 = arith.constant 0 : i32
      %dma_wait3A_623 = tpu.memref_slice %arg2[%dma_wait3A_621, %dma_wait3A_622] : memref<1000000x128xf32, #tpu.memory_space<hbm>> -> memref<1000000x128xf32, #tpu.memory_space<hbm>>
      tpu.wait_indirect_dma semaphore(%arg14 : memref<!tpu.dma_semaphore, #tpu.memory_space<semaphore_mem>>) src(%dma_wait3A_623 : memref<1000000x128xf32, #tpu.memory_space<hbm>>) dst(%arg7 : memref<100x128xf32, #tpu.memory_space<vmem>>)
      %broadcast_in_dim3A_624 = arith.constant 0.000000e+00 : f32
      %broadcast_in_dim3A_625 = vector.broadcast %broadcast_in_dim3A_624 : f32 to vector<16xf32>
      %broadcast_in_dim3A_626 = arith.constant 0.000000e+00 : f32
      %broadcast_in_dim3A_627 = vector.broadcast %broadcast_in_dim3A_626 : f32 to vector<16xf32>
      %broadcast_in_dim3A_628 = arith.constant 0.000000e+00 : f32
      %broadcast_in_dim3A_629 = vector.broadcast %broadcast_in_dim3A_628 : f32 to vector<16xf32>
      %broadcast_in_dim3A_630 = arith.constant 0.000000e+00 : f32
      %broadcast_in_dim3A_631 = vector.broadcast %broadcast_in_dim3A_630 : f32 to vector<16xf32>
      %broadcast_in_dim3A_632 = arith.constant 0.000000e+00 : f32
      %broadcast_in_dim3A_633 = vector.broadcast %broadcast_in_dim3A_632 : f32 to vector<16xf32>
      %broadcast_in_dim3A_634 = arith.constant 0.000000e+00 : f32
      %broadcast_in_dim3A_635 = vector.broadcast %broadcast_in_dim3A_634 : f32 to vector<16xf32>
      %broadcast_in_dim3A_636 = arith.constant 0.000000e+00 : f32
      %broadcast_in_dim3A_637 = vector.broadcast %broadcast_in_dim3A_636 : f32 to vector<16xf32>
      %broadcast_in_dim3A_638 = arith.constant 0.000000e+00 : f32
      %broadcast_in_dim3A_639 = vector.broadcast %broadcast_in_dim3A_638 : f32 to vector<16xf32>
      %scan3A_640 = arith.constant 0 : i32
      %scan3A_641 = arith.constant 100 : i32
      %scan3A_642 = arith.addi %scan3A_640, %scan3A_641 : i32
      %scan3A_643 = arith.constant 2 : i32
      %scan3A_644:8 = scf.for %scan3A_1301 = %scan3A_640 to %scan3A_642 step %scan3A_643 iter_args(%scan3A_1302 = %broadcast_in_dim3A_625, %scan3A_1303 = %broadcast_in_dim3A_627, %scan3A_1304 = %broadcast_in_dim3A_629, %scan3A_1305 = %broadcast_in_dim3A_631, %scan3A_1306 = %broadcast_in_dim3A_633, %scan3A_1307 = %broadcast_in_dim3A_635, %scan3A_1308 = %broadcast_in_dim3A_637, %scan3A_1309 = %broadcast_in_dim3A_639) -> (vector<16xf32>, vector<16xf32>, vector<16xf32>, vector<16xf32>, vector<16xf32>, vector<16xf32>, vector<16xf32>, vector<16xf32>)  : i32 {
        %get3A_1310 = arith.index_cast %scan3A_1301 : i32 to index
        %get3A_1311 = arith.constant 0 : index
        %get3A_1312 = tpu.vector_load %arg7[%get3A_1310, %get3A_1311] {strides = array<i32>} : memref<100x128xf32, #tpu.memory_space<vmem>>, vector<1x16xf32>,
        %get3A_1313 = vector.shape_cast %get3A_1312 : vector<1x16xf32> to vector<16xf32>
        %add3A_1314 = arith.addf %scan3A_1302, %get3A_1313 : vector<16xf32>
        %get3A_1315 = arith.index_cast %scan3A_1301 : i32 to index
        %get3A_1316 = arith.constant 16 : index
        %get3A_1317 = tpu.vector_load %arg7[%get3A_1315, %get3A_1316] {strides = array<i32>} : memref<100x128xf32, #tpu.memory_space<vmem>>, vector<1x16xf32>,
        %get3A_1318 = vector.shape_cast %get3A_1317 : vector<1x16xf32> to vector<16xf32>
        %add3A_1319 = arith.addf %scan3A_1303, %get3A_1318 : vector<16xf32>
        %get3A_1320 = arith.index_cast %scan3A_1301 : i32 to index
        %get3A_1321 = arith.constant 32 : index
        %get3A_1322 = tpu.vector_load %arg7[%get3A_1320, %get3A_1321] {strides = array<i32>} : memref<100x128xf32, #tpu.memory_space<vmem>>, vector<1x16xf32>,
        %get3A_1323 = vector.shape_cast %get3A_1322 : vector<1x16xf32> to vector<16xf32>
        %add3A_1324 = arith.addf %scan3A_1304, %get3A_1323 : vector<16xf32>
        %get3A_1325 = arith.index_cast %scan3A_1301 : i32 to index
        %get3A_1326 = arith.constant 48 : index
        %get3A_1327 = tpu.vector_load %arg7[%get3A_1325, %get3A_1326] {strides = array<i32>} : memref<100x128xf32, #tpu.memory_space<vmem>>, vector<1x16xf32>,
        %get3A_1328 = vector.shape_cast %get3A_1327 : vector<1x16xf32> to vector<16xf32>
        %add3A_1329 = arith.addf %scan3A_1305, %get3A_1328 : vector<16xf32>
        %get3A_1330 = arith.index_cast %scan3A_1301 : i32 to index
        %get3A_1331 = arith.constant 64 : index
        %get3A_1332 = tpu.vector_load %arg7[%get3A_1330, %get3A_1331] {strides = array<i32>} : memref<100x128xf32, #tpu.memory_space<vmem>>, vector<1x16xf32>,
        %get3A_1333 = vector.shape_cast %get3A_1332 : vector<1x16xf32> to vector<16xf32>
        %add3A_1334 = arith.addf %scan3A_1306, %get3A_1333 : vector<16xf32>
        %get3A_1335 = arith.index_cast %scan3A_1301 : i32 to index
        %get3A_1336 = arith.constant 80 : index
        %get3A_1337 = tpu.vector_load %arg7[%get3A_1335, %get3A_1336] {strides = array<i32>} : memref<100x128xf32, #tpu.memory_space<vmem>>, vector<1x16xf32>,
        %get3A_1338 = vector.shape_cast %get3A_1337 : vector<1x16xf32> to vector<16xf32>
        %add3A_1339 = arith.addf %scan3A_1307, %get3A_1338 : vector<16xf32>
        %get3A_1340 = arith.index_cast %scan3A_1301 : i32 to index
        %get3A_1341 = arith.constant 96 : index
        %get3A_1342 = tpu.vector_load %arg7[%get3A_1340, %get3A_1341] {strides = array<i32>} : memref<100x128xf32, #tpu.memory_space<vmem>>, vector<1x16xf32>,
        %get3A_1343 = vector.shape_cast %get3A_1342 : vector<1x16xf32> to vector<16xf32>
        %add3A_1344 = arith.addf %scan3A_1308, %get3A_1343 : vector<16xf32>
        %get3A_1345 = arith.index_cast %scan3A_1301 : i32 to index
        %get3A_1346 = arith.constant 112 : index
        %get3A_1347 = tpu.vector_load %arg7[%get3A_1345, %get3A_1346] {strides = array<i32>} : memref<100x128xf32, #tpu.memory_space<vmem>>, vector<1x16xf32>,
        %get3A_1348 = vector.shape_cast %get3A_1347 : vector<1x16xf32> to vector<16xf32>
        %add3A_1349 = arith.addf %scan3A_1309, %get3A_1348 : vector<16xf32>
        %scan3A_1350 = arith.constant 1 : i32
        %scan3A_1351 = arith.addi %scan3A_1301, %scan3A_1350 : i32
        %get3A_1352 = arith.index_cast %scan3A_1351 : i32 to index
        %get3A_1353 = arith.constant 0 : index
        %get3A_1354 = tpu.vector_load %arg7[%get3A_1352, %get3A_1353] {strides = array<i32>} : memref<100x128xf32, #tpu.memory_space<vmem>>, vector<1x16xf32>,
        %get3A_1355 = vector.shape_cast %get3A_1354 : vector<1x16xf32> to vector<16xf32>
        %add3A_1356 = arith.addf %add3A_1314, %get3A_1355 : vector<16xf32>
        %get3A_1357 = arith.index_cast %scan3A_1351 : i32 to index
        %get3A_1358 = arith.constant 16 : index
        %get3A_1359 = tpu.vector_load %arg7[%get3A_1357, %get3A_1358] {strides = array<i32>} : memref<100x128xf32, #tpu.memory_space<vmem>>, vector<1x16xf32>,
        %get3A_1360 = vector.shape_cast %get3A_1359 : vector<1x16xf32> to vector<16xf32>
        %add3A_1361 = arith.addf %add3A_1319, %get3A_1360 : vector<16xf32>
        %get3A_1362 = arith.index_cast %scan3A_1351 : i32 to index
        %get3A_1363 = arith.constant 32 : index
        %get3A_1364 = tpu.vector_load %arg7[%get3A_1362, %get3A_1363] {strides = array<i32>} : memref<100x128xf32, #tpu.memory_space<vmem>>, vector<1x16xf32>,
        %get3A_1365 = vector.shape_cast %get3A_1364 : vector<1x16xf32> to vector<16xf32>
        %add3A_1366 = arith.addf %add3A_1324, %get3A_1365 : vector<16xf32>
        %get3A_1367 = arith.index_cast %scan3A_1351 : i32 to index
        %get3A_1368 = arith.constant 48 : index
        %get3A_1369 = tpu.vector_load %arg7[%get3A_1367, %get3A_1368] {strides = array<i32>} : memref<100x128xf32, #tpu.memory_space<vmem>>, vector<1x16xf32>,
        %get3A_1370 = vector.shape_cast %get3A_1369 : vector<1x16xf32> to vector<16xf32>
        %add3A_1371 = arith.addf %add3A_1329, %get3A_1370 : vector<16xf32>
        %get3A_1372 = arith.index_cast %scan3A_1351 : i32 to index
        %get3A_1373 = arith.constant 64 : index
        %get3A_1374 = tpu.vector_load %arg7[%get3A_1372, %get3A_1373] {strides = array<i32>} : memref<100x128xf32, #tpu.memory_space<vmem>>, vector<1x16xf32>,
        %get3A_1375 = vector.shape_cast %get3A_1374 : vector<1x16xf32> to vector<16xf32>
        %add3A_1376 = arith.addf %add3A_1334, %get3A_1375 : vector<16xf32>
        %get3A_1377 = arith.index_cast %scan3A_1351 : i32 to index
        %get3A_1378 = arith.constant 80 : index
        %get3A_1379 = tpu.vector_load %arg7[%get3A_1377, %get3A_1378] {strides = array<i32>} : memref<100x128xf32, #tpu.memory_space<vmem>>, vector<1x16xf32>,
        %get3A_1380 = vector.shape_cast %get3A_1379 : vector<1x16xf32> to vector<16xf32>
        %add3A_1381 = arith.addf %add3A_1339, %get3A_1380 : vector<16xf32>
        %get3A_1382 = arith.index_cast %scan3A_1351 : i32 to index
        %get3A_1383 = arith.constant 96 : index
        %get3A_1384 = tpu.vector_load %arg7[%get3A_1382, %get3A_1383] {strides = array<i32>} : memref<100x128xf32, #tpu.memory_space<vmem>>, vector<1x16xf32>,
        %get3A_1385 = vector.shape_cast %get3A_1384 : vector<1x16xf32> to vector<16xf32>
        %add3A_1386 = arith.addf %add3A_1344, %get3A_1385 : vector<16xf32>
        %get3A_1387 = arith.index_cast %scan3A_1351 : i32 to index
        %get3A_1388 = arith.constant 112 : index
        %get3A_1389 = tpu.vector_load %arg7[%get3A_1387, %get3A_1388] {strides = array<i32>} : memref<100x128xf32, #tpu.memory_space<vmem>>, vector<1x16xf32>,
        %get3A_1390 = vector.shape_cast %get3A_1389 : vector<1x16xf32> to vector<16xf32>
        %add3A_1391 = arith.addf %add3A_1349, %get3A_1390 : vector<16xf32>
        scf.yield %add3A_1356, %add3A_1361, %add3A_1366, %add3A_1371, %add3A_1376, %add3A_1381, %add3A_1386, %add3A_1391 : vector<16xf32>, vector<16xf32>, vector<16xf32>, vector<16xf32>, vector<16xf32>, vector<16xf32>, vector<16xf32>, vector<16xf32>
      }
      %scan3A_645 = arith.constant 100 : i32
      %get3A_646 = arith.index_cast %select_n3A_616 : i32 to index
      %get3A_647 = arith.constant 0 : index
      %get3A_648 = tpu.vector_load %arg12[%get3A_646, %get3A_647] {strides = array<i32>} : memref<128x128xf32, #tpu.memory_space<vmem>>, vector<1x16xf32>,
      %get3A_649 = vector.shape_cast %get3A_648 : vector<1x16xf32> to vector<16xf32>
      %add3A_650 = arith.addf %get3A_649, %scan3A_644#0 : vector<16xf32>
      %mul3A_651 = arith.constant 5.000000e-03 : f32
      %mul3A_652 = vector.broadcast %mul3A_651 : f32 to vector<16xf32>
      %mul3A_653 = arith.mulf %add3A_650, %mul3A_652 : vector<16xf32>
      %swap3A_654 = arith.index_cast %select_n3A_616 : i32 to index
      %swap3A_655 = arith.constant 0 : index
      %swap3A_656 = tpu.vector_load %arg12[%swap3A_654, %swap3A_655] {strides = array<i32>} : memref<128x128xf32, #tpu.memory_space<vmem>>, vector<1x16xf32>,
      %swap3A_657 = vector.shape_cast %swap3A_656 : vector<1x16xf32> to vector<16xf32>
      %swap3A_658 = vector.shape_cast %mul3A_653 : vector<16xf32> to vector<1x16xf32>
      tpu.vector_store %arg12[%swap3A_654, %swap3A_655], %swap3A_658 {strides = array<i32>} : memref<128x128xf32, #tpu.memory_space<vmem>>, vector<1x16xf32>,
      %get3A_659 = arith.index_cast %select_n3A_616 : i32 to index
      %get3A_660 = arith.constant 16 : index
      %get3A_661 = tpu.vector_load %arg12[%get3A_659, %get3A_660] {strides = array<i32>} : memref<128x128xf32, #tpu.memory_space<vmem>>, vector<1x16xf32>,
      %get3A_662 = vector.shape_cast %get3A_661 : vector<1x16xf32> to vector<16xf32>
      %add3A_663 = arith.addf %get3A_662, %scan3A_644#1 : vector<16xf32>
      %mul3A_664 = arith.constant 5.000000e-03 : f32
      %mul3A_665 = vector.broadcast %mul3A_664 : f32 to vector<16xf32>
      %mul3A_666 = arith.mulf %add3A_663, %mul3A_665 : vector<16xf32>
      %swap3A_667 = arith.index_cast %select_n3A_616 : i32 to index
      %swap3A_668 = arith.constant 16 : index
      %swap3A_669 = tpu.vector_load %arg12[%swap3A_667, %swap3A_668] {strides = array<i32>} : memref<128x128xf32, #tpu.memory_space<vmem>>, vector<1x16xf32>,
      %swap3A_670 = vector.shape_cast %swap3A_669 : vector<1x16xf32> to vector<16xf32>
      %swap3A_671 = vector.shape_cast %mul3A_666 : vector<16xf32> to vector<1x16xf32>
      tpu.vector_store %arg12[%swap3A_667, %swap3A_668], %swap3A_671 {strides = array<i32>} : memref<128x128xf32, #tpu.memory_space<vmem>>, vector<1x16xf32>,
      %get3A_672 = arith.index_cast %select_n3A_616 : i32 to index
      %get3A_673 = arith.constant 32 : index
      %get3A_674 = tpu.vector_load %arg12[%get3A_672, %get3A_673] {strides = array<i32>} : memref<128x128xf32, #tpu.memory_space<vmem>>, vector<1x16xf32>,
      %get3A_675 = vector.shape_cast %get3A_674 : vector<1x16xf32> to vector<16xf32>
      %add3A_676 = arith.addf %get3A_675, %scan3A_644#2 : vector<16xf32>
      %mul3A_677 = arith.constant 5.000000e-03 : f32
      %mul3A_678 = vector.broadcast %mul3A_677 : f32 to vector<16xf32>
      %mul3A_679 = arith.mulf %add3A_676, %mul3A_678 : vector<16xf32>
      %swap3A_680 = arith.index_cast %select_n3A_616 : i32 to index
      %swap3A_681 = arith.constant 32 : index
      %swap3A_682 = tpu.vector_load %arg12[%swap3A_680, %swap3A_681] {strides = array<i32>} : memref<128x128xf32, #tpu.memory_space<vmem>>, vector<1x16xf32>,
      %swap3A_683 = vector.shape_cast %swap3A_682 : vector<1x16xf32> to vector<16xf32>
      %swap3A_684 = vector.shape_cast %mul3A_679 : vector<16xf32> to vector<1x16xf32>
      tpu.vector_store %arg12[%swap3A_680, %swap3A_681], %swap3A_684 {strides = array<i32>} : memref<128x128xf32, #tpu.memory_space<vmem>>, vector<1x16xf32>,
      %get3A_685 = arith.index_cast %select_n3A_616 : i32 to index
      %get3A_686 = arith.constant 48 : index
      %get3A_687 = tpu.vector_load %arg12[%get3A_685, %get3A_686] {strides = array<i32>} : memref<128x128xf32, #tpu.memory_space<vmem>>, vector<1x16xf32>,
      %get3A_688 = vector.shape_cast %get3A_687 : vector<1x16xf32> to vector<16xf32>
      %add3A_689 = arith.addf %get3A_688, %scan3A_644#3 : vector<16xf32>
      %mul3A_690 = arith.constant 5.000000e-03 : f32
      %mul3A_691 = vector.broadcast %mul3A_690 : f32 to vector<16xf32>
      %mul3A_692 = arith.mulf %add3A_689, %mul3A_691 : vector<16xf32>
      %swap3A_693 = arith.index_cast %select_n3A_616 : i32 to index
      %swap3A_694 = arith.constant 48 : index
      %swap3A_695 = tpu.vector_load %arg12[%swap3A_693, %swap3A_694] {strides = array<i32>} : memref<128x128xf32, #tpu.memory_space<vmem>>, vector<1x16xf32>,
      %swap3A_696 = vector.shape_cast %swap3A_695 : vector<1x16xf32> to vector<16xf32>
      %swap3A_697 = vector.shape_cast %mul3A_692 : vector<16xf32> to vector<1x16xf32>
      tpu.vector_store %arg12[%swap3A_693, %swap3A_694], %swap3A_697 {strides = array<i32>} : memref<128x128xf32, #tpu.memory_space<vmem>>, vector<1x16xf32>,
      %get3A_698 = arith.index_cast %select_n3A_616 : i32 to index
      %get3A_699 = arith.constant 64 : index
      %get3A_700 = tpu.vector_load %arg12[%get3A_698, %get3A_699] {strides = array<i32>} : memref<128x128xf32, #tpu.memory_space<vmem>>, vector<1x16xf32>,
      %get3A_701 = vector.shape_cast %get3A_700 : vector<1x16xf32> to vector<16xf32>
      %add3A_702 = arith.addf %get3A_701, %scan3A_644#4 : vector<16xf32>
      %mul3A_703 = arith.constant 5.000000e-03 : f32
      %mul3A_704 = vector.broadcast %mul3A_703 : f32 to vector<16xf32>
      %mul3A_705 = arith.mulf %add3A_702, %mul3A_704 : vector<16xf32>
      %swap3A_706 = arith.index_cast %select_n3A_616 : i32 to index
      %swap3A_707 = arith.constant 64 : index
      %swap3A_708 = tpu.vector_load %arg12[%swap3A_706, %swap3A_707] {strides = array<i32>} : memref<128x128xf32, #tpu.memory_space<vmem>>, vector<1x16xf32>,
      %swap3A_709 = vector.shape_cast %swap3A_708 : vector<1x16xf32> to vector<16xf32>
      %swap3A_710 = vector.shape_cast %mul3A_705 : vector<16xf32> to vector<1x16xf32>
      tpu.vector_store %arg12[%swap3A_706, %swap3A_707], %swap3A_710 {strides = array<i32>} : memref<128x128xf32, #tpu.memory_space<vmem>>, vector<1x16xf32>,
      %get3A_711 = arith.index_cast %select_n3A_616 : i32 to index
      %get3A_712 = arith.constant 80 : index
      %get3A_713 = tpu.vector_load %arg12[%get3A_711, %get3A_712] {strides = array<i32>} : memref<128x128xf32, #tpu.memory_space<vmem>>, vector<1x16xf32>,
      %get3A_714 = vector.shape_cast %get3A_713 : vector<1x16xf32> to vector<16xf32>
      %add3A_715 = arith.addf %get3A_714, %scan3A_644#5 : vector<16xf32>
      %mul3A_716 = arith.constant 5.000000e-03 : f32
      %mul3A_717 = vector.broadcast %mul3A_716 : f32 to vector<16xf32>
      %mul3A_718 = arith.mulf %add3A_715, %mul3A_717 : vector<16xf32>
      %swap3A_719 = arith.index_cast %select_n3A_616 : i32 to index
      %swap3A_720 = arith.constant 80 : index
      %swap3A_721 = tpu.vector_load %arg12[%swap3A_719, %swap3A_720] {strides = array<i32>} : memref<128x128xf32, #tpu.memory_space<vmem>>, vector<1x16xf32>,
      %swap3A_722 = vector.shape_cast %swap3A_721 : vector<1x16xf32> to vector<16xf32>
      %swap3A_723 = vector.shape_cast %mul3A_718 : vector<16xf32> to vector<1x16xf32>
      tpu.vector_store %arg12[%swap3A_719, %swap3A_720], %swap3A_723 {strides = array<i32>} : memref<128x128xf32, #tpu.memory_space<vmem>>, vector<1x16xf32>,
      %get3A_724 = arith.index_cast %select_n3A_616 : i32 to index
      %get3A_725 = arith.constant 96 : index
      %get3A_726 = tpu.vector_load %arg12[%get3A_724, %get3A_725] {strides = array<i32>} : memref<128x128xf32, #tpu.memory_space<vmem>>, vector<1x16xf32>,
      %get3A_727 = vector.shape_cast %get3A_726 : vector<1x16xf32> to vector<16xf32>
      %add3A_728 = arith.addf %get3A_727, %scan3A_644#6 : vector<16xf32>
      %mul3A_729 = arith.constant 5.000000e-03 : f32
      %mul3A_730 = vector.broadcast %mul3A_729 : f32 to vector<16xf32>
      %mul3A_731 = arith.mulf %add3A_728, %mul3A_730 : vector<16xf32>
      %swap3A_732 = arith.index_cast %select_n3A_616 : i32 to index
      %swap3A_733 = arith.constant 96 : index
      %swap3A_734 = tpu.vector_load %arg12[%swap3A_732, %swap3A_733] {strides = array<i32>} : memref<128x128xf32, #tpu.memory_space<vmem>>, vector<1x16xf32>,
      %swap3A_735 = vector.shape_cast %swap3A_734 : vector<1x16xf32> to vector<16xf32>
      %swap3A_736 = vector.shape_cast %mul3A_731 : vector<16xf32> to vector<1x16xf32>
      tpu.vector_store %arg12[%swap3A_732, %swap3A_733], %swap3A_736 {strides = array<i32>} : memref<128x128xf32, #tpu.memory_space<vmem>>, vector<1x16xf32>,
      %get3A_737 = arith.index_cast %select_n3A_616 : i32 to index
      %get3A_738 = arith.constant 112 : index
      %get3A_739 = tpu.vector_load %arg12[%get3A_737, %get3A_738] {strides = array<i32>} : memref<128x128xf32, #tpu.memory_space<vmem>>, vector<1x16xf32>,
      %get3A_740 = vector.shape_cast %get3A_739 : vector<1x16xf32> to vector<16xf32>
      %add3A_741 = arith.addf %get3A_740, %scan3A_644#7 : vector<16xf32>
      %mul3A_742 = arith.constant 5.000000e-03 : f32
      %mul3A_743 = vector.broadcast %mul3A_742 : f32 to vector<16xf32>
      %mul3A_744 = arith.mulf %add3A_741, %mul3A_743 : vector<16xf32>
      %swap3A_745 = arith.index_cast %select_n3A_616 : i32 to index
      %swap3A_746 = arith.constant 112 : index
      %swap3A_747 = tpu.vector_load %arg12[%swap3A_745, %swap3A_746] {strides = array<i32>} : memref<128x128xf32, #tpu.memory_space<vmem>>, vector<1x16xf32>,
      %swap3A_748 = vector.shape_cast %swap3A_747 : vector<1x16xf32> to vector<16xf32>
      %swap3A_749 = vector.shape_cast %mul3A_744 : vector<16xf32> to vector<1x16xf32>
      tpu.vector_store %arg12[%swap3A_745, %swap3A_746], %swap3A_749 {strides = array<i32>} : memref<128x128xf32, #tpu.memory_space<vmem>>, vector<1x16xf32>,
      %add3A_750 = arith.constant 6 : i32
      %add3A_751 = arith.addi %add3A_592, %add3A_750 : i32
      %lt3A_752 = arith.constant 256 : i32
      %lt3A_753 = arith.cmpi slt, %add3A_751, %lt3A_752 : i32
      %convert_element_type3A_754 = arith.extui %lt3A_753 : i1 to i32
      %cond3A_755 = arith.constant 0 : i32
      %cond3A_756 = arith.cmpi ne, %convert_element_type3A_754, %cond3A_755 : i32
      scf.if %cond3A_756 {
        %add3A_1301 = arith.constant 6 : i32
        %add3A_1302 = arith.addi %add3A_592, %add3A_1301 : i32
        %dma_start3A_1303 = arith.constant 0 : i32
        %dma_start3A_1304 = tpu.memref_slice %arg5[%add3A_1302, %dma_start3A_1303] : memref<256x100xi32, #tpu.memory_space<vmem>> -> memref<1x100xi32, #tpu.memory_space<vmem>>
        %dma_start3A_1305 = tpu.memref_squeeze %dma_start3A_1304 : memref<1x100xi32, #tpu.memory_space<vmem>> -> memref<100xi32, #tpu.memory_space<vmem>>
        %dma_start3A_1306 = arith.constant 0 : i32
        %dma_start3A_1307 = arith.constant 0 : i32
        %dma_start3A_1308 = tpu.memref_slice %arg2[%dma_start3A_1306, %dma_start3A_1307] : memref<1000000x128xf32, #tpu.memory_space<hbm>> -> memref<1000000x128xf32, #tpu.memory_space<hbm>>
        tpu.enqueue_indirect_dma source(%dma_start3A_1308 : memref<1000000x128xf32, #tpu.memory_space<hbm>>) target(%arg7 : memref<100x128xf32, #tpu.memory_space<vmem>>) offsets(%dma_start3A_1305 : memref<100xi32, #tpu.memory_space<vmem>>) semaphore(%arg14 : memref<!tpu.dma_semaphore, #tpu.memory_space<semaphore_mem>>)
      } else {
      }
      %mul3A_757 = arith.constant 6 : i32
      %mul3A_758 = arith.muli %mul3A_757, %scan3A_495 : i32
      %add3A_759 = arith.constant 2 : i32
      %add3A_760 = arith.addi %mul3A_758, %add3A_759 : i32
      %jit3A_761 = arith.constant 2 : i32
      %div3A_762 = arith.divsi %add3A_760, %jit3A_761 : i32
      %sign3A_763 = arith.constant 0 : i32
      %sign3A_764 = arith.cmpi sgt, %add3A_760, %sign3A_763 : i32
      %sign3A_765 = arith.extui %sign3A_764 : i1 to i32
      %sign3A_766 = arith.constant 0 : i32
      %sign3A_767 = arith.cmpi slt, %add3A_760, %sign3A_766 : i32
      %sign3A_768 = arith.extui %sign3A_767 : i1 to i32
      %sign3A_769 = arith.subi %sign3A_765, %sign3A_768 : i32
      %sign3A_770 = arith.constant 0 : i32
      %sign3A_771 = arith.cmpi sgt, %jit3A_761, %sign3A_770 : i32
      %sign3A_772 = arith.extui %sign3A_771 : i1 to i32
      %sign3A_773 = arith.constant 0 : i32
      %sign3A_774 = arith.cmpi slt, %jit3A_761, %sign3A_773 : i32
      %sign3A_775 = arith.extui %sign3A_774 : i1 to i32
      %sign3A_776 = arith.subi %sign3A_772, %sign3A_775 : i32
      %ne3A_777 = arith.cmpi ne, %sign3A_769, %sign3A_776 : i32
      %rem3A_778 = arith.remsi %add3A_760, %jit3A_761 : i32
      %ne3A_779 = arith.constant 0 : i32
      %ne3A_780 = arith.cmpi ne, %rem3A_778, %ne3A_779 : i32
      %and3A_781 = arith.andi %ne3A_777, %ne3A_780 : i1
      %sub3A_782 = arith.constant 1 : i32
      %sub3A_783 = arith.subi %div3A_762, %sub3A_782 : i32
      %select_n3A_784 = arith.select %and3A_781, %sub3A_783, %div3A_762 : i32
      %dma_wait3A_785 = arith.constant 0 : i32
      %dma_wait3A_786 = arith.constant 0 : i32
      %dma_wait3A_787 = tpu.memref_slice %arg5[%dma_wait3A_785, %dma_wait3A_786] : memref<256x100xi32, #tpu.memory_space<vmem>> -> memref<1x100xi32, #tpu.memory_space<vmem>>
      %dma_wait3A_788 = tpu.memref_squeeze %dma_wait3A_787 : memref<1x100xi32, #tpu.memory_space<vmem>> -> memref<100xi32, #tpu.memory_space<vmem>>
      %dma_wait3A_789 = arith.constant 0 : i32
      %dma_wait3A_790 = arith.constant 0 : i32
      %dma_wait3A_791 = tpu.memref_slice %arg2[%dma_wait3A_789, %dma_wait3A_790] : memref<1000000x128xf32, #tpu.memory_space<hbm>> -> memref<1000000x128xf32, #tpu.memory_space<hbm>>
      tpu.wait_indirect_dma semaphore(%arg15 : memref<!tpu.dma_semaphore, #tpu.memory_space<semaphore_mem>>) src(%dma_wait3A_791 : memref<1000000x128xf32, #tpu.memory_space<hbm>>) dst(%arg8 : memref<100x128xf32, #tpu.memory_space<vmem>>)
      %broadcast_in_dim3A_792 = arith.constant 0.000000e+00 : f32
      %broadcast_in_dim3A_793 = vector.broadcast %broadcast_in_dim3A_792 : f32 to vector<16xf32>
      %broadcast_in_dim3A_794 = arith.constant 0.000000e+00 : f32
      %broadcast_in_dim3A_795 = vector.broadcast %broadcast_in_dim3A_794 : f32 to vector<16xf32>
      %broadcast_in_dim3A_796 = arith.constant 0.000000e+00 : f32
      %broadcast_in_dim3A_797 = vector.broadcast %broadcast_in_dim3A_796 : f32 to vector<16xf32>
      %broadcast_in_dim3A_798 = arith.constant 0.000000e+00 : f32
      %broadcast_in_dim3A_799 = vector.broadcast %broadcast_in_dim3A_798 : f32 to vector<16xf32>
      %broadcast_in_dim3A_800 = arith.constant 0.000000e+00 : f32
      %broadcast_in_dim3A_801 = vector.broadcast %broadcast_in_dim3A_800 : f32 to vector<16xf32>
      %broadcast_in_dim3A_802 = arith.constant 0.000000e+00 : f32
      %broadcast_in_dim3A_803 = vector.broadcast %broadcast_in_dim3A_802 : f32 to vector<16xf32>
      %broadcast_in_dim3A_804 = arith.constant 0.000000e+00 : f32
      %broadcast_in_dim3A_805 = vector.broadcast %broadcast_in_dim3A_804 : f32 to vector<16xf32>
      %broadcast_in_dim3A_806 = arith.constant 0.000000e+00 : f32
      %broadcast_in_dim3A_807 = vector.broadcast %broadcast_in_dim3A_806 : f32 to vector<16xf32>
      %scan3A_808 = arith.constant 0 : i32
      %scan3A_809 = arith.constant 100 : i32
      %scan3A_810 = arith.addi %scan3A_808, %scan3A_809 : i32
      %scan3A_811 = arith.constant 2 : i32
      %scan3A_812:8 = scf.for %scan3A_1301 = %scan3A_808 to %scan3A_810 step %scan3A_811 iter_args(%scan3A_1302 = %broadcast_in_dim3A_793, %scan3A_1303 = %broadcast_in_dim3A_795, %scan3A_1304 = %broadcast_in_dim3A_797, %scan3A_1305 = %broadcast_in_dim3A_799, %scan3A_1306 = %broadcast_in_dim3A_801, %scan3A_1307 = %broadcast_in_dim3A_803, %scan3A_1308 = %broadcast_in_dim3A_805, %scan3A_1309 = %broadcast_in_dim3A_807) -> (vector<16xf32>, vector<16xf32>, vector<16xf32>, vector<16xf32>, vector<16xf32>, vector<16xf32>, vector<16xf32>, vector<16xf32>)  : i32 {
        %get3A_1310 = arith.index_cast %scan3A_1301 : i32 to index
        %get3A_1311 = arith.constant 0 : index
        %get3A_1312 = tpu.vector_load %arg8[%get3A_1310, %get3A_1311] {strides = array<i32>} : memref<100x128xf32, #tpu.memory_space<vmem>>, vector<1x16xf32>,
        %get3A_1313 = vector.shape_cast %get3A_1312 : vector<1x16xf32> to vector<16xf32>
        %add3A_1314 = arith.addf %scan3A_1302, %get3A_1313 : vector<16xf32>
        %get3A_1315 = arith.index_cast %scan3A_1301 : i32 to index
        %get3A_1316 = arith.constant 16 : index
        %get3A_1317 = tpu.vector_load %arg8[%get3A_1315, %get3A_1316] {strides = array<i32>} : memref<100x128xf32, #tpu.memory_space<vmem>>, vector<1x16xf32>,
        %get3A_1318 = vector.shape_cast %get3A_1317 : vector<1x16xf32> to vector<16xf32>
        %add3A_1319 = arith.addf %scan3A_1303, %get3A_1318 : vector<16xf32>
        %get3A_1320 = arith.index_cast %scan3A_1301 : i32 to index
        %get3A_1321 = arith.constant 32 : index
        %get3A_1322 = tpu.vector_load %arg8[%get3A_1320, %get3A_1321] {strides = array<i32>} : memref<100x128xf32, #tpu.memory_space<vmem>>, vector<1x16xf32>,
        %get3A_1323 = vector.shape_cast %get3A_1322 : vector<1x16xf32> to vector<16xf32>
        %add3A_1324 = arith.addf %scan3A_1304, %get3A_1323 : vector<16xf32>
        %get3A_1325 = arith.index_cast %scan3A_1301 : i32 to index
        %get3A_1326 = arith.constant 48 : index
        %get3A_1327 = tpu.vector_load %arg8[%get3A_1325, %get3A_1326] {strides = array<i32>} : memref<100x128xf32, #tpu.memory_space<vmem>>, vector<1x16xf32>,
        %get3A_1328 = vector.shape_cast %get3A_1327 : vector<1x16xf32> to vector<16xf32>
        %add3A_1329 = arith.addf %scan3A_1305, %get3A_1328 : vector<16xf32>
        %get3A_1330 = arith.index_cast %scan3A_1301 : i32 to index
        %get3A_1331 = arith.constant 64 : index
        %get3A_1332 = tpu.vector_load %arg8[%get3A_1330, %get3A_1331] {strides = array<i32>} : memref<100x128xf32, #tpu.memory_space<vmem>>, vector<1x16xf32>,
        %get3A_1333 = vector.shape_cast %get3A_1332 : vector<1x16xf32> to vector<16xf32>
        %add3A_1334 = arith.addf %scan3A_1306, %get3A_1333 : vector<16xf32>
        %get3A_1335 = arith.index_cast %scan3A_1301 : i32 to index
        %get3A_1336 = arith.constant 80 : index
        %get3A_1337 = tpu.vector_load %arg8[%get3A_1335, %get3A_1336] {strides = array<i32>} : memref<100x128xf32, #tpu.memory_space<vmem>>, vector<1x16xf32>,
        %get3A_1338 = vector.shape_cast %get3A_1337 : vector<1x16xf32> to vector<16xf32>
        %add3A_1339 = arith.addf %scan3A_1307, %get3A_1338 : vector<16xf32>
        %get3A_1340 = arith.index_cast %scan3A_1301 : i32 to index
        %get3A_1341 = arith.constant 96 : index
        %get3A_1342 = tpu.vector_load %arg8[%get3A_1340, %get3A_1341] {strides = array<i32>} : memref<100x128xf32, #tpu.memory_space<vmem>>, vector<1x16xf32>,
        %get3A_1343 = vector.shape_cast %get3A_1342 : vector<1x16xf32> to vector<16xf32>
        %add3A_1344 = arith.addf %scan3A_1308, %get3A_1343 : vector<16xf32>
        %get3A_1345 = arith.index_cast %scan3A_1301 : i32 to index
        %get3A_1346 = arith.constant 112 : index
        %get3A_1347 = tpu.vector_load %arg8[%get3A_1345, %get3A_1346] {strides = array<i32>} : memref<100x128xf32, #tpu.memory_space<vmem>>, vector<1x16xf32>,
        %get3A_1348 = vector.shape_cast %get3A_1347 : vector<1x16xf32> to vector<16xf32>
        %add3A_1349 = arith.addf %scan3A_1309, %get3A_1348 : vector<16xf32>
        %scan3A_1350 = arith.constant 1 : i32
        %scan3A_1351 = arith.addi %scan3A_1301, %scan3A_1350 : i32
        %get3A_1352 = arith.index_cast %scan3A_1351 : i32 to index
        %get3A_1353 = arith.constant 0 : index
        %get3A_1354 = tpu.vector_load %arg8[%get3A_1352, %get3A_1353] {strides = array<i32>} : memref<100x128xf32, #tpu.memory_space<vmem>>, vector<1x16xf32>,
        %get3A_1355 = vector.shape_cast %get3A_1354 : vector<1x16xf32> to vector<16xf32>
        %add3A_1356 = arith.addf %add3A_1314, %get3A_1355 : vector<16xf32>
        %get3A_1357 = arith.index_cast %scan3A_1351 : i32 to index
        %get3A_1358 = arith.constant 16 : index
        %get3A_1359 = tpu.vector_load %arg8[%get3A_1357, %get3A_1358] {strides = array<i32>} : memref<100x128xf32, #tpu.memory_space<vmem>>, vector<1x16xf32>,
        %get3A_1360 = vector.shape_cast %get3A_1359 : vector<1x16xf32> to vector<16xf32>
        %add3A_1361 = arith.addf %add3A_1319, %get3A_1360 : vector<16xf32>
        %get3A_1362 = arith.index_cast %scan3A_1351 : i32 to index
        %get3A_1363 = arith.constant 32 : index
        %get3A_1364 = tpu.vector_load %arg8[%get3A_1362, %get3A_1363] {strides = array<i32>} : memref<100x128xf32, #tpu.memory_space<vmem>>, vector<1x16xf32>,
        %get3A_1365 = vector.shape_cast %get3A_1364 : vector<1x16xf32> to vector<16xf32>
        %add3A_1366 = arith.addf %add3A_1324, %get3A_1365 : vector<16xf32>
        %get3A_1367 = arith.index_cast %scan3A_1351 : i32 to index
        %get3A_1368 = arith.constant 48 : index
        %get3A_1369 = tpu.vector_load %arg8[%get3A_1367, %get3A_1368] {strides = array<i32>} : memref<100x128xf32, #tpu.memory_space<vmem>>, vector<1x16xf32>,
        %get3A_1370 = vector.shape_cast %get3A_1369 : vector<1x16xf32> to vector<16xf32>
        %add3A_1371 = arith.addf %add3A_1329, %get3A_1370 : vector<16xf32>
        %get3A_1372 = arith.index_cast %scan3A_1351 : i32 to index
        %get3A_1373 = arith.constant 64 : index
        %get3A_1374 = tpu.vector_load %arg8[%get3A_1372, %get3A_1373] {strides = array<i32>} : memref<100x128xf32, #tpu.memory_space<vmem>>, vector<1x16xf32>,
        %get3A_1375 = vector.shape_cast %get3A_1374 : vector<1x16xf32> to vector<16xf32>
        %add3A_1376 = arith.addf %add3A_1334, %get3A_1375 : vector<16xf32>
        %get3A_1377 = arith.index_cast %scan3A_1351 : i32 to index
        %get3A_1378 = arith.constant 80 : index
        %get3A_1379 = tpu.vector_load %arg8[%get3A_1377, %get3A_1378] {strides = array<i32>} : memref<100x128xf32, #tpu.memory_space<vmem>>, vector<1x16xf32>,
        %get3A_1380 = vector.shape_cast %get3A_1379 : vector<1x16xf32> to vector<16xf32>
        %add3A_1381 = arith.addf %add3A_1339, %get3A_1380 : vector<16xf32>
        %get3A_1382 = arith.index_cast %scan3A_1351 : i32 to index
        %get3A_1383 = arith.constant 96 : index
        %get3A_1384 = tpu.vector_load %arg8[%get3A_1382, %get3A_1383] {strides = array<i32>} : memref<100x128xf32, #tpu.memory_space<vmem>>, vector<1x16xf32>,
        %get3A_1385 = vector.shape_cast %get3A_1384 : vector<1x16xf32> to vector<16xf32>
        %add3A_1386 = arith.addf %add3A_1344, %get3A_1385 : vector<16xf32>
        %get3A_1387 = arith.index_cast %scan3A_1351 : i32 to index
        %get3A_1388 = arith.constant 112 : index
        %get3A_1389 = tpu.vector_load %arg8[%get3A_1387, %get3A_1388] {strides = array<i32>} : memref<100x128xf32, #tpu.memory_space<vmem>>, vector<1x16xf32>,
        %get3A_1390 = vector.shape_cast %get3A_1389 : vector<1x16xf32> to vector<16xf32>
        %add3A_1391 = arith.addf %add3A_1349, %get3A_1390 : vector<16xf32>
        scf.yield %add3A_1356, %add3A_1361, %add3A_1366, %add3A_1371, %add3A_1376, %add3A_1381, %add3A_1386, %add3A_1391 : vector<16xf32>, vector<16xf32>, vector<16xf32>, vector<16xf32>, vector<16xf32>, vector<16xf32>, vector<16xf32>, vector<16xf32>
      }
      %scan3A_813 = arith.constant 100 : i32
      %swap3A_814 = arith.index_cast %select_n3A_784 : i32 to index
      %swap3A_815 = arith.constant 0 : index
      %swap3A_816 = tpu.vector_load %arg12[%swap3A_814, %swap3A_815] {strides = array<i32>} : memref<128x128xf32, #tpu.memory_space<vmem>>, vector<1x16xf32>,
      %swap3A_817 = vector.shape_cast %swap3A_816 : vector<1x16xf32> to vector<16xf32>
      %swap3A_818 = vector.shape_cast %scan3A_812#0 : vector<16xf32> to vector<1x16xf32>
      tpu.vector_store %arg12[%swap3A_814, %swap3A_815], %swap3A_818 {strides = array<i32>} : memref<128x128xf32, #tpu.memory_space<vmem>>, vector<1x16xf32>,
      %swap3A_819 = arith.index_cast %select_n3A_784 : i32 to index
      %swap3A_820 = arith.constant 16 : index
      %swap3A_821 = tpu.vector_load %arg12[%swap3A_819, %swap3A_820] {strides = array<i32>} : memref<128x128xf32, #tpu.memory_space<vmem>>, vector<1x16xf32>,
      %swap3A_822 = vector.shape_cast %swap3A_821 : vector<1x16xf32> to vector<16xf32>
      %swap3A_823 = vector.shape_cast %scan3A_812#1 : vector<16xf32> to vector<1x16xf32>
      tpu.vector_store %arg12[%swap3A_819, %swap3A_820], %swap3A_823 {strides = array<i32>} : memref<128x128xf32, #tpu.memory_space<vmem>>, vector<1x16xf32>,
      %swap3A_824 = arith.index_cast %select_n3A_784 : i32 to index
      %swap3A_825 = arith.constant 32 : index
      %swap3A_826 = tpu.vector_load %arg12[%swap3A_824, %swap3A_825] {strides = array<i32>} : memref<128x128xf32, #tpu.memory_space<vmem>>, vector<1x16xf32>,
      %swap3A_827 = vector.shape_cast %swap3A_826 : vector<1x16xf32> to vector<16xf32>
      %swap3A_828 = vector.shape_cast %scan3A_812#2 : vector<16xf32> to vector<1x16xf32>
      tpu.vector_store %arg12[%swap3A_824, %swap3A_825], %swap3A_828 {strides = array<i32>} : memref<128x128xf32, #tpu.memory_space<vmem>>, vector<1x16xf32>,
      %swap3A_829 = arith.index_cast %select_n3A_784 : i32 to index
      %swap3A_830 = arith.constant 48 : index
      %swap3A_831 = tpu.vector_load %arg12[%swap3A_829, %swap3A_830] {strides = array<i32>} : memref<128x128xf32, #tpu.memory_space<vmem>>, vector<1x16xf32>,
      %swap3A_832 = vector.shape_cast %swap3A_831 : vector<1x16xf32> to vector<16xf32>
      %swap3A_833 = vector.shape_cast %scan3A_812#3 : vector<16xf32> to vector<1x16xf32>
      tpu.vector_store %arg12[%swap3A_829, %swap3A_830], %swap3A_833 {strides = array<i32>} : memref<128x128xf32, #tpu.memory_space<vmem>>, vector<1x16xf32>,
      %swap3A_834 = arith.index_cast %select_n3A_784 : i32 to index
      %swap3A_835 = arith.constant 64 : index
      %swap3A_836 = tpu.vector_load %arg12[%swap3A_834, %swap3A_835] {strides = array<i32>} : memref<128x128xf32, #tpu.memory_space<vmem>>, vector<1x16xf32>,
      %swap3A_837 = vector.shape_cast %swap3A_836 : vector<1x16xf32> to vector<16xf32>
      %swap3A_838 = vector.shape_cast %scan3A_812#4 : vector<16xf32> to vector<1x16xf32>
      tpu.vector_store %arg12[%swap3A_834, %swap3A_835], %swap3A_838 {strides = array<i32>} : memref<128x128xf32, #tpu.memory_space<vmem>>, vector<1x16xf32>,
      %swap3A_839 = arith.index_cast %select_n3A_784 : i32 to index
      %swap3A_840 = arith.constant 80 : index
      %swap3A_841 = tpu.vector_load %arg12[%swap3A_839, %swap3A_840] {strides = array<i32>} : memref<128x128xf32, #tpu.memory_space<vmem>>, vector<1x16xf32>,
      %swap3A_842 = vector.shape_cast %swap3A_841 : vector<1x16xf32> to vector<16xf32>
      %swap3A_843 = vector.shape_cast %scan3A_812#5 : vector<16xf32> to vector<1x16xf32>
      tpu.vector_store %arg12[%swap3A_839, %swap3A_840], %swap3A_843 {strides = array<i32>} : memref<128x128xf32, #tpu.memory_space<vmem>>, vector<1x16xf32>,
      %swap3A_844 = arith.index_cast %select_n3A_784 : i32 to index
      %swap3A_845 = arith.constant 96 : index
      %swap3A_846 = tpu.vector_load %arg12[%swap3A_844, %swap3A_845] {strides = array<i32>} : memref<128x128xf32, #tpu.memory_space<vmem>>, vector<1x16xf32>,
      %swap3A_847 = vector.shape_cast %swap3A_846 : vector<1x16xf32> to vector<16xf32>
      %swap3A_848 = vector.shape_cast %scan3A_812#6 : vector<16xf32> to vector<1x16xf32>
      tpu.vector_store %arg12[%swap3A_844, %swap3A_845], %swap3A_848 {strides = array<i32>} : memref<128x128xf32, #tpu.memory_space<vmem>>, vector<1x16xf32>,
      %swap3A_849 = arith.index_cast %select_n3A_784 : i32 to index
      %swap3A_850 = arith.constant 112 : index
      %swap3A_851 = tpu.vector_load %arg12[%swap3A_849, %swap3A_850] {strides = array<i32>} : memref<128x128xf32, #tpu.memory_space<vmem>>, vector<1x16xf32>,
      %swap3A_852 = vector.shape_cast %swap3A_851 : vector<1x16xf32> to vector<16xf32>
      %swap3A_853 = vector.shape_cast %scan3A_812#7 : vector<16xf32> to vector<1x16xf32>
      tpu.vector_store %arg12[%swap3A_849, %swap3A_850], %swap3A_853 {strides = array<i32>} : memref<128x128xf32, #tpu.memory_space<vmem>>, vector<1x16xf32>,
      %add3A_854 = arith.constant 6 : i32
      %add3A_855 = arith.addi %add3A_760, %add3A_854 : i32
      %lt3A_856 = arith.constant 256 : i32
      %lt3A_857 = arith.cmpi slt, %add3A_855, %lt3A_856 : i32
      %convert_element_type3A_858 = arith.extui %lt3A_857 : i1 to i32
      %cond3A_859 = arith.constant 0 : i32
      %cond3A_860 = arith.cmpi ne, %convert_element_type3A_858, %cond3A_859 : i32
      scf.if %cond3A_860 {
        %add3A_1301 = arith.constant 6 : i32
        %add3A_1302 = arith.addi %add3A_760, %add3A_1301 : i32
        %dma_start3A_1303 = arith.constant 0 : i32
        %dma_start3A_1304 = tpu.memref_slice %arg5[%add3A_1302, %dma_start3A_1303] : memref<256x100xi32, #tpu.memory_space<vmem>> -> memref<1x100xi32, #tpu.memory_space<vmem>>
        %dma_start3A_1305 = tpu.memref_squeeze %dma_start3A_1304 : memref<1x100xi32, #tpu.memory_space<vmem>> -> memref<100xi32, #tpu.memory_space<vmem>>
        %dma_start3A_1306 = arith.constant 0 : i32
        %dma_start3A_1307 = arith.constant 0 : i32
        %dma_start3A_1308 = tpu.memref_slice %arg2[%dma_start3A_1306, %dma_start3A_1307] : memref<1000000x128xf32, #tpu.memory_space<hbm>> -> memref<1000000x128xf32, #tpu.memory_space<hbm>>
        tpu.enqueue_indirect_dma source(%dma_start3A_1308 : memref<1000000x128xf32, #tpu.memory_space<hbm>>) target(%arg8 : memref<100x128xf32, #tpu.memory_space<vmem>>) offsets(%dma_start3A_1305 : memref<100xi32, #tpu.memory_space<vmem>>) semaphore(%arg15 : memref<!tpu.dma_semaphore, #tpu.memory_space<semaphore_mem>>)
      } else {
      }
      %mul3A_861 = arith.constant 6 : i32
      %mul3A_862 = arith.muli %mul3A_861, %scan3A_495 : i32
      %add3A_863 = arith.constant 3 : i32
      %add3A_864 = arith.addi %mul3A_862, %add3A_863 : i32
      %jit3A_865 = arith.constant 2 : i32
      %div3A_866 = arith.divsi %add3A_864, %jit3A_865 : i32
      %sign3A_867 = arith.constant 0 : i32
      %sign3A_868 = arith.cmpi sgt, %add3A_864, %sign3A_867 : i32
      %sign3A_869 = arith.extui %sign3A_868 : i1 to i32
      %sign3A_870 = arith.constant 0 : i32
      %sign3A_871 = arith.cmpi slt, %add3A_864, %sign3A_870 : i32
      %sign3A_872 = arith.extui %sign3A_871 : i1 to i32
      %sign3A_873 = arith.subi %sign3A_869, %sign3A_872 : i32
      %sign3A_874 = arith.constant 0 : i32
      %sign3A_875 = arith.cmpi sgt, %jit3A_865, %sign3A_874 : i32
      %sign3A_876 = arith.extui %sign3A_875 : i1 to i32
      %sign3A_877 = arith.constant 0 : i32
      %sign3A_878 = arith.cmpi slt, %jit3A_865, %sign3A_877 : i32
      %sign3A_879 = arith.extui %sign3A_878 : i1 to i32
      %sign3A_880 = arith.subi %sign3A_876, %sign3A_879 : i32
      %ne3A_881 = arith.cmpi ne, %sign3A_873, %sign3A_880 : i32
      %rem3A_882 = arith.remsi %add3A_864, %jit3A_865 : i32
      %ne3A_883 = arith.constant 0 : i32
      %ne3A_884 = arith.cmpi ne, %rem3A_882, %ne3A_883 : i32
      %and3A_885 = arith.andi %ne3A_881, %ne3A_884 : i1
      %sub3A_886 = arith.constant 1 : i32
      %sub3A_887 = arith.subi %div3A_866, %sub3A_886 : i32
      %select_n3A_888 = arith.select %and3A_885, %sub3A_887, %div3A_866 : i32
      %dma_wait3A_889 = arith.constant 0 : i32
      %dma_wait3A_890 = arith.constant 0 : i32
      %dma_wait3A_891 = tpu.memref_slice %arg5[%dma_wait3A_889, %dma_wait3A_890] : memref<256x100xi32, #tpu.memory_space<vmem>> -> memref<1x100xi32, #tpu.memory_space<vmem>>
      %dma_wait3A_892 = tpu.memref_squeeze %dma_wait3A_891 : memref<1x100xi32, #tpu.memory_space<vmem>> -> memref<100xi32, #tpu.memory_space<vmem>>
      %dma_wait3A_893 = arith.constant 0 : i32
      %dma_wait3A_894 = arith.constant 0 : i32
      %dma_wait3A_895 = tpu.memref_slice %arg2[%dma_wait3A_893, %dma_wait3A_894] : memref<1000000x128xf32, #tpu.memory_space<hbm>> -> memref<1000000x128xf32, #tpu.memory_space<hbm>>
      tpu.wait_indirect_dma semaphore(%arg16 : memref<!tpu.dma_semaphore, #tpu.memory_space<semaphore_mem>>) src(%dma_wait3A_895 : memref<1000000x128xf32, #tpu.memory_space<hbm>>) dst(%arg9 : memref<100x128xf32, #tpu.memory_space<vmem>>)
      %broadcast_in_dim3A_896 = arith.constant 0.000000e+00 : f32
      %broadcast_in_dim3A_897 = vector.broadcast %broadcast_in_dim3A_896 : f32 to vector<16xf32>
      %broadcast_in_dim3A_898 = arith.constant 0.000000e+00 : f32
      %broadcast_in_dim3A_899 = vector.broadcast %broadcast_in_dim3A_898 : f32 to vector<16xf32>
      %broadcast_in_dim3A_900 = arith.constant 0.000000e+00 : f32
      %broadcast_in_dim3A_901 = vector.broadcast %broadcast_in_dim3A_900 : f32 to vector<16xf32>
      %broadcast_in_dim3A_902 = arith.constant 0.000000e+00 : f32
      %broadcast_in_dim3A_903 = vector.broadcast %broadcast_in_dim3A_902 : f32 to vector<16xf32>
      %broadcast_in_dim3A_904 = arith.constant 0.000000e+00 : f32
      %broadcast_in_dim3A_905 = vector.broadcast %broadcast_in_dim3A_904 : f32 to vector<16xf32>
      %broadcast_in_dim3A_906 = arith.constant 0.000000e+00 : f32
      %broadcast_in_dim3A_907 = vector.broadcast %broadcast_in_dim3A_906 : f32 to vector<16xf32>
      %broadcast_in_dim3A_908 = arith.constant 0.000000e+00 : f32
      %broadcast_in_dim3A_909 = vector.broadcast %broadcast_in_dim3A_908 : f32 to vector<16xf32>
      %broadcast_in_dim3A_910 = arith.constant 0.000000e+00 : f32
      %broadcast_in_dim3A_911 = vector.broadcast %broadcast_in_dim3A_910 : f32 to vector<16xf32>
      %scan3A_912 = arith.constant 0 : i32
      %scan3A_913 = arith.constant 100 : i32
      %scan3A_914 = arith.addi %scan3A_912, %scan3A_913 : i32
      %scan3A_915 = arith.constant 2 : i32
      %scan3A_916:8 = scf.for %scan3A_1301 = %scan3A_912 to %scan3A_914 step %scan3A_915 iter_args(%scan3A_1302 = %broadcast_in_dim3A_897, %scan3A_1303 = %broadcast_in_dim3A_899, %scan3A_1304 = %broadcast_in_dim3A_901, %scan3A_1305 = %broadcast_in_dim3A_903, %scan3A_1306 = %broadcast_in_dim3A_905, %scan3A_1307 = %broadcast_in_dim3A_907, %scan3A_1308 = %broadcast_in_dim3A_909, %scan3A_1309 = %broadcast_in_dim3A_911) -> (vector<16xf32>, vector<16xf32>, vector<16xf32>, vector<16xf32>, vector<16xf32>, vector<16xf32>, vector<16xf32>, vector<16xf32>)  : i32 {
        %get3A_1310 = arith.index_cast %scan3A_1301 : i32 to index
        %get3A_1311 = arith.constant 0 : index
        %get3A_1312 = tpu.vector_load %arg9[%get3A_1310, %get3A_1311] {strides = array<i32>} : memref<100x128xf32, #tpu.memory_space<vmem>>, vector<1x16xf32>,
        %get3A_1313 = vector.shape_cast %get3A_1312 : vector<1x16xf32> to vector<16xf32>
        %add3A_1314 = arith.addf %scan3A_1302, %get3A_1313 : vector<16xf32>
        %get3A_1315 = arith.index_cast %scan3A_1301 : i32 to index
        %get3A_1316 = arith.constant 16 : index
        %get3A_1317 = tpu.vector_load %arg9[%get3A_1315, %get3A_1316] {strides = array<i32>} : memref<100x128xf32, #tpu.memory_space<vmem>>, vector<1x16xf32>,
        %get3A_1318 = vector.shape_cast %get3A_1317 : vector<1x16xf32> to vector<16xf32>
        %add3A_1319 = arith.addf %scan3A_1303, %get3A_1318 : vector<16xf32>
        %get3A_1320 = arith.index_cast %scan3A_1301 : i32 to index
        %get3A_1321 = arith.constant 32 : index
        %get3A_1322 = tpu.vector_load %arg9[%get3A_1320, %get3A_1321] {strides = array<i32>} : memref<100x128xf32, #tpu.memory_space<vmem>>, vector<1x16xf32>,
        %get3A_1323 = vector.shape_cast %get3A_1322 : vector<1x16xf32> to vector<16xf32>
        %add3A_1324 = arith.addf %scan3A_1304, %get3A_1323 : vector<16xf32>
        %get3A_1325 = arith.index_cast %scan3A_1301 : i32 to index
        %get3A_1326 = arith.constant 48 : index
        %get3A_1327 = tpu.vector_load %arg9[%get3A_1325, %get3A_1326] {strides = array<i32>} : memref<100x128xf32, #tpu.memory_space<vmem>>, vector<1x16xf32>,
        %get3A_1328 = vector.shape_cast %get3A_1327 : vector<1x16xf32> to vector<16xf32>
        %add3A_1329 = arith.addf %scan3A_1305, %get3A_1328 : vector<16xf32>
        %get3A_1330 = arith.index_cast %scan3A_1301 : i32 to index
        %get3A_1331 = arith.constant 64 : index
        %get3A_1332 = tpu.vector_load %arg9[%get3A_1330, %get3A_1331] {strides = array<i32>} : memref<100x128xf32, #tpu.memory_space<vmem>>, vector<1x16xf32>,
        %get3A_1333 = vector.shape_cast %get3A_1332 : vector<1x16xf32> to vector<16xf32>
        %add3A_1334 = arith.addf %scan3A_1306, %get3A_1333 : vector<16xf32>
        %get3A_1335 = arith.index_cast %scan3A_1301 : i32 to index
        %get3A_1336 = arith.constant 80 : index
        %get3A_1337 = tpu.vector_load %arg9[%get3A_1335, %get3A_1336] {strides = array<i32>} : memref<100x128xf32, #tpu.memory_space<vmem>>, vector<1x16xf32>,
        %get3A_1338 = vector.shape_cast %get3A_1337 : vector<1x16xf32> to vector<16xf32>
        %add3A_1339 = arith.addf %scan3A_1307, %get3A_1338 : vector<16xf32>
        %get3A_1340 = arith.index_cast %scan3A_1301 : i32 to index
        %get3A_1341 = arith.constant 96 : index
        %get3A_1342 = tpu.vector_load %arg9[%get3A_1340, %get3A_1341] {strides = array<i32>} : memref<100x128xf32, #tpu.memory_space<vmem>>, vector<1x16xf32>,
        %get3A_1343 = vector.shape_cast %get3A_1342 : vector<1x16xf32> to vector<16xf32>
        %add3A_1344 = arith.addf %scan3A_1308, %get3A_1343 : vector<16xf32>
        %get3A_1345 = arith.index_cast %scan3A_1301 : i32 to index
        %get3A_1346 = arith.constant 112 : index
        %get3A_1347 = tpu.vector_load %arg9[%get3A_1345, %get3A_1346] {strides = array<i32>} : memref<100x128xf32, #tpu.memory_space<vmem>>, vector<1x16xf32>,
        %get3A_1348 = vector.shape_cast %get3A_1347 : vector<1x16xf32> to vector<16xf32>
        %add3A_1349 = arith.addf %scan3A_1309, %get3A_1348 : vector<16xf32>
        %scan3A_1350 = arith.constant 1 : i32
        %scan3A_1351 = arith.addi %scan3A_1301, %scan3A_1350 : i32
        %get3A_1352 = arith.index_cast %scan3A_1351 : i32 to index
        %get3A_1353 = arith.constant 0 : index
        %get3A_1354 = tpu.vector_load %arg9[%get3A_1352, %get3A_1353] {strides = array<i32>} : memref<100x128xf32, #tpu.memory_space<vmem>>, vector<1x16xf32>,
        %get3A_1355 = vector.shape_cast %get3A_1354 : vector<1x16xf32> to vector<16xf32>
        %add3A_1356 = arith.addf %add3A_1314, %get3A_1355 : vector<16xf32>
        %get3A_1357 = arith.index_cast %scan3A_1351 : i32 to index
        %get3A_1358 = arith.constant 16 : index
        %get3A_1359 = tpu.vector_load %arg9[%get3A_1357, %get3A_1358] {strides = array<i32>} : memref<100x128xf32, #tpu.memory_space<vmem>>, vector<1x16xf32>,
        %get3A_1360 = vector.shape_cast %get3A_1359 : vector<1x16xf32> to vector<16xf32>
        %add3A_1361 = arith.addf %add3A_1319, %get3A_1360 : vector<16xf32>
        %get3A_1362 = arith.index_cast %scan3A_1351 : i32 to index
        %get3A_1363 = arith.constant 32 : index
        %get3A_1364 = tpu.vector_load %arg9[%get3A_1362, %get3A_1363] {strides = array<i32>} : memref<100x128xf32, #tpu.memory_space<vmem>>, vector<1x16xf32>,
        %get3A_1365 = vector.shape_cast %get3A_1364 : vector<1x16xf32> to vector<16xf32>
        %add3A_1366 = arith.addf %add3A_1324, %get3A_1365 : vector<16xf32>
        %get3A_1367 = arith.index_cast %scan3A_1351 : i32 to index
        %get3A_1368 = arith.constant 48 : index
        %get3A_1369 = tpu.vector_load %arg9[%get3A_1367, %get3A_1368] {strides = array<i32>} : memref<100x128xf32, #tpu.memory_space<vmem>>, vector<1x16xf32>,
        %get3A_1370 = vector.shape_cast %get3A_1369 : vector<1x16xf32> to vector<16xf32>
        %add3A_1371 = arith.addf %add3A_1329, %get3A_1370 : vector<16xf32>
        %get3A_1372 = arith.index_cast %scan3A_1351 : i32 to index
        %get3A_1373 = arith.constant 64 : index
        %get3A_1374 = tpu.vector_load %arg9[%get3A_1372, %get3A_1373] {strides = array<i32>} : memref<100x128xf32, #tpu.memory_space<vmem>>, vector<1x16xf32>,
        %get3A_1375 = vector.shape_cast %get3A_1374 : vector<1x16xf32> to vector<16xf32>
        %add3A_1376 = arith.addf %add3A_1334, %get3A_1375 : vector<16xf32>
        %get3A_1377 = arith.index_cast %scan3A_1351 : i32 to index
        %get3A_1378 = arith.constant 80 : index
        %get3A_1379 = tpu.vector_load %arg9[%get3A_1377, %get3A_1378] {strides = array<i32>} : memref<100x128xf32, #tpu.memory_space<vmem>>, vector<1x16xf32>,
        %get3A_1380 = vector.shape_cast %get3A_1379 : vector<1x16xf32> to vector<16xf32>
        %add3A_1381 = arith.addf %add3A_1339, %get3A_1380 : vector<16xf32>
        %get3A_1382 = arith.index_cast %scan3A_1351 : i32 to index
        %get3A_1383 = arith.constant 96 : index
        %get3A_1384 = tpu.vector_load %arg9[%get3A_1382, %get3A_1383] {strides = array<i32>} : memref<100x128xf32, #tpu.memory_space<vmem>>, vector<1x16xf32>,
        %get3A_1385 = vector.shape_cast %get3A_1384 : vector<1x16xf32> to vector<16xf32>
        %add3A_1386 = arith.addf %add3A_1344, %get3A_1385 : vector<16xf32>
        %get3A_1387 = arith.index_cast %scan3A_1351 : i32 to index
        %get3A_1388 = arith.constant 112 : index
        %get3A_1389 = tpu.vector_load %arg9[%get3A_1387, %get3A_1388] {strides = array<i32>} : memref<100x128xf32, #tpu.memory_space<vmem>>, vector<1x16xf32>,
        %get3A_1390 = vector.shape_cast %get3A_1389 : vector<1x16xf32> to vector<16xf32>
        %add3A_1391 = arith.addf %add3A_1349, %get3A_1390 : vector<16xf32>
        scf.yield %add3A_1356, %add3A_1361, %add3A_1366, %add3A_1371, %add3A_1376, %add3A_1381, %add3A_1386, %add3A_1391 : vector<16xf32>, vector<16xf32>, vector<16xf32>, vector<16xf32>, vector<16xf32>, vector<16xf32>, vector<16xf32>, vector<16xf32>
      }
      %scan3A_917 = arith.constant 100 : i32
      %get3A_918 = arith.index_cast %select_n3A_888 : i32 to index
      %get3A_919 = arith.constant 0 : index
      %get3A_920 = tpu.vector_load %arg12[%get3A_918, %get3A_919] {strides = array<i32>} : memref<128x128xf32, #tpu.memory_space<vmem>>, vector<1x16xf32>,
      %get3A_921 = vector.shape_cast %get3A_920 : vector<1x16xf32> to vector<16xf32>
      %add3A_922 = arith.addf %get3A_921, %scan3A_916#0 : vector<16xf32>
      %mul3A_923 = arith.constant 5.000000e-03 : f32
      %mul3A_924 = vector.broadcast %mul3A_923 : f32 to vector<16xf32>
      %mul3A_925 = arith.mulf %add3A_922, %mul3A_924 : vector<16xf32>
      %swap3A_926 = arith.index_cast %select_n3A_888 : i32 to index
      %swap3A_927 = arith.constant 0 : index
      %swap3A_928 = tpu.vector_load %arg12[%swap3A_926, %swap3A_927] {strides = array<i32>} : memref<128x128xf32, #tpu.memory_space<vmem>>, vector<1x16xf32>,
      %swap3A_929 = vector.shape_cast %swap3A_928 : vector<1x16xf32> to vector<16xf32>
      %swap3A_930 = vector.shape_cast %mul3A_925 : vector<16xf32> to vector<1x16xf32>
      tpu.vector_store %arg12[%swap3A_926, %swap3A_927], %swap3A_930 {strides = array<i32>} : memref<128x128xf32, #tpu.memory_space<vmem>>, vector<1x16xf32>,
      %get3A_931 = arith.index_cast %select_n3A_888 : i32 to index
      %get3A_932 = arith.constant 16 : index
      %get3A_933 = tpu.vector_load %arg12[%get3A_931, %get3A_932] {strides = array<i32>} : memref<128x128xf32, #tpu.memory_space<vmem>>, vector<1x16xf32>,
      %get3A_934 = vector.shape_cast %get3A_933 : vector<1x16xf32> to vector<16xf32>
      %add3A_935 = arith.addf %get3A_934, %scan3A_916#1 : vector<16xf32>
      %mul3A_936 = arith.constant 5.000000e-03 : f32
      %mul3A_937 = vector.broadcast %mul3A_936 : f32 to vector<16xf32>
      %mul3A_938 = arith.mulf %add3A_935, %mul3A_937 : vector<16xf32>
      %swap3A_939 = arith.index_cast %select_n3A_888 : i32 to index
      %swap3A_940 = arith.constant 16 : index
      %swap3A_941 = tpu.vector_load %arg12[%swap3A_939, %swap3A_940] {strides = array<i32>} : memref<128x128xf32, #tpu.memory_space<vmem>>, vector<1x16xf32>,
      %swap3A_942 = vector.shape_cast %swap3A_941 : vector<1x16xf32> to vector<16xf32>
      %swap3A_943 = vector.shape_cast %mul3A_938 : vector<16xf32> to vector<1x16xf32>
      tpu.vector_store %arg12[%swap3A_939, %swap3A_940], %swap3A_943 {strides = array<i32>} : memref<128x128xf32, #tpu.memory_space<vmem>>, vector<1x16xf32>,
      %get3A_944 = arith.index_cast %select_n3A_888 : i32 to index
      %get3A_945 = arith.constant 32 : index
      %get3A_946 = tpu.vector_load %arg12[%get3A_944, %get3A_945] {strides = array<i32>} : memref<128x128xf32, #tpu.memory_space<vmem>>, vector<1x16xf32>,
      %get3A_947 = vector.shape_cast %get3A_946 : vector<1x16xf32> to vector<16xf32>
      %add3A_948 = arith.addf %get3A_947, %scan3A_916#2 : vector<16xf32>
      %mul3A_949 = arith.constant 5.000000e-03 : f32
      %mul3A_950 = vector.broadcast %mul3A_949 : f32 to vector<16xf32>
      %mul3A_951 = arith.mulf %add3A_948, %mul3A_950 : vector<16xf32>
      %swap3A_952 = arith.index_cast %select_n3A_888 : i32 to index
      %swap3A_953 = arith.constant 32 : index
      %swap3A_954 = tpu.vector_load %arg12[%swap3A_952, %swap3A_953] {strides = array<i32>} : memref<128x128xf32, #tpu.memory_space<vmem>>, vector<1x16xf32>,
      %swap3A_955 = vector.shape_cast %swap3A_954 : vector<1x16xf32> to vector<16xf32>
      %swap3A_956 = vector.shape_cast %mul3A_951 : vector<16xf32> to vector<1x16xf32>
      tpu.vector_store %arg12[%swap3A_952, %swap3A_953], %swap3A_956 {strides = array<i32>} : memref<128x128xf32, #tpu.memory_space<vmem>>, vector<1x16xf32>,
      %get3A_957 = arith.index_cast %select_n3A_888 : i32 to index
      %get3A_958 = arith.constant 48 : index
      %get3A_959 = tpu.vector_load %arg12[%get3A_957, %get3A_958] {strides = array<i32>} : memref<128x128xf32, #tpu.memory_space<vmem>>, vector<1x16xf32>,
      %get3A_960 = vector.shape_cast %get3A_959 : vector<1x16xf32> to vector<16xf32>
      %add3A_961 = arith.addf %get3A_960, %scan3A_916#3 : vector<16xf32>
      %mul3A_962 = arith.constant 5.000000e-03 : f32
      %mul3A_963 = vector.broadcast %mul3A_962 : f32 to vector<16xf32>
      %mul3A_964 = arith.mulf %add3A_961, %mul3A_963 : vector<16xf32>
      %swap3A_965 = arith.index_cast %select_n3A_888 : i32 to index
      %swap3A_966 = arith.constant 48 : index
      %swap3A_967 = tpu.vector_load %arg12[%swap3A_965, %swap3A_966] {strides = array<i32>} : memref<128x128xf32, #tpu.memory_space<vmem>>, vector<1x16xf32>,
      %swap3A_968 = vector.shape_cast %swap3A_967 : vector<1x16xf32> to vector<16xf32>
      %swap3A_969 = vector.shape_cast %mul3A_964 : vector<16xf32> to vector<1x16xf32>
      tpu.vector_store %arg12[%swap3A_965, %swap3A_966], %swap3A_969 {strides = array<i32>} : memref<128x128xf32, #tpu.memory_space<vmem>>, vector<1x16xf32>,
      %get3A_970 = arith.index_cast %select_n3A_888 : i32 to index
      %get3A_971 = arith.constant 64 : index
      %get3A_972 = tpu.vector_load %arg12[%get3A_970, %get3A_971] {strides = array<i32>} : memref<128x128xf32, #tpu.memory_space<vmem>>, vector<1x16xf32>,
      %get3A_973 = vector.shape_cast %get3A_972 : vector<1x16xf32> to vector<16xf32>
      %add3A_974 = arith.addf %get3A_973, %scan3A_916#4 : vector<16xf32>
      %mul3A_975 = arith.constant 5.000000e-03 : f32
      %mul3A_976 = vector.broadcast %mul3A_975 : f32 to vector<16xf32>
      %mul3A_977 = arith.mulf %add3A_974, %mul3A_976 : vector<16xf32>
      %swap3A_978 = arith.index_cast %select_n3A_888 : i32 to index
      %swap3A_979 = arith.constant 64 : index
      %swap3A_980 = tpu.vector_load %arg12[%swap3A_978, %swap3A_979] {strides = array<i32>} : memref<128x128xf32, #tpu.memory_space<vmem>>, vector<1x16xf32>,
      %swap3A_981 = vector.shape_cast %swap3A_980 : vector<1x16xf32> to vector<16xf32>
      %swap3A_982 = vector.shape_cast %mul3A_977 : vector<16xf32> to vector<1x16xf32>
      tpu.vector_store %arg12[%swap3A_978, %swap3A_979], %swap3A_982 {strides = array<i32>} : memref<128x128xf32, #tpu.memory_space<vmem>>, vector<1x16xf32>,
      %get3A_983 = arith.index_cast %select_n3A_888 : i32 to index
      %get3A_984 = arith.constant 80 : index
      %get3A_985 = tpu.vector_load %arg12[%get3A_983, %get3A_984] {strides = array<i32>} : memref<128x128xf32, #tpu.memory_space<vmem>>, vector<1x16xf32>,
      %get3A_986 = vector.shape_cast %get3A_985 : vector<1x16xf32> to vector<16xf32>
      %add3A_987 = arith.addf %get3A_986, %scan3A_916#5 : vector<16xf32>
      %mul3A_988 = arith.constant 5.000000e-03 : f32
      %mul3A_989 = vector.broadcast %mul3A_988 : f32 to vector<16xf32>
      %mul3A_990 = arith.mulf %add3A_987, %mul3A_989 : vector<16xf32>
      %swap3A_991 = arith.index_cast %select_n3A_888 : i32 to index
      %swap3A_992 = arith.constant 80 : index
      %swap3A_993 = tpu.vector_load %arg12[%swap3A_991, %swap3A_992] {strides = array<i32>} : memref<128x128xf32, #tpu.memory_space<vmem>>, vector<1x16xf32>,
      %swap3A_994 = vector.shape_cast %swap3A_993 : vector<1x16xf32> to vector<16xf32>
      %swap3A_995 = vector.shape_cast %mul3A_990 : vector<16xf32> to vector<1x16xf32>
      tpu.vector_store %arg12[%swap3A_991, %swap3A_992], %swap3A_995 {strides = array<i32>} : memref<128x128xf32, #tpu.memory_space<vmem>>, vector<1x16xf32>,
      %get3A_996 = arith.index_cast %select_n3A_888 : i32 to index
      %get3A_997 = arith.constant 96 : index
      %get3A_998 = tpu.vector_load %arg12[%get3A_996, %get3A_997] {strides = array<i32>} : memref<128x128xf32, #tpu.memory_space<vmem>>, vector<1x16xf32>,
      %get3A_999 = vector.shape_cast %get3A_998 : vector<1x16xf32> to vector<16xf32>
      %add3A_1000 = arith.addf %get3A_999, %scan3A_916#6 : vector<16xf32>
      %mul3A_1001 = arith.constant 5.000000e-03 : f32
      %mul3A_1002 = vector.broadcast %mul3A_1001 : f32 to vector<16xf32>
      %mul3A_1003 = arith.mulf %add3A_1000, %mul3A_1002 : vector<16xf32>
      %swap3A_1004 = arith.index_cast %select_n3A_888 : i32 to index
      %swap3A_1005 = arith.constant 96 : index
      %swap3A_1006 = tpu.vector_load %arg12[%swap3A_1004, %swap3A_1005] {strides = array<i32>} : memref<128x128xf32, #tpu.memory_space<vmem>>, vector<1x16xf32>,
      %swap3A_1007 = vector.shape_cast %swap3A_1006 : vector<1x16xf32> to vector<16xf32>
      %swap3A_1008 = vector.shape_cast %mul3A_1003 : vector<16xf32> to vector<1x16xf32>
      tpu.vector_store %arg12[%swap3A_1004, %swap3A_1005], %swap3A_1008 {strides = array<i32>} : memref<128x128xf32, #tpu.memory_space<vmem>>, vector<1x16xf32>,
      %get3A_1009 = arith.index_cast %select_n3A_888 : i32 to index
      %get3A_1010 = arith.constant 112 : index
      %get3A_1011 = tpu.vector_load %arg12[%get3A_1009, %get3A_1010] {strides = array<i32>} : memref<128x128xf32, #tpu.memory_space<vmem>>, vector<1x16xf32>,
      %get3A_1012 = vector.shape_cast %get3A_1011 : vector<1x16xf32> to vector<16xf32>
      %add3A_1013 = arith.addf %get3A_1012, %scan3A_916#7 : vector<16xf32>
      %mul3A_1014 = arith.constant 5.000000e-03 : f32
      %mul3A_1015 = vector.broadcast %mul3A_1014 : f32 to vector<16xf32>
      %mul3A_1016 = arith.mulf %add3A_1013, %mul3A_1015 : vector<16xf32>
      %swap3A_1017 = arith.index_cast %select_n3A_888 : i32 to index
      %swap3A_1018 = arith.constant 112 : index
      %swap3A_1019 = tpu.vector_load %arg12[%swap3A_1017, %swap3A_1018] {strides = array<i32>} : memref<128x128xf32, #tpu.memory_space<vmem>>, vector<1x16xf32>,
      %swap3A_1020 = vector.shape_cast %swap3A_1019 : vector<1x16xf32> to vector<16xf32>
      %swap3A_1021 = vector.shape_cast %mul3A_1016 : vector<16xf32> to vector<1x16xf32>
      tpu.vector_store %arg12[%swap3A_1017, %swap3A_1018], %swap3A_1021 {strides = array<i32>} : memref<128x128xf32, #tpu.memory_space<vmem>>, vector<1x16xf32>,
      %add3A_1022 = arith.constant 6 : i32
      %add3A_1023 = arith.addi %add3A_864, %add3A_1022 : i32
      %lt3A_1024 = arith.constant 256 : i32
      %lt3A_1025 = arith.cmpi slt, %add3A_1023, %lt3A_1024 : i32
      %convert_element_type3A_1026 = arith.extui %lt3A_1025 : i1 to i32
      %cond3A_1027 = arith.constant 0 : i32
      %cond3A_1028 = arith.cmpi ne, %convert_element_type3A_1026, %cond3A_1027 : i32
      scf.if %cond3A_1028 {
        %add3A_1301 = arith.constant 6 : i32
        %add3A_1302 = arith.addi %add3A_864, %add3A_1301 : i32
        %dma_start3A_1303 = arith.constant 0 : i32
        %dma_start3A_1304 = tpu.memref_slice %arg5[%add3A_1302, %dma_start3A_1303] : memref<256x100xi32, #tpu.memory_space<vmem>> -> memref<1x100xi32, #tpu.memory_space<vmem>>
        %dma_start3A_1305 = tpu.memref_squeeze %dma_start3A_1304 : memref<1x100xi32, #tpu.memory_space<vmem>> -> memref<100xi32, #tpu.memory_space<vmem>>
        %dma_start3A_1306 = arith.constant 0 : i32
        %dma_start3A_1307 = arith.constant 0 : i32
        %dma_start3A_1308 = tpu.memref_slice %arg2[%dma_start3A_1306, %dma_start3A_1307] : memref<1000000x128xf32, #tpu.memory_space<hbm>> -> memref<1000000x128xf32, #tpu.memory_space<hbm>>
        tpu.enqueue_indirect_dma source(%dma_start3A_1308 : memref<1000000x128xf32, #tpu.memory_space<hbm>>) target(%arg9 : memref<100x128xf32, #tpu.memory_space<vmem>>) offsets(%dma_start3A_1305 : memref<100xi32, #tpu.memory_space<vmem>>) semaphore(%arg16 : memref<!tpu.dma_semaphore, #tpu.memory_space<semaphore_mem>>)
      } else {
      }
      %mul3A_1029 = arith.constant 6 : i32
      %mul3A_1030 = arith.muli %mul3A_1029, %scan3A_495 : i32
      %add3A_1031 = arith.constant 4 : i32
      %add3A_1032 = arith.addi %mul3A_1030, %add3A_1031 : i32
      %jit3A_1033 = arith.constant 2 : i32
      %div3A_1034 = arith.divsi %add3A_1032, %jit3A_1033 : i32
      %sign3A_1035 = arith.constant 0 : i32
      %sign3A_1036 = arith.cmpi sgt, %add3A_1032, %sign3A_1035 : i32
      %sign3A_1037 = arith.extui %sign3A_1036 : i1 to i32
      %sign3A_1038 = arith.constant 0 : i32
      %sign3A_1039 = arith.cmpi slt, %add3A_1032, %sign3A_1038 : i32
      %sign3A_1040 = arith.extui %sign3A_1039 : i1 to i32
      %sign3A_1041 = arith.subi %sign3A_1037, %sign3A_1040 : i32
      %sign3A_1042 = arith.constant 0 : i32
      %sign3A_1043 = arith.cmpi sgt, %jit3A_1033, %sign3A_1042 : i32
      %sign3A_1044 = arith.extui %sign3A_1043 : i1 to i32
      %sign3A_1045 = arith.constant 0 : i32
      %sign3A_1046 = arith.cmpi slt, %jit3A_1033, %sign3A_1045 : i32
      %sign3A_1047 = arith.extui %sign3A_1046 : i1 to i32
      %sign3A_1048 = arith.subi %sign3A_1044, %sign3A_1047 : i32
      %ne3A_1049 = arith.cmpi ne, %sign3A_1041, %sign3A_1048 : i32
      %rem3A_1050 = arith.remsi %add3A_1032, %jit3A_1033 : i32
      %ne3A_1051 = arith.constant 0 : i32
      %ne3A_1052 = arith.cmpi ne, %rem3A_1050, %ne3A_1051 : i32
      %and3A_1053 = arith.andi %ne3A_1049, %ne3A_1052 : i1
      %sub3A_1054 = arith.constant 1 : i32
      %sub3A_1055 = arith.subi %div3A_1034, %sub3A_1054 : i32
      %select_n3A_1056 = arith.select %and3A_1053, %sub3A_1055, %div3A_1034 : i32
      %dma_wait3A_1057 = arith.constant 0 : i32
      %dma_wait3A_1058 = arith.constant 0 : i32
      %dma_wait3A_1059 = tpu.memref_slice %arg5[%dma_wait3A_1057, %dma_wait3A_1058] : memref<256x100xi32, #tpu.memory_space<vmem>> -> memref<1x100xi32, #tpu.memory_space<vmem>>
      %dma_wait3A_1060 = tpu.memref_squeeze %dma_wait3A_1059 : memref<1x100xi32, #tpu.memory_space<vmem>> -> memref<100xi32, #tpu.memory_space<vmem>>
      %dma_wait3A_1061 = arith.constant 0 : i32
      %dma_wait3A_1062 = arith.constant 0 : i32
      %dma_wait3A_1063 = tpu.memref_slice %arg2[%dma_wait3A_1061, %dma_wait3A_1062] : memref<1000000x128xf32, #tpu.memory_space<hbm>> -> memref<1000000x128xf32, #tpu.memory_space<hbm>>
      tpu.wait_indirect_dma semaphore(%arg17 : memref<!tpu.dma_semaphore, #tpu.memory_space<semaphore_mem>>) src(%dma_wait3A_1063 : memref<1000000x128xf32, #tpu.memory_space<hbm>>) dst(%arg10 : memref<100x128xf32, #tpu.memory_space<vmem>>)
      %broadcast_in_dim3A_1064 = arith.constant 0.000000e+00 : f32
      %broadcast_in_dim3A_1065 = vector.broadcast %broadcast_in_dim3A_1064 : f32 to vector<16xf32>
      %broadcast_in_dim3A_1066 = arith.constant 0.000000e+00 : f32
      %broadcast_in_dim3A_1067 = vector.broadcast %broadcast_in_dim3A_1066 : f32 to vector<16xf32>
      %broadcast_in_dim3A_1068 = arith.constant 0.000000e+00 : f32
      %broadcast_in_dim3A_1069 = vector.broadcast %broadcast_in_dim3A_1068 : f32 to vector<16xf32>
      %broadcast_in_dim3A_1070 = arith.constant 0.000000e+00 : f32
      %broadcast_in_dim3A_1071 = vector.broadcast %broadcast_in_dim3A_1070 : f32 to vector<16xf32>
      %broadcast_in_dim3A_1072 = arith.constant 0.000000e+00 : f32
      %broadcast_in_dim3A_1073 = vector.broadcast %broadcast_in_dim3A_1072 : f32 to vector<16xf32>
      %broadcast_in_dim3A_1074 = arith.constant 0.000000e+00 : f32
      %broadcast_in_dim3A_1075 = vector.broadcast %broadcast_in_dim3A_1074 : f32 to vector<16xf32>
      %broadcast_in_dim3A_1076 = arith.constant 0.000000e+00 : f32
      %broadcast_in_dim3A_1077 = vector.broadcast %broadcast_in_dim3A_1076 : f32 to vector<16xf32>
      %broadcast_in_dim3A_1078 = arith.constant 0.000000e+00 : f32
      %broadcast_in_dim3A_1079 = vector.broadcast %broadcast_in_dim3A_1078 : f32 to vector<16xf32>
      %scan3A_1080 = arith.constant 0 : i32
      %scan3A_1081 = arith.constant 100 : i32
      %scan3A_1082 = arith.addi %scan3A_1080, %scan3A_1081 : i32
      %scan3A_1083 = arith.constant 2 : i32
      %scan3A_1084:8 = scf.for %scan3A_1301 = %scan3A_1080 to %scan3A_1082 step %scan3A_1083 iter_args(%scan3A_1302 = %broadcast_in_dim3A_1065, %scan3A_1303 = %broadcast_in_dim3A_1067, %scan3A_1304 = %broadcast_in_dim3A_1069, %scan3A_1305 = %broadcast_in_dim3A_1071, %scan3A_1306 = %broadcast_in_dim3A_1073, %scan3A_1307 = %broadcast_in_dim3A_1075, %scan3A_1308 = %broadcast_in_dim3A_1077, %scan3A_1309 = %broadcast_in_dim3A_1079) -> (vector<16xf32>, vector<16xf32>, vector<16xf32>, vector<16xf32>, vector<16xf32>, vector<16xf32>, vector<16xf32>, vector<16xf32>)  : i32 {
        %get3A_1310 = arith.index_cast %scan3A_1301 : i32 to index
        %get3A_1311 = arith.constant 0 : index
        %get3A_1312 = tpu.vector_load %arg10[%get3A_1310, %get3A_1311] {strides = array<i32>} : memref<100x128xf32, #tpu.memory_space<vmem>>, vector<1x16xf32>,
        %get3A_1313 = vector.shape_cast %get3A_1312 : vector<1x16xf32> to vector<16xf32>
        %add3A_1314 = arith.addf %scan3A_1302, %get3A_1313 : vector<16xf32>
        %get3A_1315 = arith.index_cast %scan3A_1301 : i32 to index
        %get3A_1316 = arith.constant 16 : index
        %get3A_1317 = tpu.vector_load %arg10[%get3A_1315, %get3A_1316] {strides = array<i32>} : memref<100x128xf32, #tpu.memory_space<vmem>>, vector<1x16xf32>,
        %get3A_1318 = vector.shape_cast %get3A_1317 : vector<1x16xf32> to vector<16xf32>
        %add3A_1319 = arith.addf %scan3A_1303, %get3A_1318 : vector<16xf32>
        %get3A_1320 = arith.index_cast %scan3A_1301 : i32 to index
        %get3A_1321 = arith.constant 32 : index
        %get3A_1322 = tpu.vector_load %arg10[%get3A_1320, %get3A_1321] {strides = array<i32>} : memref<100x128xf32, #tpu.memory_space<vmem>>, vector<1x16xf32>,
        %get3A_1323 = vector.shape_cast %get3A_1322 : vector<1x16xf32> to vector<16xf32>
        %add3A_1324 = arith.addf %scan3A_1304, %get3A_1323 : vector<16xf32>
        %get3A_1325 = arith.index_cast %scan3A_1301 : i32 to index
        %get3A_1326 = arith.constant 48 : index
        %get3A_1327 = tpu.vector_load %arg10[%get3A_1325, %get3A_1326] {strides = array<i32>} : memref<100x128xf32, #tpu.memory_space<vmem>>, vector<1x16xf32>,
        %get3A_1328 = vector.shape_cast %get3A_1327 : vector<1x16xf32> to vector<16xf32>
        %add3A_1329 = arith.addf %scan3A_1305, %get3A_1328 : vector<16xf32>
        %get3A_1330 = arith.index_cast %scan3A_1301 : i32 to index
        %get3A_1331 = arith.constant 64 : index
        %get3A_1332 = tpu.vector_load %arg10[%get3A_1330, %get3A_1331] {strides = array<i32>} : memref<100x128xf32, #tpu.memory_space<vmem>>, vector<1x16xf32>,
        %get3A_1333 = vector.shape_cast %get3A_1332 : vector<1x16xf32> to vector<16xf32>
        %add3A_1334 = arith.addf %scan3A_1306, %get3A_1333 : vector<16xf32>
        %get3A_1335 = arith.index_cast %scan3A_1301 : i32 to index
        %get3A_1336 = arith.constant 80 : index
        %get3A_1337 = tpu.vector_load %arg10[%get3A_1335, %get3A_1336] {strides = array<i32>} : memref<100x128xf32, #tpu.memory_space<vmem>>, vector<1x16xf32>,
        %get3A_1338 = vector.shape_cast %get3A_1337 : vector<1x16xf32> to vector<16xf32>
        %add3A_1339 = arith.addf %scan3A_1307, %get3A_1338 : vector<16xf32>
        %get3A_1340 = arith.index_cast %scan3A_1301 : i32 to index
        %get3A_1341 = arith.constant 96 : index
        %get3A_1342 = tpu.vector_load %arg10[%get3A_1340, %get3A_1341] {strides = array<i32>} : memref<100x128xf32, #tpu.memory_space<vmem>>, vector<1x16xf32>,
        %get3A_1343 = vector.shape_cast %get3A_1342 : vector<1x16xf32> to vector<16xf32>
        %add3A_1344 = arith.addf %scan3A_1308, %get3A_1343 : vector<16xf32>
        %get3A_1345 = arith.index_cast %scan3A_1301 : i32 to index
        %get3A_1346 = arith.constant 112 : index
        %get3A_1347 = tpu.vector_load %arg10[%get3A_1345, %get3A_1346] {strides = array<i32>} : memref<100x128xf32, #tpu.memory_space<vmem>>, vector<1x16xf32>,
        %get3A_1348 = vector.shape_cast %get3A_1347 : vector<1x16xf32> to vector<16xf32>
        %add3A_1349 = arith.addf %scan3A_1309, %get3A_1348 : vector<16xf32>
        %scan3A_1350 = arith.constant 1 : i32
        %scan3A_1351 = arith.addi %scan3A_1301, %scan3A_1350 : i32
        %get3A_1352 = arith.index_cast %scan3A_1351 : i32 to index
        %get3A_1353 = arith.constant 0 : index
        %get3A_1354 = tpu.vector_load %arg10[%get3A_1352, %get3A_1353] {strides = array<i32>} : memref<100x128xf32, #tpu.memory_space<vmem>>, vector<1x16xf32>,
        %get3A_1355 = vector.shape_cast %get3A_1354 : vector<1x16xf32> to vector<16xf32>
        %add3A_1356 = arith.addf %add3A_1314, %get3A_1355 : vector<16xf32>
        %get3A_1357 = arith.index_cast %scan3A_1351 : i32 to index
        %get3A_1358 = arith.constant 16 : index
        %get3A_1359 = tpu.vector_load %arg10[%get3A_1357, %get3A_1358] {strides = array<i32>} : memref<100x128xf32, #tpu.memory_space<vmem>>, vector<1x16xf32>,
        %get3A_1360 = vector.shape_cast %get3A_1359 : vector<1x16xf32> to vector<16xf32>
        %add3A_1361 = arith.addf %add3A_1319, %get3A_1360 : vector<16xf32>
        %get3A_1362 = arith.index_cast %scan3A_1351 : i32 to index
        %get3A_1363 = arith.constant 32 : index
        %get3A_1364 = tpu.vector_load %arg10[%get3A_1362, %get3A_1363] {strides = array<i32>} : memref<100x128xf32, #tpu.memory_space<vmem>>, vector<1x16xf32>,
        %get3A_1365 = vector.shape_cast %get3A_1364 : vector<1x16xf32> to vector<16xf32>
        %add3A_1366 = arith.addf %add3A_1324, %get3A_1365 : vector<16xf32>
        %get3A_1367 = arith.index_cast %scan3A_1351 : i32 to index
        %get3A_1368 = arith.constant 48 : index
        %get3A_1369 = tpu.vector_load %arg10[%get3A_1367, %get3A_1368] {strides = array<i32>} : memref<100x128xf32, #tpu.memory_space<vmem>>, vector<1x16xf32>,
        %get3A_1370 = vector.shape_cast %get3A_1369 : vector<1x16xf32> to vector<16xf32>
        %add3A_1371 = arith.addf %add3A_1329, %get3A_1370 : vector<16xf32>
        %get3A_1372 = arith.index_cast %scan3A_1351 : i32 to index
        %get3A_1373 = arith.constant 64 : index
        %get3A_1374 = tpu.vector_load %arg10[%get3A_1372, %get3A_1373] {strides = array<i32>} : memref<100x128xf32, #tpu.memory_space<vmem>>, vector<1x16xf32>,
        %get3A_1375 = vector.shape_cast %get3A_1374 : vector<1x16xf32> to vector<16xf32>
        %add3A_1376 = arith.addf %add3A_1334, %get3A_1375 : vector<16xf32>
        %get3A_1377 = arith.index_cast %scan3A_1351 : i32 to index
        %get3A_1378 = arith.constant 80 : index
        %get3A_1379 = tpu.vector_load %arg10[%get3A_1377, %get3A_1378] {strides = array<i32>} : memref<100x128xf32, #tpu.memory_space<vmem>>, vector<1x16xf32>,
        %get3A_1380 = vector.shape_cast %get3A_1379 : vector<1x16xf32> to vector<16xf32>
        %add3A_1381 = arith.addf %add3A_1339, %get3A_1380 : vector<16xf32>
        %get3A_1382 = arith.index_cast %scan3A_1351 : i32 to index
        %get3A_1383 = arith.constant 96 : index
        %get3A_1384 = tpu.vector_load %arg10[%get3A_1382, %get3A_1383] {strides = array<i32>} : memref<100x128xf32, #tpu.memory_space<vmem>>, vector<1x16xf32>,
        %get3A_1385 = vector.shape_cast %get3A_1384 : vector<1x16xf32> to vector<16xf32>
        %add3A_1386 = arith.addf %add3A_1344, %get3A_1385 : vector<16xf32>
        %get3A_1387 = arith.index_cast %scan3A_1351 : i32 to index
        %get3A_1388 = arith.constant 112 : index
        %get3A_1389 = tpu.vector_load %arg10[%get3A_1387, %get3A_1388] {strides = array<i32>} : memref<100x128xf32, #tpu.memory_space<vmem>>, vector<1x16xf32>,
        %get3A_1390 = vector.shape_cast %get3A_1389 : vector<1x16xf32> to vector<16xf32>
        %add3A_1391 = arith.addf %add3A_1349, %get3A_1390 : vector<16xf32>
        scf.yield %add3A_1356, %add3A_1361, %add3A_1366, %add3A_1371, %add3A_1376, %add3A_1381, %add3A_1386, %add3A_1391 : vector<16xf32>, vector<16xf32>, vector<16xf32>, vector<16xf32>, vector<16xf32>, vector<16xf32>, vector<16xf32>, vector<16xf32>
      }
      %scan3A_1085 = arith.constant 100 : i32
      %swap3A_1086 = arith.index_cast %select_n3A_1056 : i32 to index
      %swap3A_1087 = arith.constant 0 : index
      %swap3A_1088 = tpu.vector_load %arg12[%swap3A_1086, %swap3A_1087] {strides = array<i32>} : memref<128x128xf32, #tpu.memory_space<vmem>>, vector<1x16xf32>,
      %swap3A_1089 = vector.shape_cast %swap3A_1088 : vector<1x16xf32> to vector<16xf32>
      %swap3A_1090 = vector.shape_cast %scan3A_1084#0 : vector<16xf32> to vector<1x16xf32>
      tpu.vector_store %arg12[%swap3A_1086, %swap3A_1087], %swap3A_1090 {strides = array<i32>} : memref<128x128xf32, #tpu.memory_space<vmem>>, vector<1x16xf32>,
      %swap3A_1091 = arith.index_cast %select_n3A_1056 : i32 to index
      %swap3A_1092 = arith.constant 16 : index
      %swap3A_1093 = tpu.vector_load %arg12[%swap3A_1091, %swap3A_1092] {strides = array<i32>} : memref<128x128xf32, #tpu.memory_space<vmem>>, vector<1x16xf32>,
      %swap3A_1094 = vector.shape_cast %swap3A_1093 : vector<1x16xf32> to vector<16xf32>
      %swap3A_1095 = vector.shape_cast %scan3A_1084#1 : vector<16xf32> to vector<1x16xf32>
      tpu.vector_store %arg12[%swap3A_1091, %swap3A_1092], %swap3A_1095 {strides = array<i32>} : memref<128x128xf32, #tpu.memory_space<vmem>>, vector<1x16xf32>,
      %swap3A_1096 = arith.index_cast %select_n3A_1056 : i32 to index
      %swap3A_1097 = arith.constant 32 : index
      %swap3A_1098 = tpu.vector_load %arg12[%swap3A_1096, %swap3A_1097] {strides = array<i32>} : memref<128x128xf32, #tpu.memory_space<vmem>>, vector<1x16xf32>,
      %swap3A_1099 = vector.shape_cast %swap3A_1098 : vector<1x16xf32> to vector<16xf32>
      %swap3A_1100 = vector.shape_cast %scan3A_1084#2 : vector<16xf32> to vector<1x16xf32>
      tpu.vector_store %arg12[%swap3A_1096, %swap3A_1097], %swap3A_1100 {strides = array<i32>} : memref<128x128xf32, #tpu.memory_space<vmem>>, vector<1x16xf32>,
      %swap3A_1101 = arith.index_cast %select_n3A_1056 : i32 to index
      %swap3A_1102 = arith.constant 48 : index
      %swap3A_1103 = tpu.vector_load %arg12[%swap3A_1101, %swap3A_1102] {strides = array<i32>} : memref<128x128xf32, #tpu.memory_space<vmem>>, vector<1x16xf32>,
      %swap3A_1104 = vector.shape_cast %swap3A_1103 : vector<1x16xf32> to vector<16xf32>
      %swap3A_1105 = vector.shape_cast %scan3A_1084#3 : vector<16xf32> to vector<1x16xf32>
      tpu.vector_store %arg12[%swap3A_1101, %swap3A_1102], %swap3A_1105 {strides = array<i32>} : memref<128x128xf32, #tpu.memory_space<vmem>>, vector<1x16xf32>,
      %swap3A_1106 = arith.index_cast %select_n3A_1056 : i32 to index
      %swap3A_1107 = arith.constant 64 : index
      %swap3A_1108 = tpu.vector_load %arg12[%swap3A_1106, %swap3A_1107] {strides = array<i32>} : memref<128x128xf32, #tpu.memory_space<vmem>>, vector<1x16xf32>,
      %swap3A_1109 = vector.shape_cast %swap3A_1108 : vector<1x16xf32> to vector<16xf32>
      %swap3A_1110 = vector.shape_cast %scan3A_1084#4 : vector<16xf32> to vector<1x16xf32>
      tpu.vector_store %arg12[%swap3A_1106, %swap3A_1107], %swap3A_1110 {strides = array<i32>} : memref<128x128xf32, #tpu.memory_space<vmem>>, vector<1x16xf32>,
      %swap3A_1111 = arith.index_cast %select_n3A_1056 : i32 to index
      %swap3A_1112 = arith.constant 80 : index
      %swap3A_1113 = tpu.vector_load %arg12[%swap3A_1111, %swap3A_1112] {strides = array<i32>} : memref<128x128xf32, #tpu.memory_space<vmem>>, vector<1x16xf32>,
      %swap3A_1114 = vector.shape_cast %swap3A_1113 : vector<1x16xf32> to vector<16xf32>
      %swap3A_1115 = vector.shape_cast %scan3A_1084#5 : vector<16xf32> to vector<1x16xf32>
      tpu.vector_store %arg12[%swap3A_1111, %swap3A_1112], %swap3A_1115 {strides = array<i32>} : memref<128x128xf32, #tpu.memory_space<vmem>>, vector<1x16xf32>,
      %swap3A_1116 = arith.index_cast %select_n3A_1056 : i32 to index
      %swap3A_1117 = arith.constant 96 : index
      %swap3A_1118 = tpu.vector_load %arg12[%swap3A_1116, %swap3A_1117] {strides = array<i32>} : memref<128x128xf32, #tpu.memory_space<vmem>>, vector<1x16xf32>,
      %swap3A_1119 = vector.shape_cast %swap3A_1118 : vector<1x16xf32> to vector<16xf32>
      %swap3A_1120 = vector.shape_cast %scan3A_1084#6 : vector<16xf32> to vector<1x16xf32>
      tpu.vector_store %arg12[%swap3A_1116, %swap3A_1117], %swap3A_1120 {strides = array<i32>} : memref<128x128xf32, #tpu.memory_space<vmem>>, vector<1x16xf32>,
      %swap3A_1121 = arith.index_cast %select_n3A_1056 : i32 to index
      %swap3A_1122 = arith.constant 112 : index
      %swap3A_1123 = tpu.vector_load %arg12[%swap3A_1121, %swap3A_1122] {strides = array<i32>} : memref<128x128xf32, #tpu.memory_space<vmem>>, vector<1x16xf32>,
      %swap3A_1124 = vector.shape_cast %swap3A_1123 : vector<1x16xf32> to vector<16xf32>
      %swap3A_1125 = vector.shape_cast %scan3A_1084#7 : vector<16xf32> to vector<1x16xf32>
      tpu.vector_store %arg12[%swap3A_1121, %swap3A_1122], %swap3A_1125 {strides = array<i32>} : memref<128x128xf32, #tpu.memory_space<vmem>>, vector<1x16xf32>,
      %add3A_1126 = arith.constant 6 : i32
      %add3A_1127 = arith.addi %add3A_1032, %add3A_1126 : i32
      %lt3A_1128 = arith.constant 256 : i32
      %lt3A_1129 = arith.cmpi slt, %add3A_1127, %lt3A_1128 : i32
      %convert_element_type3A_1130 = arith.extui %lt3A_1129 : i1 to i32
      %cond3A_1131 = arith.constant 0 : i32
      %cond3A_1132 = arith.cmpi ne, %convert_element_type3A_1130, %cond3A_1131 : i32
      scf.if %cond3A_1132 {
        %add3A_1301 = arith.constant 6 : i32
        %add3A_1302 = arith.addi %add3A_1032, %add3A_1301 : i32
        %dma_start3A_1303 = arith.constant 0 : i32
        %dma_start3A_1304 = tpu.memref_slice %arg5[%add3A_1302, %dma_start3A_1303] : memref<256x100xi32, #tpu.memory_space<vmem>> -> memref<1x100xi32, #tpu.memory_space<vmem>>
        %dma_start3A_1305 = tpu.memref_squeeze %dma_start3A_1304 : memref<1x100xi32, #tpu.memory_space<vmem>> -> memref<100xi32, #tpu.memory_space<vmem>>
        %dma_start3A_1306 = arith.constant 0 : i32
        %dma_start3A_1307 = arith.constant 0 : i32
        %dma_start3A_1308 = tpu.memref_slice %arg2[%dma_start3A_1306, %dma_start3A_1307] : memref<1000000x128xf32, #tpu.memory_space<hbm>> -> memref<1000000x128xf32, #tpu.memory_space<hbm>>
        tpu.enqueue_indirect_dma source(%dma_start3A_1308 : memref<1000000x128xf32, #tpu.memory_space<hbm>>) target(%arg10 : memref<100x128xf32, #tpu.memory_space<vmem>>) offsets(%dma_start3A_1305 : memref<100xi32, #tpu.memory_space<vmem>>) semaphore(%arg17 : memref<!tpu.dma_semaphore, #tpu.memory_space<semaphore_mem>>)
      } else {
      }
      %mul3A_1133 = arith.constant 6 : i32
      %mul3A_1134 = arith.muli %mul3A_1133, %scan3A_495 : i32
      %add3A_1135 = arith.constant 5 : i32
      %add3A_1136 = arith.addi %mul3A_1134, %add3A_1135 : i32
      %jit3A_1137 = arith.constant 2 : i32
      %div3A_1138 = arith.divsi %add3A_1136, %jit3A_1137 : i32
      %sign3A_1139 = arith.constant 0 : i32
      %sign3A_1140 = arith.cmpi sgt, %add3A_1136, %sign3A_1139 : i32
      %sign3A_1141 = arith.extui %sign3A_1140 : i1 to i32
      %sign3A_1142 = arith.constant 0 : i32
      %sign3A_1143 = arith.cmpi slt, %add3A_1136, %sign3A_1142 : i32
      %sign3A_1144 = arith.extui %sign3A_1143 : i1 to i32
      %sign3A_1145 = arith.subi %sign3A_1141, %sign3A_1144 : i32
      %sign3A_1146 = arith.constant 0 : i32
      %sign3A_1147 = arith.cmpi sgt, %jit3A_1137, %sign3A_1146 : i32
      %sign3A_1148 = arith.extui %sign3A_1147 : i1 to i32
      %sign3A_1149 = arith.constant 0 : i32
      %sign3A_1150 = arith.cmpi slt, %jit3A_1137, %sign3A_1149 : i32
      %sign3A_1151 = arith.extui %sign3A_1150 : i1 to i32
      %sign3A_1152 = arith.subi %sign3A_1148, %sign3A_1151 : i32
      %ne3A_1153 = arith.cmpi ne, %sign3A_1145, %sign3A_1152 : i32
      %rem3A_1154 = arith.remsi %add3A_1136, %jit3A_1137 : i32
      %ne3A_1155 = arith.constant 0 : i32
      %ne3A_1156 = arith.cmpi ne, %rem3A_1154, %ne3A_1155 : i32
      %and3A_1157 = arith.andi %ne3A_1153, %ne3A_1156 : i1
      %sub3A_1158 = arith.constant 1 : i32
      %sub3A_1159 = arith.subi %div3A_1138, %sub3A_1158 : i32
      %select_n3A_1160 = arith.select %and3A_1157, %sub3A_1159, %div3A_1138 : i32
      %dma_wait3A_1161 = arith.constant 0 : i32
      %dma_wait3A_1162 = arith.constant 0 : i32
      %dma_wait3A_1163 = tpu.memref_slice %arg5[%dma_wait3A_1161, %dma_wait3A_1162] : memref<256x100xi32, #tpu.memory_space<vmem>> -> memref<1x100xi32, #tpu.memory_space<vmem>>
      %dma_wait3A_1164 = tpu.memref_squeeze %dma_wait3A_1163 : memref<1x100xi32, #tpu.memory_space<vmem>> -> memref<100xi32, #tpu.memory_space<vmem>>
      %dma_wait3A_1165 = arith.constant 0 : i32
      %dma_wait3A_1166 = arith.constant 0 : i32
      %dma_wait3A_1167 = tpu.memref_slice %arg2[%dma_wait3A_1165, %dma_wait3A_1166] : memref<1000000x128xf32, #tpu.memory_space<hbm>> -> memref<1000000x128xf32, #tpu.memory_space<hbm>>
      tpu.wait_indirect_dma semaphore(%arg18 : memref<!tpu.dma_semaphore, #tpu.memory_space<semaphore_mem>>) src(%dma_wait3A_1167 : memref<1000000x128xf32, #tpu.memory_space<hbm>>) dst(%arg11 : memref<100x128xf32, #tpu.memory_space<vmem>>)
      %broadcast_in_dim3A_1168 = arith.constant 0.000000e+00 : f32
      %broadcast_in_dim3A_1169 = vector.broadcast %broadcast_in_dim3A_1168 : f32 to vector<16xf32>
      %broadcast_in_dim3A_1170 = arith.constant 0.000000e+00 : f32
      %broadcast_in_dim3A_1171 = vector.broadcast %broadcast_in_dim3A_1170 : f32 to vector<16xf32>
      %broadcast_in_dim3A_1172 = arith.constant 0.000000e+00 : f32
      %broadcast_in_dim3A_1173 = vector.broadcast %broadcast_in_dim3A_1172 : f32 to vector<16xf32>
      %broadcast_in_dim3A_1174 = arith.constant 0.000000e+00 : f32
      %broadcast_in_dim3A_1175 = vector.broadcast %broadcast_in_dim3A_1174 : f32 to vector<16xf32>
      %broadcast_in_dim3A_1176 = arith.constant 0.000000e+00 : f32
      %broadcast_in_dim3A_1177 = vector.broadcast %broadcast_in_dim3A_1176 : f32 to vector<16xf32>
      %broadcast_in_dim3A_1178 = arith.constant 0.000000e+00 : f32
      %broadcast_in_dim3A_1179 = vector.broadcast %broadcast_in_dim3A_1178 : f32 to vector<16xf32>
      %broadcast_in_dim3A_1180 = arith.constant 0.000000e+00 : f32
      %broadcast_in_dim3A_1181 = vector.broadcast %broadcast_in_dim3A_1180 : f32 to vector<16xf32>
      %broadcast_in_dim3A_1182 = arith.constant 0.000000e+00 : f32
      %broadcast_in_dim3A_1183 = vector.broadcast %broadcast_in_dim3A_1182 : f32 to vector<16xf32>
      %scan3A_1184 = arith.constant 0 : i32
      %scan3A_1185 = arith.constant 100 : i32
      %scan3A_1186 = arith.addi %scan3A_1184, %scan3A_1185 : i32
      %scan3A_1187 = arith.constant 2 : i32
      %scan3A_1188:8 = scf.for %scan3A_1301 = %scan3A_1184 to %scan3A_1186 step %scan3A_1187 iter_args(%scan3A_1302 = %broadcast_in_dim3A_1169, %scan3A_1303 = %broadcast_in_dim3A_1171, %scan3A_1304 = %broadcast_in_dim3A_1173, %scan3A_1305 = %broadcast_in_dim3A_1175, %scan3A_1306 = %broadcast_in_dim3A_1177, %scan3A_1307 = %broadcast_in_dim3A_1179, %scan3A_1308 = %broadcast_in_dim3A_1181, %scan3A_1309 = %broadcast_in_dim3A_1183) -> (vector<16xf32>, vector<16xf32>, vector<16xf32>, vector<16xf32>, vector<16xf32>, vector<16xf32>, vector<16xf32>, vector<16xf32>)  : i32 {
        %get3A_1310 = arith.index_cast %scan3A_1301 : i32 to index
        %get3A_1311 = arith.constant 0 : index
        %get3A_1312 = tpu.vector_load %arg11[%get3A_1310, %get3A_1311] {strides = array<i32>} : memref<100x128xf32, #tpu.memory_space<vmem>>, vector<1x16xf32>,
        %get3A_1313 = vector.shape_cast %get3A_1312 : vector<1x16xf32> to vector<16xf32>
        %add3A_1314 = arith.addf %scan3A_1302, %get3A_1313 : vector<16xf32>
        %get3A_1315 = arith.index_cast %scan3A_1301 : i32 to index
        %get3A_1316 = arith.constant 16 : index
        %get3A_1317 = tpu.vector_load %arg11[%get3A_1315, %get3A_1316] {strides = array<i32>} : memref<100x128xf32, #tpu.memory_space<vmem>>, vector<1x16xf32>,
        %get3A_1318 = vector.shape_cast %get3A_1317 : vector<1x16xf32> to vector<16xf32>
        %add3A_1319 = arith.addf %scan3A_1303, %get3A_1318 : vector<16xf32>
        %get3A_1320 = arith.index_cast %scan3A_1301 : i32 to index
        %get3A_1321 = arith.constant 32 : index
        %get3A_1322 = tpu.vector_load %arg11[%get3A_1320, %get3A_1321] {strides = array<i32>} : memref<100x128xf32, #tpu.memory_space<vmem>>, vector<1x16xf32>,
        %get3A_1323 = vector.shape_cast %get3A_1322 : vector<1x16xf32> to vector<16xf32>
        %add3A_1324 = arith.addf %scan3A_1304, %get3A_1323 : vector<16xf32>
        %get3A_1325 = arith.index_cast %scan3A_1301 : i32 to index
        %get3A_1326 = arith.constant 48 : index
        %get3A_1327 = tpu.vector_load %arg11[%get3A_1325, %get3A_1326] {strides = array<i32>} : memref<100x128xf32, #tpu.memory_space<vmem>>, vector<1x16xf32>,
        %get3A_1328 = vector.shape_cast %get3A_1327 : vector<1x16xf32> to vector<16xf32>
        %add3A_1329 = arith.addf %scan3A_1305, %get3A_1328 : vector<16xf32>
        %get3A_1330 = arith.index_cast %scan3A_1301 : i32 to index
        %get3A_1331 = arith.constant 64 : index
        %get3A_1332 = tpu.vector_load %arg11[%get3A_1330, %get3A_1331] {strides = array<i32>} : memref<100x128xf32, #tpu.memory_space<vmem>>, vector<1x16xf32>,
        %get3A_1333 = vector.shape_cast %get3A_1332 : vector<1x16xf32> to vector<16xf32>
        %add3A_1334 = arith.addf %scan3A_1306, %get3A_1333 : vector<16xf32>
        %get3A_1335 = arith.index_cast %scan3A_1301 : i32 to index
        %get3A_1336 = arith.constant 80 : index
        %get3A_1337 = tpu.vector_load %arg11[%get3A_1335, %get3A_1336] {strides = array<i32>} : memref<100x128xf32, #tpu.memory_space<vmem>>, vector<1x16xf32>,
        %get3A_1338 = vector.shape_cast %get3A_1337 : vector<1x16xf32> to vector<16xf32>
        %add3A_1339 = arith.addf %scan3A_1307, %get3A_1338 : vector<16xf32>
        %get3A_1340 = arith.index_cast %scan3A_1301 : i32 to index
        %get3A_1341 = arith.constant 96 : index
        %get3A_1342 = tpu.vector_load %arg11[%get3A_1340, %get3A_1341] {strides = array<i32>} : memref<100x128xf32, #tpu.memory_space<vmem>>, vector<1x16xf32>,
        %get3A_1343 = vector.shape_cast %get3A_1342 : vector<1x16xf32> to vector<16xf32>
        %add3A_1344 = arith.addf %scan3A_1308, %get3A_1343 : vector<16xf32>
        %get3A_1345 = arith.index_cast %scan3A_1301 : i32 to index
        %get3A_1346 = arith.constant 112 : index
        %get3A_1347 = tpu.vector_load %arg11[%get3A_1345, %get3A_1346] {strides = array<i32>} : memref<100x128xf32, #tpu.memory_space<vmem>>, vector<1x16xf32>,
        %get3A_1348 = vector.shape_cast %get3A_1347 : vector<1x16xf32> to vector<16xf32>
        %add3A_1349 = arith.addf %scan3A_1309, %get3A_1348 : vector<16xf32>
        %scan3A_1350 = arith.constant 1 : i32
        %scan3A_1351 = arith.addi %scan3A_1301, %scan3A_1350 : i32
        %get3A_1352 = arith.index_cast %scan3A_1351 : i32 to index
        %get3A_1353 = arith.constant 0 : index
        %get3A_1354 = tpu.vector_load %arg11[%get3A_1352, %get3A_1353] {strides = array<i32>} : memref<100x128xf32, #tpu.memory_space<vmem>>, vector<1x16xf32>,
        %get3A_1355 = vector.shape_cast %get3A_1354 : vector<1x16xf32> to vector<16xf32>
        %add3A_1356 = arith.addf %add3A_1314, %get3A_1355 : vector<16xf32>
        %get3A_1357 = arith.index_cast %scan3A_1351 : i32 to index
        %get3A_1358 = arith.constant 16 : index
        %get3A_1359 = tpu.vector_load %arg11[%get3A_1357, %get3A_1358] {strides = array<i32>} : memref<100x128xf32, #tpu.memory_space<vmem>>, vector<1x16xf32>,
        %get3A_1360 = vector.shape_cast %get3A_1359 : vector<1x16xf32> to vector<16xf32>
        %add3A_1361 = arith.addf %add3A_1319, %get3A_1360 : vector<16xf32>
        %get3A_1362 = arith.index_cast %scan3A_1351 : i32 to index
        %get3A_1363 = arith.constant 32 : index
        %get3A_1364 = tpu.vector_load %arg11[%get3A_1362, %get3A_1363] {strides = array<i32>} : memref<100x128xf32, #tpu.memory_space<vmem>>, vector<1x16xf32>,
        %get3A_1365 = vector.shape_cast %get3A_1364 : vector<1x16xf32> to vector<16xf32>
        %add3A_1366 = arith.addf %add3A_1324, %get3A_1365 : vector<16xf32>
        %get3A_1367 = arith.index_cast %scan3A_1351 : i32 to index
        %get3A_1368 = arith.constant 48 : index
        %get3A_1369 = tpu.vector_load %arg11[%get3A_1367, %get3A_1368] {strides = array<i32>} : memref<100x128xf32, #tpu.memory_space<vmem>>, vector<1x16xf32>,
        %get3A_1370 = vector.shape_cast %get3A_1369 : vector<1x16xf32> to vector<16xf32>
        %add3A_1371 = arith.addf %add3A_1329, %get3A_1370 : vector<16xf32>
        %get3A_1372 = arith.index_cast %scan3A_1351 : i32 to index
        %get3A_1373 = arith.constant 64 : index
        %get3A_1374 = tpu.vector_load %arg11[%get3A_1372, %get3A_1373] {strides = array<i32>} : memref<100x128xf32, #tpu.memory_space<vmem>>, vector<1x16xf32>,
        %get3A_1375 = vector.shape_cast %get3A_1374 : vector<1x16xf32> to vector<16xf32>
        %add3A_1376 = arith.addf %add3A_1334, %get3A_1375 : vector<16xf32>
        %get3A_1377 = arith.index_cast %scan3A_1351 : i32 to index
        %get3A_1378 = arith.constant 80 : index
        %get3A_1379 = tpu.vector_load %arg11[%get3A_1377, %get3A_1378] {strides = array<i32>} : memref<100x128xf32, #tpu.memory_space<vmem>>, vector<1x16xf32>,
        %get3A_1380 = vector.shape_cast %get3A_1379 : vector<1x16xf32> to vector<16xf32>
        %add3A_1381 = arith.addf %add3A_1339, %get3A_1380 : vector<16xf32>
        %get3A_1382 = arith.index_cast %scan3A_1351 : i32 to index
        %get3A_1383 = arith.constant 96 : index
        %get3A_1384 = tpu.vector_load %arg11[%get3A_1382, %get3A_1383] {strides = array<i32>} : memref<100x128xf32, #tpu.memory_space<vmem>>, vector<1x16xf32>,
        %get3A_1385 = vector.shape_cast %get3A_1384 : vector<1x16xf32> to vector<16xf32>
        %add3A_1386 = arith.addf %add3A_1344, %get3A_1385 : vector<16xf32>
        %get3A_1387 = arith.index_cast %scan3A_1351 : i32 to index
        %get3A_1388 = arith.constant 112 : index
        %get3A_1389 = tpu.vector_load %arg11[%get3A_1387, %get3A_1388] {strides = array<i32>} : memref<100x128xf32, #tpu.memory_space<vmem>>, vector<1x16xf32>,
        %get3A_1390 = vector.shape_cast %get3A_1389 : vector<1x16xf32> to vector<16xf32>
        %add3A_1391 = arith.addf %add3A_1349, %get3A_1390 : vector<16xf32>
        scf.yield %add3A_1356, %add3A_1361, %add3A_1366, %add3A_1371, %add3A_1376, %add3A_1381, %add3A_1386, %add3A_1391 : vector<16xf32>, vector<16xf32>, vector<16xf32>, vector<16xf32>, vector<16xf32>, vector<16xf32>, vector<16xf32>, vector<16xf32>
      }
      %scan3A_1189 = arith.constant 100 : i32
      %get3A_1190 = arith.index_cast %select_n3A_1160 : i32 to index
      %get3A_1191 = arith.constant 0 : index
      %get3A_1192 = tpu.vector_load %arg12[%get3A_1190, %get3A_1191] {strides = array<i32>} : memref<128x128xf32, #tpu.memory_space<vmem>>, vector<1x16xf32>,
      %get3A_1193 = vector.shape_cast %get3A_1192 : vector<1x16xf32> to vector<16xf32>
      %add3A_1194 = arith.addf %get3A_1193, %scan3A_1188#0 : vector<16xf32>
      %mul3A_1195 = arith.constant 5.000000e-03 : f32
      %mul3A_1196 = vector.broadcast %mul3A_1195 : f32 to vector<16xf32>
      %mul3A_1197 = arith.mulf %add3A_1194, %mul3A_1196 : vector<16xf32>
      %swap3A_1198 = arith.index_cast %select_n3A_1160 : i32 to index
      %swap3A_1199 = arith.constant 0 : index
      %swap3A_1200 = tpu.vector_load %arg12[%swap3A_1198, %swap3A_1199] {strides = array<i32>} : memref<128x128xf32, #tpu.memory_space<vmem>>, vector<1x16xf32>,
      %swap3A_1201 = vector.shape_cast %swap3A_1200 : vector<1x16xf32> to vector<16xf32>
      %swap3A_1202 = vector.shape_cast %mul3A_1197 : vector<16xf32> to vector<1x16xf32>
      tpu.vector_store %arg12[%swap3A_1198, %swap3A_1199], %swap3A_1202 {strides = array<i32>} : memref<128x128xf32, #tpu.memory_space<vmem>>, vector<1x16xf32>,
      %get3A_1203 = arith.index_cast %select_n3A_1160 : i32 to index
      %get3A_1204 = arith.constant 16 : index
      %get3A_1205 = tpu.vector_load %arg12[%get3A_1203, %get3A_1204] {strides = array<i32>} : memref<128x128xf32, #tpu.memory_space<vmem>>, vector<1x16xf32>,
      %get3A_1206 = vector.shape_cast %get3A_1205 : vector<1x16xf32> to vector<16xf32>
      %add3A_1207 = arith.addf %get3A_1206, %scan3A_1188#1 : vector<16xf32>
      %mul3A_1208 = arith.constant 5.000000e-03 : f32
      %mul3A_1209 = vector.broadcast %mul3A_1208 : f32 to vector<16xf32>
      %mul3A_1210 = arith.mulf %add3A_1207, %mul3A_1209 : vector<16xf32>
      %swap3A_1211 = arith.index_cast %select_n3A_1160 : i32 to index
      %swap3A_1212 = arith.constant 16 : index
      %swap3A_1213 = tpu.vector_load %arg12[%swap3A_1211, %swap3A_1212] {strides = array<i32>} : memref<128x128xf32, #tpu.memory_space<vmem>>, vector<1x16xf32>,
      %swap3A_1214 = vector.shape_cast %swap3A_1213 : vector<1x16xf32> to vector<16xf32>
      %swap3A_1215 = vector.shape_cast %mul3A_1210 : vector<16xf32> to vector<1x16xf32>
      tpu.vector_store %arg12[%swap3A_1211, %swap3A_1212], %swap3A_1215 {strides = array<i32>} : memref<128x128xf32, #tpu.memory_space<vmem>>, vector<1x16xf32>,
      %get3A_1216 = arith.index_cast %select_n3A_1160 : i32 to index
      %get3A_1217 = arith.constant 32 : index
      %get3A_1218 = tpu.vector_load %arg12[%get3A_1216, %get3A_1217] {strides = array<i32>} : memref<128x128xf32, #tpu.memory_space<vmem>>, vector<1x16xf32>,
      %get3A_1219 = vector.shape_cast %get3A_1218 : vector<1x16xf32> to vector<16xf32>
      %add3A_1220 = arith.addf %get3A_1219, %scan3A_1188#2 : vector<16xf32>
      %mul3A_1221 = arith.constant 5.000000e-03 : f32
      %mul3A_1222 = vector.broadcast %mul3A_1221 : f32 to vector<16xf32>
      %mul3A_1223 = arith.mulf %add3A_1220, %mul3A_1222 : vector<16xf32>
      %swap3A_1224 = arith.index_cast %select_n3A_1160 : i32 to index
      %swap3A_1225 = arith.constant 32 : index
      %swap3A_1226 = tpu.vector_load %arg12[%swap3A_1224, %swap3A_1225] {strides = array<i32>} : memref<128x128xf32, #tpu.memory_space<vmem>>, vector<1x16xf32>,
      %swap3A_1227 = vector.shape_cast %swap3A_1226 : vector<1x16xf32> to vector<16xf32>
      %swap3A_1228 = vector.shape_cast %mul3A_1223 : vector<16xf32> to vector<1x16xf32>
      tpu.vector_store %arg12[%swap3A_1224, %swap3A_1225], %swap3A_1228 {strides = array<i32>} : memref<128x128xf32, #tpu.memory_space<vmem>>, vector<1x16xf32>,
      %get3A_1229 = arith.index_cast %select_n3A_1160 : i32 to index
      %get3A_1230 = arith.constant 48 : index
      %get3A_1231 = tpu.vector_load %arg12[%get3A_1229, %get3A_1230] {strides = array<i32>} : memref<128x128xf32, #tpu.memory_space<vmem>>, vector<1x16xf32>,
      %get3A_1232 = vector.shape_cast %get3A_1231 : vector<1x16xf32> to vector<16xf32>
      %add3A_1233 = arith.addf %get3A_1232, %scan3A_1188#3 : vector<16xf32>
      %mul3A_1234 = arith.constant 5.000000e-03 : f32
      %mul3A_1235 = vector.broadcast %mul3A_1234 : f32 to vector<16xf32>
      %mul3A_1236 = arith.mulf %add3A_1233, %mul3A_1235 : vector<16xf32>
      %swap3A_1237 = arith.index_cast %select_n3A_1160 : i32 to index
      %swap3A_1238 = arith.constant 48 : index
      %swap3A_1239 = tpu.vector_load %arg12[%swap3A_1237, %swap3A_1238] {strides = array<i32>} : memref<128x128xf32, #tpu.memory_space<vmem>>, vector<1x16xf32>,
      %swap3A_1240 = vector.shape_cast %swap3A_1239 : vector<1x16xf32> to vector<16xf32>
      %swap3A_1241 = vector.shape_cast %mul3A_1236 : vector<16xf32> to vector<1x16xf32>
      tpu.vector_store %arg12[%swap3A_1237, %swap3A_1238], %swap3A_1241 {strides = array<i32>} : memref<128x128xf32, #tpu.memory_space<vmem>>, vector<1x16xf32>,
      %get3A_1242 = arith.index_cast %select_n3A_1160 : i32 to index
      %get3A_1243 = arith.constant 64 : index
      %get3A_1244 = tpu.vector_load %arg12[%get3A_1242, %get3A_1243] {strides = array<i32>} : memref<128x128xf32, #tpu.memory_space<vmem>>, vector<1x16xf32>,
      %get3A_1245 = vector.shape_cast %get3A_1244 : vector<1x16xf32> to vector<16xf32>
      %add3A_1246 = arith.addf %get3A_1245, %scan3A_1188#4 : vector<16xf32>
      %mul3A_1247 = arith.constant 5.000000e-03 : f32
      %mul3A_1248 = vector.broadcast %mul3A_1247 : f32 to vector<16xf32>
      %mul3A_1249 = arith.mulf %add3A_1246, %mul3A_1248 : vector<16xf32>
      %swap3A_1250 = arith.index_cast %select_n3A_1160 : i32 to index
      %swap3A_1251 = arith.constant 64 : index
      %swap3A_1252 = tpu.vector_load %arg12[%swap3A_1250, %swap3A_1251] {strides = array<i32>} : memref<128x128xf32, #tpu.memory_space<vmem>>, vector<1x16xf32>,
      %swap3A_1253 = vector.shape_cast %swap3A_1252 : vector<1x16xf32> to vector<16xf32>
      %swap3A_1254 = vector.shape_cast %mul3A_1249 : vector<16xf32> to vector<1x16xf32>
      tpu.vector_store %arg12[%swap3A_1250, %swap3A_1251], %swap3A_1254 {strides = array<i32>} : memref<128x128xf32, #tpu.memory_space<vmem>>, vector<1x16xf32>,
      %get3A_1255 = arith.index_cast %select_n3A_1160 : i32 to index
      %get3A_1256 = arith.constant 80 : index
      %get3A_1257 = tpu.vector_load %arg12[%get3A_1255, %get3A_1256] {strides = array<i32>} : memref<128x128xf32, #tpu.memory_space<vmem>>, vector<1x16xf32>,
      %get3A_1258 = vector.shape_cast %get3A_1257 : vector<1x16xf32> to vector<16xf32>
      %add3A_1259 = arith.addf %get3A_1258, %scan3A_1188#5 : vector<16xf32>
      %mul3A_1260 = arith.constant 5.000000e-03 : f32
      %mul3A_1261 = vector.broadcast %mul3A_1260 : f32 to vector<16xf32>
      %mul3A_1262 = arith.mulf %add3A_1259, %mul3A_1261 : vector<16xf32>
      %swap3A_1263 = arith.index_cast %select_n3A_1160 : i32 to index
      %swap3A_1264 = arith.constant 80 : index
      %swap3A_1265 = tpu.vector_load %arg12[%swap3A_1263, %swap3A_1264] {strides = array<i32>} : memref<128x128xf32, #tpu.memory_space<vmem>>, vector<1x16xf32>,
      %swap3A_1266 = vector.shape_cast %swap3A_1265 : vector<1x16xf32> to vector<16xf32>
      %swap3A_1267 = vector.shape_cast %mul3A_1262 : vector<16xf32> to vector<1x16xf32>
      tpu.vector_store %arg12[%swap3A_1263, %swap3A_1264], %swap3A_1267 {strides = array<i32>} : memref<128x128xf32, #tpu.memory_space<vmem>>, vector<1x16xf32>,
      %get3A_1268 = arith.index_cast %select_n3A_1160 : i32 to index
      %get3A_1269 = arith.constant 96 : index
      %get3A_1270 = tpu.vector_load %arg12[%get3A_1268, %get3A_1269] {strides = array<i32>} : memref<128x128xf32, #tpu.memory_space<vmem>>, vector<1x16xf32>,
      %get3A_1271 = vector.shape_cast %get3A_1270 : vector<1x16xf32> to vector<16xf32>
      %add3A_1272 = arith.addf %get3A_1271, %scan3A_1188#6 : vector<16xf32>
      %mul3A_1273 = arith.constant 5.000000e-03 : f32
      %mul3A_1274 = vector.broadcast %mul3A_1273 : f32 to vector<16xf32>
      %mul3A_1275 = arith.mulf %add3A_1272, %mul3A_1274 : vector<16xf32>
      %swap3A_1276 = arith.index_cast %select_n3A_1160 : i32 to index
      %swap3A_1277 = arith.constant 96 : index
      %swap3A_1278 = tpu.vector_load %arg12[%swap3A_1276, %swap3A_1277] {strides = array<i32>} : memref<128x128xf32, #tpu.memory_space<vmem>>, vector<1x16xf32>,
      %swap3A_1279 = vector.shape_cast %swap3A_1278 : vector<1x16xf32> to vector<16xf32>
      %swap3A_1280 = vector.shape_cast %mul3A_1275 : vector<16xf32> to vector<1x16xf32>
      tpu.vector_store %arg12[%swap3A_1276, %swap3A_1277], %swap3A_1280 {strides = array<i32>} : memref<128x128xf32, #tpu.memory_space<vmem>>, vector<1x16xf32>,
      %get3A_1281 = arith.index_cast %select_n3A_1160 : i32 to index
      %get3A_1282 = arith.constant 112 : index
      %get3A_1283 = tpu.vector_load %arg12[%get3A_1281, %get3A_1282] {strides = array<i32>} : memref<128x128xf32, #tpu.memory_space<vmem>>, vector<1x16xf32>,
      %get3A_1284 = vector.shape_cast %get3A_1283 : vector<1x16xf32> to vector<16xf32>
      %add3A_1285 = arith.addf %get3A_1284, %scan3A_1188#7 : vector<16xf32>
      %mul3A_1286 = arith.constant 5.000000e-03 : f32
      %mul3A_1287 = vector.broadcast %mul3A_1286 : f32 to vector<16xf32>
      %mul3A_1288 = arith.mulf %add3A_1285, %mul3A_1287 : vector<16xf32>
      %swap3A_1289 = arith.index_cast %select_n3A_1160 : i32 to index
      %swap3A_1290 = arith.constant 112 : index
      %swap3A_1291 = tpu.vector_load %arg12[%swap3A_1289, %swap3A_1290] {strides = array<i32>} : memref<128x128xf32, #tpu.memory_space<vmem>>, vector<1x16xf32>,
      %swap3A_1292 = vector.shape_cast %swap3A_1291 : vector<1x16xf32> to vector<16xf32>
      %swap3A_1293 = vector.shape_cast %mul3A_1288 : vector<16xf32> to vector<1x16xf32>
      tpu.vector_store %arg12[%swap3A_1289, %swap3A_1290], %swap3A_1293 {strides = array<i32>} : memref<128x128xf32, #tpu.memory_space<vmem>>, vector<1x16xf32>,
      %add3A_1294 = arith.constant 6 : i32
      %add3A_1295 = arith.addi %add3A_1136, %add3A_1294 : i32
      %lt3A_1296 = arith.constant 256 : i32
      %lt3A_1297 = arith.cmpi slt, %add3A_1295, %lt3A_1296 : i32
      %convert_element_type3A_1298 = arith.extui %lt3A_1297 : i1 to i32
      %cond3A_1299 = arith.constant 0 : i32
      %cond3A_1300 = arith.cmpi ne, %convert_element_type3A_1298, %cond3A_1299 : i32
      scf.if %cond3A_1300 {
        %add3A_1301 = arith.constant 6 : i32
        %add3A_1302 = arith.addi %add3A_1136, %add3A_1301 : i32
        %dma_start3A_1303 = arith.constant 0 : i32
        %dma_start3A_1304 = tpu.memref_slice %arg5[%add3A_1302, %dma_start3A_1303] : memref<256x100xi32, #tpu.memory_space<vmem>> -> memref<1x100xi32, #tpu.memory_space<vmem>>
        %dma_start3A_1305 = tpu.memref_squeeze %dma_start3A_1304 : memref<1x100xi32, #tpu.memory_space<vmem>> -> memref<100xi32, #tpu.memory_space<vmem>>
        %dma_start3A_1306 = arith.constant 0 : i32
        %dma_start3A_1307 = arith.constant 0 : i32
        %dma_start3A_1308 = tpu.memref_slice %arg2[%dma_start3A_1306, %dma_start3A_1307] : memref<1000000x128xf32, #tpu.memory_space<hbm>> -> memref<1000000x128xf32, #tpu.memory_space<hbm>>
        tpu.enqueue_indirect_dma source(%dma_start3A_1308 : memref<1000000x128xf32, #tpu.memory_space<hbm>>) target(%arg11 : memref<100x128xf32, #tpu.memory_space<vmem>>) offsets(%dma_start3A_1305 : memref<100xi32, #tpu.memory_space<vmem>>) semaphore(%arg18 : memref<!tpu.dma_semaphore, #tpu.memory_space<semaphore_mem>>)
      } else {
      }
    }
    %scan3A_46 = arith.constant 42 : i32
    %dma_wait3A = arith.constant 0 : i32
    %dma_wait3A_47 = arith.constant 0 : i32
    %dma_wait3A_48 = tpu.memref_slice %arg5[%dma_wait3A, %dma_wait3A_47] : memref<256x100xi32, #tpu.memory_space<vmem>> -> memref<1x100xi32, #tpu.memory_space<vmem>>
    %dma_wait3A_49 = tpu.memref_squeeze %dma_wait3A_48 : memref<1x100xi32, #tpu.memory_space<vmem>> -> memref<100xi32, #tpu.memory_space<vmem>>
    %dma_wait3A_50 = arith.constant 0 : i32
    %dma_wait3A_51 = arith.constant 0 : i32
    %dma_wait3A_52 = tpu.memref_slice %arg2[%dma_wait3A_50, %dma_wait3A_51] : memref<1000000x128xf32, #tpu.memory_space<hbm>> -> memref<1000000x128xf32, #tpu.memory_space<hbm>>
    tpu.wait_indirect_dma semaphore(%arg13 : memref<!tpu.dma_semaphore, #tpu.memory_space<semaphore_mem>>) src(%dma_wait3A_52 : memref<1000000x128xf32, #tpu.memory_space<hbm>>) dst(%arg6 : memref<100x128xf32, #tpu.memory_space<vmem>>)
    %broadcast_in_dim3A = arith.constant 0.000000e+00 : f32
    %broadcast_in_dim3A_53 = vector.broadcast %broadcast_in_dim3A : f32 to vector<16xf32>
    %broadcast_in_dim3A_54 = arith.constant 0.000000e+00 : f32
    %broadcast_in_dim3A_55 = vector.broadcast %broadcast_in_dim3A_54 : f32 to vector<16xf32>
    %broadcast_in_dim3A_56 = arith.constant 0.000000e+00 : f32
    %broadcast_in_dim3A_57 = vector.broadcast %broadcast_in_dim3A_56 : f32 to vector<16xf32>
    %broadcast_in_dim3A_58 = arith.constant 0.000000e+00 : f32
    %broadcast_in_dim3A_59 = vector.broadcast %broadcast_in_dim3A_58 : f32 to vector<16xf32>
    %broadcast_in_dim3A_60 = arith.constant 0.000000e+00 : f32
    %broadcast_in_dim3A_61 = vector.broadcast %broadcast_in_dim3A_60 : f32 to vector<16xf32>
    %broadcast_in_dim3A_62 = arith.constant 0.000000e+00 : f32
    %broadcast_in_dim3A_63 = vector.broadcast %broadcast_in_dim3A_62 : f32 to vector<16xf32>
    %broadcast_in_dim3A_64 = arith.constant 0.000000e+00 : f32
    %broadcast_in_dim3A_65 = vector.broadcast %broadcast_in_dim3A_64 : f32 to vector<16xf32>
    %broadcast_in_dim3A_66 = arith.constant 0.000000e+00 : f32
    %broadcast_in_dim3A_67 = vector.broadcast %broadcast_in_dim3A_66 : f32 to vector<16xf32>
    %scan3A_68 = arith.constant 0 : i32
    %scan3A_69 = arith.constant 100 : i32
    %scan3A_70 = arith.addi %scan3A_68, %scan3A_69 : i32
    %scan3A_71 = arith.constant 2 : i32
    %scan3A_72:8 = scf.for %scan3A_495 = %scan3A_68 to %scan3A_70 step %scan3A_71 iter_args(%scan3A_496 = %broadcast_in_dim3A_53, %scan3A_497 = %broadcast_in_dim3A_55, %scan3A_498 = %broadcast_in_dim3A_57, %scan3A_499 = %broadcast_in_dim3A_59, %scan3A_500 = %broadcast_in_dim3A_61, %scan3A_501 = %broadcast_in_dim3A_63, %scan3A_502 = %broadcast_in_dim3A_65, %scan3A_503 = %broadcast_in_dim3A_67) -> (vector<16xf32>, vector<16xf32>, vector<16xf32>, vector<16xf32>, vector<16xf32>, vector<16xf32>, vector<16xf32>, vector<16xf32>)  : i32 {
      %get3A_504 = arith.index_cast %scan3A_495 : i32 to index
      %get3A_505 = arith.constant 0 : index
      %get3A_506 = tpu.vector_load %arg6[%get3A_504, %get3A_505] {strides = array<i32>} : memref<100x128xf32, #tpu.memory_space<vmem>>, vector<1x16xf32>,
      %get3A_507 = vector.shape_cast %get3A_506 : vector<1x16xf32> to vector<16xf32>
      %add3A_508 = arith.addf %scan3A_496, %get3A_507 : vector<16xf32>
      %get3A_509 = arith.index_cast %scan3A_495 : i32 to index
      %get3A_510 = arith.constant 16 : index
      %get3A_511 = tpu.vector_load %arg6[%get3A_509, %get3A_510] {strides = array<i32>} : memref<100x128xf32, #tpu.memory_space<vmem>>, vector<1x16xf32>,
      %get3A_512 = vector.shape_cast %get3A_511 : vector<1x16xf32> to vector<16xf32>
      %add3A_513 = arith.addf %scan3A_497, %get3A_512 : vector<16xf32>
      %get3A_514 = arith.index_cast %scan3A_495 : i32 to index
      %get3A_515 = arith.constant 32 : index
      %get3A_516 = tpu.vector_load %arg6[%get3A_514, %get3A_515] {strides = array<i32>} : memref<100x128xf32, #tpu.memory_space<vmem>>, vector<1x16xf32>,
      %get3A_517 = vector.shape_cast %get3A_516 : vector<1x16xf32> to vector<16xf32>
      %add3A_518 = arith.addf %scan3A_498, %get3A_517 : vector<16xf32>
      %get3A_519 = arith.index_cast %scan3A_495 : i32 to index
      %get3A_520 = arith.constant 48 : index
      %get3A_521 = tpu.vector_load %arg6[%get3A_519, %get3A_520] {strides = array<i32>} : memref<100x128xf32, #tpu.memory_space<vmem>>, vector<1x16xf32>,
      %get3A_522 = vector.shape_cast %get3A_521 : vector<1x16xf32> to vector<16xf32>
      %add3A_523 = arith.addf %scan3A_499, %get3A_522 : vector<16xf32>
      %get3A_524 = arith.index_cast %scan3A_495 : i32 to index
      %get3A_525 = arith.constant 64 : index
      %get3A_526 = tpu.vector_load %arg6[%get3A_524, %get3A_525] {strides = array<i32>} : memref<100x128xf32, #tpu.memory_space<vmem>>, vector<1x16xf32>,
      %get3A_527 = vector.shape_cast %get3A_526 : vector<1x16xf32> to vector<16xf32>
      %add3A_528 = arith.addf %scan3A_500, %get3A_527 : vector<16xf32>
      %get3A_529 = arith.index_cast %scan3A_495 : i32 to index
      %get3A_530 = arith.constant 80 : index
      %get3A_531 = tpu.vector_load %arg6[%get3A_529, %get3A_530] {strides = array<i32>} : memref<100x128xf32, #tpu.memory_space<vmem>>, vector<1x16xf32>,
      %get3A_532 = vector.shape_cast %get3A_531 : vector<1x16xf32> to vector<16xf32>
      %add3A_533 = arith.addf %scan3A_501, %get3A_532 : vector<16xf32>
      %get3A_534 = arith.index_cast %scan3A_495 : i32 to index
      %get3A_535 = arith.constant 96 : index
      %get3A_536 = tpu.vector_load %arg6[%get3A_534, %get3A_535] {strides = array<i32>} : memref<100x128xf32, #tpu.memory_space<vmem>>, vector<1x16xf32>,
      %get3A_537 = vector.shape_cast %get3A_536 : vector<1x16xf32> to vector<16xf32>
      %add3A_538 = arith.addf %scan3A_502, %get3A_537 : vector<16xf32>
      %get3A_539 = arith.index_cast %scan3A_495 : i32 to index
      %get3A_540 = arith.constant 112 : index
      %get3A_541 = tpu.vector_load %arg6[%get3A_539, %get3A_540] {strides = array<i32>} : memref<100x128xf32, #tpu.memory_space<vmem>>, vector<1x16xf32>,
      %get3A_542 = vector.shape_cast %get3A_541 : vector<1x16xf32> to vector<16xf32>
      %add3A_543 = arith.addf %scan3A_503, %get3A_542 : vector<16xf32>
      %scan3A_544 = arith.constant 1 : i32
      %scan3A_545 = arith.addi %scan3A_495, %scan3A_544 : i32
      %get3A_546 = arith.index_cast %scan3A_545 : i32 to index
      %get3A_547 = arith.constant 0 : index
      %get3A_548 = tpu.vector_load %arg6[%get3A_546, %get3A_547] {strides = array<i32>} : memref<100x128xf32, #tpu.memory_space<vmem>>, vector<1x16xf32>,
      %get3A_549 = vector.shape_cast %get3A_548 : vector<1x16xf32> to vector<16xf32>
      %add3A_550 = arith.addf %add3A_508, %get3A_549 : vector<16xf32>
      %get3A_551 = arith.index_cast %scan3A_545 : i32 to index
      %get3A_552 = arith.constant 16 : index
      %get3A_553 = tpu.vector_load %arg6[%get3A_551, %get3A_552] {strides = array<i32>} : memref<100x128xf32, #tpu.memory_space<vmem>>, vector<1x16xf32>,
      %get3A_554 = vector.shape_cast %get3A_553 : vector<1x16xf32> to vector<16xf32>
      %add3A_555 = arith.addf %add3A_513, %get3A_554 : vector<16xf32>
      %get3A_556 = arith.index_cast %scan3A_545 : i32 to index
      %get3A_557 = arith.constant 32 : index
      %get3A_558 = tpu.vector_load %arg6[%get3A_556, %get3A_557] {strides = array<i32>} : memref<100x128xf32, #tpu.memory_space<vmem>>, vector<1x16xf32>,
      %get3A_559 = vector.shape_cast %get3A_558 : vector<1x16xf32> to vector<16xf32>
      %add3A_560 = arith.addf %add3A_518, %get3A_559 : vector<16xf32>
      %get3A_561 = arith.index_cast %scan3A_545 : i32 to index
      %get3A_562 = arith.constant 48 : index
      %get3A_563 = tpu.vector_load %arg6[%get3A_561, %get3A_562] {strides = array<i32>} : memref<100x128xf32, #tpu.memory_space<vmem>>, vector<1x16xf32>,
      %get3A_564 = vector.shape_cast %get3A_563 : vector<1x16xf32> to vector<16xf32>
      %add3A_565 = arith.addf %add3A_523, %get3A_564 : vector<16xf32>
      %get3A_566 = arith.index_cast %scan3A_545 : i32 to index
      %get3A_567 = arith.constant 64 : index
      %get3A_568 = tpu.vector_load %arg6[%get3A_566, %get3A_567] {strides = array<i32>} : memref<100x128xf32, #tpu.memory_space<vmem>>, vector<1x16xf32>,
      %get3A_569 = vector.shape_cast %get3A_568 : vector<1x16xf32> to vector<16xf32>
      %add3A_570 = arith.addf %add3A_528, %get3A_569 : vector<16xf32>
      %get3A_571 = arith.index_cast %scan3A_545 : i32 to index
      %get3A_572 = arith.constant 80 : index
      %get3A_573 = tpu.vector_load %arg6[%get3A_571, %get3A_572] {strides = array<i32>} : memref<100x128xf32, #tpu.memory_space<vmem>>, vector<1x16xf32>,
      %get3A_574 = vector.shape_cast %get3A_573 : vector<1x16xf32> to vector<16xf32>
      %add3A_575 = arith.addf %add3A_533, %get3A_574 : vector<16xf32>
      %get3A_576 = arith.index_cast %scan3A_545 : i32 to index
      %get3A_577 = arith.constant 96 : index
      %get3A_578 = tpu.vector_load %arg6[%get3A_576, %get3A_577] {strides = array<i32>} : memref<100x128xf32, #tpu.memory_space<vmem>>, vector<1x16xf32>,
      %get3A_579 = vector.shape_cast %get3A_578 : vector<1x16xf32> to vector<16xf32>
      %add3A_580 = arith.addf %add3A_538, %get3A_579 : vector<16xf32>
      %get3A_581 = arith.index_cast %scan3A_545 : i32 to index
      %get3A_582 = arith.constant 112 : index
      %get3A_583 = tpu.vector_load %arg6[%get3A_581, %get3A_582] {strides = array<i32>} : memref<100x128xf32, #tpu.memory_space<vmem>>, vector<1x16xf32>,
      %get3A_584 = vector.shape_cast %get3A_583 : vector<1x16xf32> to vector<16xf32>
      %add3A_585 = arith.addf %add3A_543, %get3A_584 : vector<16xf32>
      scf.yield %add3A_550, %add3A_555, %add3A_560, %add3A_565, %add3A_570, %add3A_575, %add3A_580, %add3A_585 : vector<16xf32>, vector<16xf32>, vector<16xf32>, vector<16xf32>, vector<16xf32>, vector<16xf32>, vector<16xf32>, vector<16xf32>
    }
    %scan3A_73 = arith.constant 100 : i32
    %swap3A = arith.constant 126 : i32
    %swap3A_74 = arith.index_cast %swap3A : i32 to index
    %swap3A_75 = arith.constant 0 : index
    %swap3A_76 = tpu.vector_load %arg12[%swap3A_74, %swap3A_75] {strides = array<i32>} : memref<128x128xf32, #tpu.memory_space<vmem>>, vector<1x16xf32>,
    %swap3A_77 = vector.shape_cast %swap3A_76 : vector<1x16xf32> to vector<16xf32>
    %swap3A_78 = vector.shape_cast %scan3A_72#0 : vector<16xf32> to vector<1x16xf32>
    tpu.vector_store %arg12[%swap3A_74, %swap3A_75], %swap3A_78 {strides = array<i32>} : memref<128x128xf32, #tpu.memory_space<vmem>>, vector<1x16xf32>,
    %swap3A_79 = arith.constant 126 : i32
    %swap3A_80 = arith.index_cast %swap3A_79 : i32 to index
    %swap3A_81 = arith.constant 16 : index
    %swap3A_82 = tpu.vector_load %arg12[%swap3A_80, %swap3A_81] {strides = array<i32>} : memref<128x128xf32, #tpu.memory_space<vmem>>, vector<1x16xf32>,
    %swap3A_83 = vector.shape_cast %swap3A_82 : vector<1x16xf32> to vector<16xf32>
    %swap3A_84 = vector.shape_cast %scan3A_72#1 : vector<16xf32> to vector<1x16xf32>
    tpu.vector_store %arg12[%swap3A_80, %swap3A_81], %swap3A_84 {strides = array<i32>} : memref<128x128xf32, #tpu.memory_space<vmem>>, vector<1x16xf32>,
    %swap3A_85 = arith.constant 126 : i32
    %swap3A_86 = arith.index_cast %swap3A_85 : i32 to index
    %swap3A_87 = arith.constant 32 : index
    %swap3A_88 = tpu.vector_load %arg12[%swap3A_86, %swap3A_87] {strides = array<i32>} : memref<128x128xf32, #tpu.memory_space<vmem>>, vector<1x16xf32>,
    %swap3A_89 = vector.shape_cast %swap3A_88 : vector<1x16xf32> to vector<16xf32>
    %swap3A_90 = vector.shape_cast %scan3A_72#2 : vector<16xf32> to vector<1x16xf32>
    tpu.vector_store %arg12[%swap3A_86, %swap3A_87], %swap3A_90 {strides = array<i32>} : memref<128x128xf32, #tpu.memory_space<vmem>>, vector<1x16xf32>,
    %swap3A_91 = arith.constant 126 : i32
    %swap3A_92 = arith.index_cast %swap3A_91 : i32 to index
    %swap3A_93 = arith.constant 48 : index
    %swap3A_94 = tpu.vector_load %arg12[%swap3A_92, %swap3A_93] {strides = array<i32>} : memref<128x128xf32, #tpu.memory_space<vmem>>, vector<1x16xf32>,
    %swap3A_95 = vector.shape_cast %swap3A_94 : vector<1x16xf32> to vector<16xf32>
    %swap3A_96 = vector.shape_cast %scan3A_72#3 : vector<16xf32> to vector<1x16xf32>
    tpu.vector_store %arg12[%swap3A_92, %swap3A_93], %swap3A_96 {strides = array<i32>} : memref<128x128xf32, #tpu.memory_space<vmem>>, vector<1x16xf32>,
    %swap3A_97 = arith.constant 126 : i32
    %swap3A_98 = arith.index_cast %swap3A_97 : i32 to index
    %swap3A_99 = arith.constant 64 : index
    %swap3A_100 = tpu.vector_load %arg12[%swap3A_98, %swap3A_99] {strides = array<i32>} : memref<128x128xf32, #tpu.memory_space<vmem>>, vector<1x16xf32>,
    %swap3A_101 = vector.shape_cast %swap3A_100 : vector<1x16xf32> to vector<16xf32>
    %swap3A_102 = vector.shape_cast %scan3A_72#4 : vector<16xf32> to vector<1x16xf32>
    tpu.vector_store %arg12[%swap3A_98, %swap3A_99], %swap3A_102 {strides = array<i32>} : memref<128x128xf32, #tpu.memory_space<vmem>>, vector<1x16xf32>,
    %swap3A_103 = arith.constant 126 : i32
    %swap3A_104 = arith.index_cast %swap3A_103 : i32 to index
    %swap3A_105 = arith.constant 80 : index
    %swap3A_106 = tpu.vector_load %arg12[%swap3A_104, %swap3A_105] {strides = array<i32>} : memref<128x128xf32, #tpu.memory_space<vmem>>, vector<1x16xf32>,
    %swap3A_107 = vector.shape_cast %swap3A_106 : vector<1x16xf32> to vector<16xf32>
    %swap3A_108 = vector.shape_cast %scan3A_72#5 : vector<16xf32> to vector<1x16xf32>
    tpu.vector_store %arg12[%swap3A_104, %swap3A_105], %swap3A_108 {strides = array<i32>} : memref<128x128xf32, #tpu.memory_space<vmem>>, vector<1x16xf32>,
    %swap3A_109 = arith.constant 126 : i32
    %swap3A_110 = arith.index_cast %swap3A_109 : i32 to index
    %swap3A_111 = arith.constant 96 : index
    %swap3A_112 = tpu.vector_load %arg12[%swap3A_110, %swap3A_111] {strides = array<i32>} : memref<128x128xf32, #tpu.memory_space<vmem>>, vector<1x16xf32>,
    %swap3A_113 = vector.shape_cast %swap3A_112 : vector<1x16xf32> to vector<16xf32>
    %swap3A_114 = vector.shape_cast %scan3A_72#6 : vector<16xf32> to vector<1x16xf32>
    tpu.vector_store %arg12[%swap3A_110, %swap3A_111], %swap3A_114 {strides = array<i32>} : memref<128x128xf32, #tpu.memory_space<vmem>>, vector<1x16xf32>,
    %swap3A_115 = arith.constant 126 : i32
    %swap3A_116 = arith.index_cast %swap3A_115 : i32 to index
    %swap3A_117 = arith.constant 112 : index
    %swap3A_118 = tpu.vector_load %arg12[%swap3A_116, %swap3A_117] {strides = array<i32>} : memref<128x128xf32, #tpu.memory_space<vmem>>, vector<1x16xf32>,
    %swap3A_119 = vector.shape_cast %swap3A_118 : vector<1x16xf32> to vector<16xf32>
    %swap3A_120 = vector.shape_cast %scan3A_72#7 : vector<16xf32> to vector<1x16xf32>
    tpu.vector_store %arg12[%swap3A_116, %swap3A_117], %swap3A_120 {strides = array<i32>} : memref<128x128xf32, #tpu.memory_space<vmem>>, vector<1x16xf32>,
    %dma_wait3A_121 = arith.constant 0 : i32
    %dma_wait3A_122 = arith.constant 0 : i32
    %dma_wait3A_123 = tpu.memref_slice %arg5[%dma_wait3A_121, %dma_wait3A_122] : memref<256x100xi32, #tpu.memory_space<vmem>> -> memref<1x100xi32, #tpu.memory_space<vmem>>
    %dma_wait3A_124 = tpu.memref_squeeze %dma_wait3A_123 : memref<1x100xi32, #tpu.memory_space<vmem>> -> memref<100xi32, #tpu.memory_space<vmem>>
    %dma_wait3A_125 = arith.constant 0 : i32
    %dma_wait3A_126 = arith.constant 0 : i32
    %dma_wait3A_127 = tpu.memref_slice %arg2[%dma_wait3A_125, %dma_wait3A_126] : memref<1000000x128xf32, #tpu.memory_space<hbm>> -> memref<1000000x128xf32, #tpu.memory_space<hbm>>
    tpu.wait_indirect_dma semaphore(%arg14 : memref<!tpu.dma_semaphore, #tpu.memory_space<semaphore_mem>>) src(%dma_wait3A_127 : memref<1000000x128xf32, #tpu.memory_space<hbm>>) dst(%arg7 : memref<100x128xf32, #tpu.memory_space<vmem>>)
    %broadcast_in_dim3A_128 = arith.constant 0.000000e+00 : f32
    %broadcast_in_dim3A_129 = vector.broadcast %broadcast_in_dim3A_128 : f32 to vector<16xf32>
    %broadcast_in_dim3A_130 = arith.constant 0.000000e+00 : f32
    %broadcast_in_dim3A_131 = vector.broadcast %broadcast_in_dim3A_130 : f32 to vector<16xf32>
    %broadcast_in_dim3A_132 = arith.constant 0.000000e+00 : f32
    %broadcast_in_dim3A_133 = vector.broadcast %broadcast_in_dim3A_132 : f32 to vector<16xf32>
    %broadcast_in_dim3A_134 = arith.constant 0.000000e+00 : f32
    %broadcast_in_dim3A_135 = vector.broadcast %broadcast_in_dim3A_134 : f32 to vector<16xf32>
    %broadcast_in_dim3A_136 = arith.constant 0.000000e+00 : f32
    %broadcast_in_dim3A_137 = vector.broadcast %broadcast_in_dim3A_136 : f32 to vector<16xf32>
    %broadcast_in_dim3A_138 = arith.constant 0.000000e+00 : f32
    %broadcast_in_dim3A_139 = vector.broadcast %broadcast_in_dim3A_138 : f32 to vector<16xf32>
    %broadcast_in_dim3A_140 = arith.constant 0.000000e+00 : f32
    %broadcast_in_dim3A_141 = vector.broadcast %broadcast_in_dim3A_140 : f32 to vector<16xf32>
    %broadcast_in_dim3A_142 = arith.constant 0.000000e+00 : f32
    %broadcast_in_dim3A_143 = vector.broadcast %broadcast_in_dim3A_142 : f32 to vector<16xf32>
    %scan3A_144 = arith.constant 0 : i32
    %scan3A_145 = arith.constant 100 : i32
    %scan3A_146 = arith.addi %scan3A_144, %scan3A_145 : i32
    %scan3A_147 = arith.constant 2 : i32
    %scan3A_148:8 = scf.for %scan3A_495 = %scan3A_144 to %scan3A_146 step %scan3A_147 iter_args(%scan3A_496 = %broadcast_in_dim3A_129, %scan3A_497 = %broadcast_in_dim3A_131, %scan3A_498 = %broadcast_in_dim3A_133, %scan3A_499 = %broadcast_in_dim3A_135, %scan3A_500 = %broadcast_in_dim3A_137, %scan3A_501 = %broadcast_in_dim3A_139, %scan3A_502 = %broadcast_in_dim3A_141, %scan3A_503 = %broadcast_in_dim3A_143) -> (vector<16xf32>, vector<16xf32>, vector<16xf32>, vector<16xf32>, vector<16xf32>, vector<16xf32>, vector<16xf32>, vector<16xf32>)  : i32 {
      %get3A_504 = arith.index_cast %scan3A_495 : i32 to index
      %get3A_505 = arith.constant 0 : index
      %get3A_506 = tpu.vector_load %arg7[%get3A_504, %get3A_505] {strides = array<i32>} : memref<100x128xf32, #tpu.memory_space<vmem>>, vector<1x16xf32>,
      %get3A_507 = vector.shape_cast %get3A_506 : vector<1x16xf32> to vector<16xf32>
      %add3A_508 = arith.addf %scan3A_496, %get3A_507 : vector<16xf32>
      %get3A_509 = arith.index_cast %scan3A_495 : i32 to index
      %get3A_510 = arith.constant 16 : index
      %get3A_511 = tpu.vector_load %arg7[%get3A_509, %get3A_510] {strides = array<i32>} : memref<100x128xf32, #tpu.memory_space<vmem>>, vector<1x16xf32>,
      %get3A_512 = vector.shape_cast %get3A_511 : vector<1x16xf32> to vector<16xf32>
      %add3A_513 = arith.addf %scan3A_497, %get3A_512 : vector<16xf32>
      %get3A_514 = arith.index_cast %scan3A_495 : i32 to index
      %get3A_515 = arith.constant 32 : index
      %get3A_516 = tpu.vector_load %arg7[%get3A_514, %get3A_515] {strides = array<i32>} : memref<100x128xf32, #tpu.memory_space<vmem>>, vector<1x16xf32>,
      %get3A_517 = vector.shape_cast %get3A_516 : vector<1x16xf32> to vector<16xf32>
      %add3A_518 = arith.addf %scan3A_498, %get3A_517 : vector<16xf32>
      %get3A_519 = arith.index_cast %scan3A_495 : i32 to index
      %get3A_520 = arith.constant 48 : index
      %get3A_521 = tpu.vector_load %arg7[%get3A_519, %get3A_520] {strides = array<i32>} : memref<100x128xf32, #tpu.memory_space<vmem>>, vector<1x16xf32>,
      %get3A_522 = vector.shape_cast %get3A_521 : vector<1x16xf32> to vector<16xf32>
      %add3A_523 = arith.addf %scan3A_499, %get3A_522 : vector<16xf32>
      %get3A_524 = arith.index_cast %scan3A_495 : i32 to index
      %get3A_525 = arith.constant 64 : index
      %get3A_526 = tpu.vector_load %arg7[%get3A_524, %get3A_525] {strides = array<i32>} : memref<100x128xf32, #tpu.memory_space<vmem>>, vector<1x16xf32>,
      %get3A_527 = vector.shape_cast %get3A_526 : vector<1x16xf32> to vector<16xf32>
      %add3A_528 = arith.addf %scan3A_500, %get3A_527 : vector<16xf32>
      %get3A_529 = arith.index_cast %scan3A_495 : i32 to index
      %get3A_530 = arith.constant 80 : index
      %get3A_531 = tpu.vector_load %arg7[%get3A_529, %get3A_530] {strides = array<i32>} : memref<100x128xf32, #tpu.memory_space<vmem>>, vector<1x16xf32>,
      %get3A_532 = vector.shape_cast %get3A_531 : vector<1x16xf32> to vector<16xf32>
      %add3A_533 = arith.addf %scan3A_501, %get3A_532 : vector<16xf32>
      %get3A_534 = arith.index_cast %scan3A_495 : i32 to index
      %get3A_535 = arith.constant 96 : index
      %get3A_536 = tpu.vector_load %arg7[%get3A_534, %get3A_535] {strides = array<i32>} : memref<100x128xf32, #tpu.memory_space<vmem>>, vector<1x16xf32>,
      %get3A_537 = vector.shape_cast %get3A_536 : vector<1x16xf32> to vector<16xf32>
      %add3A_538 = arith.addf %scan3A_502, %get3A_537 : vector<16xf32>
      %get3A_539 = arith.index_cast %scan3A_495 : i32 to index
      %get3A_540 = arith.constant 112 : index
      %get3A_541 = tpu.vector_load %arg7[%get3A_539, %get3A_540] {strides = array<i32>} : memref<100x128xf32, #tpu.memory_space<vmem>>, vector<1x16xf32>,
      %get3A_542 = vector.shape_cast %get3A_541 : vector<1x16xf32> to vector<16xf32>
      %add3A_543 = arith.addf %scan3A_503, %get3A_542 : vector<16xf32>
      %scan3A_544 = arith.constant 1 : i32
      %scan3A_545 = arith.addi %scan3A_495, %scan3A_544 : i32
      %get3A_546 = arith.index_cast %scan3A_545 : i32 to index
      %get3A_547 = arith.constant 0 : index
      %get3A_548 = tpu.vector_load %arg7[%get3A_546, %get3A_547] {strides = array<i32>} : memref<100x128xf32, #tpu.memory_space<vmem>>, vector<1x16xf32>,
      %get3A_549 = vector.shape_cast %get3A_548 : vector<1x16xf32> to vector<16xf32>
      %add3A_550 = arith.addf %add3A_508, %get3A_549 : vector<16xf32>
      %get3A_551 = arith.index_cast %scan3A_545 : i32 to index
      %get3A_552 = arith.constant 16 : index
      %get3A_553 = tpu.vector_load %arg7[%get3A_551, %get3A_552] {strides = array<i32>} : memref<100x128xf32, #tpu.memory_space<vmem>>, vector<1x16xf32>,
      %get3A_554 = vector.shape_cast %get3A_553 : vector<1x16xf32> to vector<16xf32>
      %add3A_555 = arith.addf %add3A_513, %get3A_554 : vector<16xf32>
      %get3A_556 = arith.index_cast %scan3A_545 : i32 to index
      %get3A_557 = arith.constant 32 : index
      %get3A_558 = tpu.vector_load %arg7[%get3A_556, %get3A_557] {strides = array<i32>} : memref<100x128xf32, #tpu.memory_space<vmem>>, vector<1x16xf32>,
      %get3A_559 = vector.shape_cast %get3A_558 : vector<1x16xf32> to vector<16xf32>
      %add3A_560 = arith.addf %add3A_518, %get3A_559 : vector<16xf32>
      %get3A_561 = arith.index_cast %scan3A_545 : i32 to index
      %get3A_562 = arith.constant 48 : index
      %get3A_563 = tpu.vector_load %arg7[%get3A_561, %get3A_562] {strides = array<i32>} : memref<100x128xf32, #tpu.memory_space<vmem>>, vector<1x16xf32>,
      %get3A_564 = vector.shape_cast %get3A_563 : vector<1x16xf32> to vector<16xf32>
      %add3A_565 = arith.addf %add3A_523, %get3A_564 : vector<16xf32>
      %get3A_566 = arith.index_cast %scan3A_545 : i32 to index
      %get3A_567 = arith.constant 64 : index
      %get3A_568 = tpu.vector_load %arg7[%get3A_566, %get3A_567] {strides = array<i32>} : memref<100x128xf32, #tpu.memory_space<vmem>>, vector<1x16xf32>,
      %get3A_569 = vector.shape_cast %get3A_568 : vector<1x16xf32> to vector<16xf32>
      %add3A_570 = arith.addf %add3A_528, %get3A_569 : vector<16xf32>
      %get3A_571 = arith.index_cast %scan3A_545 : i32 to index
      %get3A_572 = arith.constant 80 : index
      %get3A_573 = tpu.vector_load %arg7[%get3A_571, %get3A_572] {strides = array<i32>} : memref<100x128xf32, #tpu.memory_space<vmem>>, vector<1x16xf32>,
      %get3A_574 = vector.shape_cast %get3A_573 : vector<1x16xf32> to vector<16xf32>
      %add3A_575 = arith.addf %add3A_533, %get3A_574 : vector<16xf32>
      %get3A_576 = arith.index_cast %scan3A_545 : i32 to index
      %get3A_577 = arith.constant 96 : index
      %get3A_578 = tpu.vector_load %arg7[%get3A_576, %get3A_577] {strides = array<i32>} : memref<100x128xf32, #tpu.memory_space<vmem>>, vector<1x16xf32>,
      %get3A_579 = vector.shape_cast %get3A_578 : vector<1x16xf32> to vector<16xf32>
      %add3A_580 = arith.addf %add3A_538, %get3A_579 : vector<16xf32>
      %get3A_581 = arith.index_cast %scan3A_545 : i32 to index
      %get3A_582 = arith.constant 112 : index
      %get3A_583 = tpu.vector_load %arg7[%get3A_581, %get3A_582] {strides = array<i32>} : memref<100x128xf32, #tpu.memory_space<vmem>>, vector<1x16xf32>,
      %get3A_584 = vector.shape_cast %get3A_583 : vector<1x16xf32> to vector<16xf32>
      %add3A_585 = arith.addf %add3A_543, %get3A_584 : vector<16xf32>
      scf.yield %add3A_550, %add3A_555, %add3A_560, %add3A_565, %add3A_570, %add3A_575, %add3A_580, %add3A_585 : vector<16xf32>, vector<16xf32>, vector<16xf32>, vector<16xf32>, vector<16xf32>, vector<16xf32>, vector<16xf32>, vector<16xf32>
    }
    %scan3A_149 = arith.constant 100 : i32
    %get3A = arith.constant 126 : i32
    %get3A_150 = arith.index_cast %get3A : i32 to index
    %get3A_151 = arith.constant 0 : index
    %get3A_152 = tpu.vector_load %arg12[%get3A_150, %get3A_151] {strides = array<i32>} : memref<128x128xf32, #tpu.memory_space<vmem>>, vector<1x16xf32>,
    %get3A_153 = vector.shape_cast %get3A_152 : vector<1x16xf32> to vector<16xf32>
    %add3A_154 = arith.addf %get3A_153, %scan3A_148#0 : vector<16xf32>
    %mul3A_155 = arith.constant 5.000000e-03 : f32
    %mul3A_156 = vector.broadcast %mul3A_155 : f32 to vector<16xf32>
    %mul3A_157 = arith.mulf %add3A_154, %mul3A_156 : vector<16xf32>
    %swap3A_158 = arith.constant 126 : i32
    %swap3A_159 = arith.index_cast %swap3A_158 : i32 to index
    %swap3A_160 = arith.constant 0 : index
    %swap3A_161 = tpu.vector_load %arg12[%swap3A_159, %swap3A_160] {strides = array<i32>} : memref<128x128xf32, #tpu.memory_space<vmem>>, vector<1x16xf32>,
    %swap3A_162 = vector.shape_cast %swap3A_161 : vector<1x16xf32> to vector<16xf32>
    %swap3A_163 = vector.shape_cast %mul3A_157 : vector<16xf32> to vector<1x16xf32>
    tpu.vector_store %arg12[%swap3A_159, %swap3A_160], %swap3A_163 {strides = array<i32>} : memref<128x128xf32, #tpu.memory_space<vmem>>, vector<1x16xf32>,
    %get3A_164 = arith.constant 126 : i32
    %get3A_165 = arith.index_cast %get3A_164 : i32 to index
    %get3A_166 = arith.constant 16 : index
    %get3A_167 = tpu.vector_load %arg12[%get3A_165, %get3A_166] {strides = array<i32>} : memref<128x128xf32, #tpu.memory_space<vmem>>, vector<1x16xf32>,
    %get3A_168 = vector.shape_cast %get3A_167 : vector<1x16xf32> to vector<16xf32>
    %add3A_169 = arith.addf %get3A_168, %scan3A_148#1 : vector<16xf32>
    %mul3A_170 = arith.constant 5.000000e-03 : f32
    %mul3A_171 = vector.broadcast %mul3A_170 : f32 to vector<16xf32>
    %mul3A_172 = arith.mulf %add3A_169, %mul3A_171 : vector<16xf32>
    %swap3A_173 = arith.constant 126 : i32
    %swap3A_174 = arith.index_cast %swap3A_173 : i32 to index
    %swap3A_175 = arith.constant 16 : index
    %swap3A_176 = tpu.vector_load %arg12[%swap3A_174, %swap3A_175] {strides = array<i32>} : memref<128x128xf32, #tpu.memory_space<vmem>>, vector<1x16xf32>,
    %swap3A_177 = vector.shape_cast %swap3A_176 : vector<1x16xf32> to vector<16xf32>
    %swap3A_178 = vector.shape_cast %mul3A_172 : vector<16xf32> to vector<1x16xf32>
    tpu.vector_store %arg12[%swap3A_174, %swap3A_175], %swap3A_178 {strides = array<i32>} : memref<128x128xf32, #tpu.memory_space<vmem>>, vector<1x16xf32>,
    %get3A_179 = arith.constant 126 : i32
    %get3A_180 = arith.index_cast %get3A_179 : i32 to index
    %get3A_181 = arith.constant 32 : index
    %get3A_182 = tpu.vector_load %arg12[%get3A_180, %get3A_181] {strides = array<i32>} : memref<128x128xf32, #tpu.memory_space<vmem>>, vector<1x16xf32>,
    %get3A_183 = vector.shape_cast %get3A_182 : vector<1x16xf32> to vector<16xf32>
    %add3A_184 = arith.addf %get3A_183, %scan3A_148#2 : vector<16xf32>
    %mul3A_185 = arith.constant 5.000000e-03 : f32
    %mul3A_186 = vector.broadcast %mul3A_185 : f32 to vector<16xf32>
    %mul3A_187 = arith.mulf %add3A_184, %mul3A_186 : vector<16xf32>
    %swap3A_188 = arith.constant 126 : i32
    %swap3A_189 = arith.index_cast %swap3A_188 : i32 to index
    %swap3A_190 = arith.constant 32 : index
    %swap3A_191 = tpu.vector_load %arg12[%swap3A_189, %swap3A_190] {strides = array<i32>} : memref<128x128xf32, #tpu.memory_space<vmem>>, vector<1x16xf32>,
    %swap3A_192 = vector.shape_cast %swap3A_191 : vector<1x16xf32> to vector<16xf32>
    %swap3A_193 = vector.shape_cast %mul3A_187 : vector<16xf32> to vector<1x16xf32>
    tpu.vector_store %arg12[%swap3A_189, %swap3A_190], %swap3A_193 {strides = array<i32>} : memref<128x128xf32, #tpu.memory_space<vmem>>, vector<1x16xf32>,
    %get3A_194 = arith.constant 126 : i32
    %get3A_195 = arith.index_cast %get3A_194 : i32 to index
    %get3A_196 = arith.constant 48 : index
    %get3A_197 = tpu.vector_load %arg12[%get3A_195, %get3A_196] {strides = array<i32>} : memref<128x128xf32, #tpu.memory_space<vmem>>, vector<1x16xf32>,
    %get3A_198 = vector.shape_cast %get3A_197 : vector<1x16xf32> to vector<16xf32>
    %add3A_199 = arith.addf %get3A_198, %scan3A_148#3 : vector<16xf32>
    %mul3A_200 = arith.constant 5.000000e-03 : f32
    %mul3A_201 = vector.broadcast %mul3A_200 : f32 to vector<16xf32>
    %mul3A_202 = arith.mulf %add3A_199, %mul3A_201 : vector<16xf32>
    %swap3A_203 = arith.constant 126 : i32
    %swap3A_204 = arith.index_cast %swap3A_203 : i32 to index
    %swap3A_205 = arith.constant 48 : index
    %swap3A_206 = tpu.vector_load %arg12[%swap3A_204, %swap3A_205] {strides = array<i32>} : memref<128x128xf32, #tpu.memory_space<vmem>>, vector<1x16xf32>,
    %swap3A_207 = vector.shape_cast %swap3A_206 : vector<1x16xf32> to vector<16xf32>
    %swap3A_208 = vector.shape_cast %mul3A_202 : vector<16xf32> to vector<1x16xf32>
    tpu.vector_store %arg12[%swap3A_204, %swap3A_205], %swap3A_208 {strides = array<i32>} : memref<128x128xf32, #tpu.memory_space<vmem>>, vector<1x16xf32>,
    %get3A_209 = arith.constant 126 : i32
    %get3A_210 = arith.index_cast %get3A_209 : i32 to index
    %get3A_211 = arith.constant 64 : index
    %get3A_212 = tpu.vector_load %arg12[%get3A_210, %get3A_211] {strides = array<i32>} : memref<128x128xf32, #tpu.memory_space<vmem>>, vector<1x16xf32>,
    %get3A_213 = vector.shape_cast %get3A_212 : vector<1x16xf32> to vector<16xf32>
    %add3A_214 = arith.addf %get3A_213, %scan3A_148#4 : vector<16xf32>
    %mul3A_215 = arith.constant 5.000000e-03 : f32
    %mul3A_216 = vector.broadcast %mul3A_215 : f32 to vector<16xf32>
    %mul3A_217 = arith.mulf %add3A_214, %mul3A_216 : vector<16xf32>
    %swap3A_218 = arith.constant 126 : i32
    %swap3A_219 = arith.index_cast %swap3A_218 : i32 to index
    %swap3A_220 = arith.constant 64 : index
    %swap3A_221 = tpu.vector_load %arg12[%swap3A_219, %swap3A_220] {strides = array<i32>} : memref<128x128xf32, #tpu.memory_space<vmem>>, vector<1x16xf32>,
    %swap3A_222 = vector.shape_cast %swap3A_221 : vector<1x16xf32> to vector<16xf32>
    %swap3A_223 = vector.shape_cast %mul3A_217 : vector<16xf32> to vector<1x16xf32>
    tpu.vector_store %arg12[%swap3A_219, %swap3A_220], %swap3A_223 {strides = array<i32>} : memref<128x128xf32, #tpu.memory_space<vmem>>, vector<1x16xf32>,
    %get3A_224 = arith.constant 126 : i32
    %get3A_225 = arith.index_cast %get3A_224 : i32 to index
    %get3A_226 = arith.constant 80 : index
    %get3A_227 = tpu.vector_load %arg12[%get3A_225, %get3A_226] {strides = array<i32>} : memref<128x128xf32, #tpu.memory_space<vmem>>, vector<1x16xf32>,
    %get3A_228 = vector.shape_cast %get3A_227 : vector<1x16xf32> to vector<16xf32>
    %add3A_229 = arith.addf %get3A_228, %scan3A_148#5 : vector<16xf32>
    %mul3A_230 = arith.constant 5.000000e-03 : f32
    %mul3A_231 = vector.broadcast %mul3A_230 : f32 to vector<16xf32>
    %mul3A_232 = arith.mulf %add3A_229, %mul3A_231 : vector<16xf32>
    %swap3A_233 = arith.constant 126 : i32
    %swap3A_234 = arith.index_cast %swap3A_233 : i32 to index
    %swap3A_235 = arith.constant 80 : index
    %swap3A_236 = tpu.vector_load %arg12[%swap3A_234, %swap3A_235] {strides = array<i32>} : memref<128x128xf32, #tpu.memory_space<vmem>>, vector<1x16xf32>,
    %swap3A_237 = vector.shape_cast %swap3A_236 : vector<1x16xf32> to vector<16xf32>
    %swap3A_238 = vector.shape_cast %mul3A_232 : vector<16xf32> to vector<1x16xf32>
    tpu.vector_store %arg12[%swap3A_234, %swap3A_235], %swap3A_238 {strides = array<i32>} : memref<128x128xf32, #tpu.memory_space<vmem>>, vector<1x16xf32>,
    %get3A_239 = arith.constant 126 : i32
    %get3A_240 = arith.index_cast %get3A_239 : i32 to index
    %get3A_241 = arith.constant 96 : index
    %get3A_242 = tpu.vector_load %arg12[%get3A_240, %get3A_241] {strides = array<i32>} : memref<128x128xf32, #tpu.memory_space<vmem>>, vector<1x16xf32>,
    %get3A_243 = vector.shape_cast %get3A_242 : vector<1x16xf32> to vector<16xf32>
    %add3A_244 = arith.addf %get3A_243, %scan3A_148#6 : vector<16xf32>
    %mul3A_245 = arith.constant 5.000000e-03 : f32
    %mul3A_246 = vector.broadcast %mul3A_245 : f32 to vector<16xf32>
    %mul3A_247 = arith.mulf %add3A_244, %mul3A_246 : vector<16xf32>
    %swap3A_248 = arith.constant 126 : i32
    %swap3A_249 = arith.index_cast %swap3A_248 : i32 to index
    %swap3A_250 = arith.constant 96 : index
    %swap3A_251 = tpu.vector_load %arg12[%swap3A_249, %swap3A_250] {strides = array<i32>} : memref<128x128xf32, #tpu.memory_space<vmem>>, vector<1x16xf32>,
    %swap3A_252 = vector.shape_cast %swap3A_251 : vector<1x16xf32> to vector<16xf32>
    %swap3A_253 = vector.shape_cast %mul3A_247 : vector<16xf32> to vector<1x16xf32>
    tpu.vector_store %arg12[%swap3A_249, %swap3A_250], %swap3A_253 {strides = array<i32>} : memref<128x128xf32, #tpu.memory_space<vmem>>, vector<1x16xf32>,
    %get3A_254 = arith.constant 126 : i32
    %get3A_255 = arith.index_cast %get3A_254 : i32 to index
    %get3A_256 = arith.constant 112 : index
    %get3A_257 = tpu.vector_load %arg12[%get3A_255, %get3A_256] {strides = array<i32>} : memref<128x128xf32, #tpu.memory_space<vmem>>, vector<1x16xf32>,
    %get3A_258 = vector.shape_cast %get3A_257 : vector<1x16xf32> to vector<16xf32>
    %add3A_259 = arith.addf %get3A_258, %scan3A_148#7 : vector<16xf32>
    %mul3A_260 = arith.constant 5.000000e-03 : f32
    %mul3A_261 = vector.broadcast %mul3A_260 : f32 to vector<16xf32>
    %mul3A_262 = arith.mulf %add3A_259, %mul3A_261 : vector<16xf32>
    %swap3A_263 = arith.constant 126 : i32
    %swap3A_264 = arith.index_cast %swap3A_263 : i32 to index
    %swap3A_265 = arith.constant 112 : index
    %swap3A_266 = tpu.vector_load %arg12[%swap3A_264, %swap3A_265] {strides = array<i32>} : memref<128x128xf32, #tpu.memory_space<vmem>>, vector<1x16xf32>,
    %swap3A_267 = vector.shape_cast %swap3A_266 : vector<1x16xf32> to vector<16xf32>
    %swap3A_268 = vector.shape_cast %mul3A_262 : vector<16xf32> to vector<1x16xf32>
    tpu.vector_store %arg12[%swap3A_264, %swap3A_265], %swap3A_268 {strides = array<i32>} : memref<128x128xf32, #tpu.memory_space<vmem>>, vector<1x16xf32>,
    %dma_wait3A_269 = arith.constant 0 : i32
    %dma_wait3A_270 = arith.constant 0 : i32
    %dma_wait3A_271 = tpu.memref_slice %arg5[%dma_wait3A_269, %dma_wait3A_270] : memref<256x100xi32, #tpu.memory_space<vmem>> -> memref<1x100xi32, #tpu.memory_space<vmem>>
    %dma_wait3A_272 = tpu.memref_squeeze %dma_wait3A_271 : memref<1x100xi32, #tpu.memory_space<vmem>> -> memref<100xi32, #tpu.memory_space<vmem>>
    %dma_wait3A_273 = arith.constant 0 : i32
    %dma_wait3A_274 = arith.constant 0 : i32
    %dma_wait3A_275 = tpu.memref_slice %arg2[%dma_wait3A_273, %dma_wait3A_274] : memref<1000000x128xf32, #tpu.memory_space<hbm>> -> memref<1000000x128xf32, #tpu.memory_space<hbm>>
    tpu.wait_indirect_dma semaphore(%arg15 : memref<!tpu.dma_semaphore, #tpu.memory_space<semaphore_mem>>) src(%dma_wait3A_275 : memref<1000000x128xf32, #tpu.memory_space<hbm>>) dst(%arg8 : memref<100x128xf32, #tpu.memory_space<vmem>>)
    %broadcast_in_dim3A_276 = arith.constant 0.000000e+00 : f32
    %broadcast_in_dim3A_277 = vector.broadcast %broadcast_in_dim3A_276 : f32 to vector<16xf32>
    %broadcast_in_dim3A_278 = arith.constant 0.000000e+00 : f32
    %broadcast_in_dim3A_279 = vector.broadcast %broadcast_in_dim3A_278 : f32 to vector<16xf32>
    %broadcast_in_dim3A_280 = arith.constant 0.000000e+00 : f32
    %broadcast_in_dim3A_281 = vector.broadcast %broadcast_in_dim3A_280 : f32 to vector<16xf32>
    %broadcast_in_dim3A_282 = arith.constant 0.000000e+00 : f32
    %broadcast_in_dim3A_283 = vector.broadcast %broadcast_in_dim3A_282 : f32 to vector<16xf32>
    %broadcast_in_dim3A_284 = arith.constant 0.000000e+00 : f32
    %broadcast_in_dim3A_285 = vector.broadcast %broadcast_in_dim3A_284 : f32 to vector<16xf32>
    %broadcast_in_dim3A_286 = arith.constant 0.000000e+00 : f32
    %broadcast_in_dim3A_287 = vector.broadcast %broadcast_in_dim3A_286 : f32 to vector<16xf32>
    %broadcast_in_dim3A_288 = arith.constant 0.000000e+00 : f32
    %broadcast_in_dim3A_289 = vector.broadcast %broadcast_in_dim3A_288 : f32 to vector<16xf32>
    %broadcast_in_dim3A_290 = arith.constant 0.000000e+00 : f32
    %broadcast_in_dim3A_291 = vector.broadcast %broadcast_in_dim3A_290 : f32 to vector<16xf32>
    %scan3A_292 = arith.constant 0 : i32
    %scan3A_293 = arith.constant 100 : i32
    %scan3A_294 = arith.addi %scan3A_292, %scan3A_293 : i32
    %scan3A_295 = arith.constant 2 : i32
    %scan3A_296:8 = scf.for %scan3A_495 = %scan3A_292 to %scan3A_294 step %scan3A_295 iter_args(%scan3A_496 = %broadcast_in_dim3A_277, %scan3A_497 = %broadcast_in_dim3A_279, %scan3A_498 = %broadcast_in_dim3A_281, %scan3A_499 = %broadcast_in_dim3A_283, %scan3A_500 = %broadcast_in_dim3A_285, %scan3A_501 = %broadcast_in_dim3A_287, %scan3A_502 = %broadcast_in_dim3A_289, %scan3A_503 = %broadcast_in_dim3A_291) -> (vector<16xf32>, vector<16xf32>, vector<16xf32>, vector<16xf32>, vector<16xf32>, vector<16xf32>, vector<16xf32>, vector<16xf32>)  : i32 {
      %get3A_504 = arith.index_cast %scan3A_495 : i32 to index
      %get3A_505 = arith.constant 0 : index
      %get3A_506 = tpu.vector_load %arg8[%get3A_504, %get3A_505] {strides = array<i32>} : memref<100x128xf32, #tpu.memory_space<vmem>>, vector<1x16xf32>,
      %get3A_507 = vector.shape_cast %get3A_506 : vector<1x16xf32> to vector<16xf32>
      %add3A_508 = arith.addf %scan3A_496, %get3A_507 : vector<16xf32>
      %get3A_509 = arith.index_cast %scan3A_495 : i32 to index
      %get3A_510 = arith.constant 16 : index
      %get3A_511 = tpu.vector_load %arg8[%get3A_509, %get3A_510] {strides = array<i32>} : memref<100x128xf32, #tpu.memory_space<vmem>>, vector<1x16xf32>,
      %get3A_512 = vector.shape_cast %get3A_511 : vector<1x16xf32> to vector<16xf32>
      %add3A_513 = arith.addf %scan3A_497, %get3A_512 : vector<16xf32>
      %get3A_514 = arith.index_cast %scan3A_495 : i32 to index
      %get3A_515 = arith.constant 32 : index
      %get3A_516 = tpu.vector_load %arg8[%get3A_514, %get3A_515] {strides = array<i32>} : memref<100x128xf32, #tpu.memory_space<vmem>>, vector<1x16xf32>,
      %get3A_517 = vector.shape_cast %get3A_516 : vector<1x16xf32> to vector<16xf32>
      %add3A_518 = arith.addf %scan3A_498, %get3A_517 : vector<16xf32>
      %get3A_519 = arith.index_cast %scan3A_495 : i32 to index
      %get3A_520 = arith.constant 48 : index
      %get3A_521 = tpu.vector_load %arg8[%get3A_519, %get3A_520] {strides = array<i32>} : memref<100x128xf32, #tpu.memory_space<vmem>>, vector<1x16xf32>,
      %get3A_522 = vector.shape_cast %get3A_521 : vector<1x16xf32> to vector<16xf32>
      %add3A_523 = arith.addf %scan3A_499, %get3A_522 : vector<16xf32>
      %get3A_524 = arith.index_cast %scan3A_495 : i32 to index
      %get3A_525 = arith.constant 64 : index
      %get3A_526 = tpu.vector_load %arg8[%get3A_524, %get3A_525] {strides = array<i32>} : memref<100x128xf32, #tpu.memory_space<vmem>>, vector<1x16xf32>,
      %get3A_527 = vector.shape_cast %get3A_526 : vector<1x16xf32> to vector<16xf32>
      %add3A_528 = arith.addf %scan3A_500, %get3A_527 : vector<16xf32>
      %get3A_529 = arith.index_cast %scan3A_495 : i32 to index
      %get3A_530 = arith.constant 80 : index
      %get3A_531 = tpu.vector_load %arg8[%get3A_529, %get3A_530] {strides = array<i32>} : memref<100x128xf32, #tpu.memory_space<vmem>>, vector<1x16xf32>,
      %get3A_532 = vector.shape_cast %get3A_531 : vector<1x16xf32> to vector<16xf32>
      %add3A_533 = arith.addf %scan3A_501, %get3A_532 : vector<16xf32>
      %get3A_534 = arith.index_cast %scan3A_495 : i32 to index
      %get3A_535 = arith.constant 96 : index
      %get3A_536 = tpu.vector_load %arg8[%get3A_534, %get3A_535] {strides = array<i32>} : memref<100x128xf32, #tpu.memory_space<vmem>>, vector<1x16xf32>,
      %get3A_537 = vector.shape_cast %get3A_536 : vector<1x16xf32> to vector<16xf32>
      %add3A_538 = arith.addf %scan3A_502, %get3A_537 : vector<16xf32>
      %get3A_539 = arith.index_cast %scan3A_495 : i32 to index
      %get3A_540 = arith.constant 112 : index
      %get3A_541 = tpu.vector_load %arg8[%get3A_539, %get3A_540] {strides = array<i32>} : memref<100x128xf32, #tpu.memory_space<vmem>>, vector<1x16xf32>,
      %get3A_542 = vector.shape_cast %get3A_541 : vector<1x16xf32> to vector<16xf32>
      %add3A_543 = arith.addf %scan3A_503, %get3A_542 : vector<16xf32>
      %scan3A_544 = arith.constant 1 : i32
      %scan3A_545 = arith.addi %scan3A_495, %scan3A_544 : i32
      %get3A_546 = arith.index_cast %scan3A_545 : i32 to index
      %get3A_547 = arith.constant 0 : index
      %get3A_548 = tpu.vector_load %arg8[%get3A_546, %get3A_547] {strides = array<i32>} : memref<100x128xf32, #tpu.memory_space<vmem>>, vector<1x16xf32>,
      %get3A_549 = vector.shape_cast %get3A_548 : vector<1x16xf32> to vector<16xf32>
      %add3A_550 = arith.addf %add3A_508, %get3A_549 : vector<16xf32>
      %get3A_551 = arith.index_cast %scan3A_545 : i32 to index
      %get3A_552 = arith.constant 16 : index
      %get3A_553 = tpu.vector_load %arg8[%get3A_551, %get3A_552] {strides = array<i32>} : memref<100x128xf32, #tpu.memory_space<vmem>>, vector<1x16xf32>,
      %get3A_554 = vector.shape_cast %get3A_553 : vector<1x16xf32> to vector<16xf32>
      %add3A_555 = arith.addf %add3A_513, %get3A_554 : vector<16xf32>
      %get3A_556 = arith.index_cast %scan3A_545 : i32 to index
      %get3A_557 = arith.constant 32 : index
      %get3A_558 = tpu.vector_load %arg8[%get3A_556, %get3A_557] {strides = array<i32>} : memref<100x128xf32, #tpu.memory_space<vmem>>, vector<1x16xf32>,
      %get3A_559 = vector.shape_cast %get3A_558 : vector<1x16xf32> to vector<16xf32>
      %add3A_560 = arith.addf %add3A_518, %get3A_559 : vector<16xf32>
      %get3A_561 = arith.index_cast %scan3A_545 : i32 to index
      %get3A_562 = arith.constant 48 : index
      %get3A_563 = tpu.vector_load %arg8[%get3A_561, %get3A_562] {strides = array<i32>} : memref<100x128xf32, #tpu.memory_space<vmem>>, vector<1x16xf32>,
      %get3A_564 = vector.shape_cast %get3A_563 : vector<1x16xf32> to vector<16xf32>
      %add3A_565 = arith.addf %add3A_523, %get3A_564 : vector<16xf32>
      %get3A_566 = arith.index_cast %scan3A_545 : i32 to index
      %get3A_567 = arith.constant 64 : index
      %get3A_568 = tpu.vector_load %arg8[%get3A_566, %get3A_567] {strides = array<i32>} : memref<100x128xf32, #tpu.memory_space<vmem>>, vector<1x16xf32>,
      %get3A_569 = vector.shape_cast %get3A_568 : vector<1x16xf32> to vector<16xf32>
      %add3A_570 = arith.addf %add3A_528, %get3A_569 : vector<16xf32>
      %get3A_571 = arith.index_cast %scan3A_545 : i32 to index
      %get3A_572 = arith.constant 80 : index
      %get3A_573 = tpu.vector_load %arg8[%get3A_571, %get3A_572] {strides = array<i32>} : memref<100x128xf32, #tpu.memory_space<vmem>>, vector<1x16xf32>,
      %get3A_574 = vector.shape_cast %get3A_573 : vector<1x16xf32> to vector<16xf32>
      %add3A_575 = arith.addf %add3A_533, %get3A_574 : vector<16xf32>
      %get3A_576 = arith.index_cast %scan3A_545 : i32 to index
      %get3A_577 = arith.constant 96 : index
      %get3A_578 = tpu.vector_load %arg8[%get3A_576, %get3A_577] {strides = array<i32>} : memref<100x128xf32, #tpu.memory_space<vmem>>, vector<1x16xf32>,
      %get3A_579 = vector.shape_cast %get3A_578 : vector<1x16xf32> to vector<16xf32>
      %add3A_580 = arith.addf %add3A_538, %get3A_579 : vector<16xf32>
      %get3A_581 = arith.index_cast %scan3A_545 : i32 to index
      %get3A_582 = arith.constant 112 : index
      %get3A_583 = tpu.vector_load %arg8[%get3A_581, %get3A_582] {strides = array<i32>} : memref<100x128xf32, #tpu.memory_space<vmem>>, vector<1x16xf32>,
      %get3A_584 = vector.shape_cast %get3A_583 : vector<1x16xf32> to vector<16xf32>
      %add3A_585 = arith.addf %add3A_543, %get3A_584 : vector<16xf32>
      scf.yield %add3A_550, %add3A_555, %add3A_560, %add3A_565, %add3A_570, %add3A_575, %add3A_580, %add3A_585 : vector<16xf32>, vector<16xf32>, vector<16xf32>, vector<16xf32>, vector<16xf32>, vector<16xf32>, vector<16xf32>, vector<16xf32>
    }
    %scan3A_297 = arith.constant 100 : i32
    %swap3A_298 = arith.constant 127 : i32
    %swap3A_299 = arith.index_cast %swap3A_298 : i32 to index
    %swap3A_300 = arith.constant 0 : index
    %swap3A_301 = tpu.vector_load %arg12[%swap3A_299, %swap3A_300] {strides = array<i32>} : memref<128x128xf32, #tpu.memory_space<vmem>>, vector<1x16xf32>,
    %swap3A_302 = vector.shape_cast %swap3A_301 : vector<1x16xf32> to vector<16xf32>
    %swap3A_303 = vector.shape_cast %scan3A_296#0 : vector<16xf32> to vector<1x16xf32>
    tpu.vector_store %arg12[%swap3A_299, %swap3A_300], %swap3A_303 {strides = array<i32>} : memref<128x128xf32, #tpu.memory_space<vmem>>, vector<1x16xf32>,
    %swap3A_304 = arith.constant 127 : i32
    %swap3A_305 = arith.index_cast %swap3A_304 : i32 to index
    %swap3A_306 = arith.constant 16 : index
    %swap3A_307 = tpu.vector_load %arg12[%swap3A_305, %swap3A_306] {strides = array<i32>} : memref<128x128xf32, #tpu.memory_space<vmem>>, vector<1x16xf32>,
    %swap3A_308 = vector.shape_cast %swap3A_307 : vector<1x16xf32> to vector<16xf32>
    %swap3A_309 = vector.shape_cast %scan3A_296#1 : vector<16xf32> to vector<1x16xf32>
    tpu.vector_store %arg12[%swap3A_305, %swap3A_306], %swap3A_309 {strides = array<i32>} : memref<128x128xf32, #tpu.memory_space<vmem>>, vector<1x16xf32>,
    %swap3A_310 = arith.constant 127 : i32
    %swap3A_311 = arith.index_cast %swap3A_310 : i32 to index
    %swap3A_312 = arith.constant 32 : index
    %swap3A_313 = tpu.vector_load %arg12[%swap3A_311, %swap3A_312] {strides = array<i32>} : memref<128x128xf32, #tpu.memory_space<vmem>>, vector<1x16xf32>,
    %swap3A_314 = vector.shape_cast %swap3A_313 : vector<1x16xf32> to vector<16xf32>
    %swap3A_315 = vector.shape_cast %scan3A_296#2 : vector<16xf32> to vector<1x16xf32>
    tpu.vector_store %arg12[%swap3A_311, %swap3A_312], %swap3A_315 {strides = array<i32>} : memref<128x128xf32, #tpu.memory_space<vmem>>, vector<1x16xf32>,
    %swap3A_316 = arith.constant 127 : i32
    %swap3A_317 = arith.index_cast %swap3A_316 : i32 to index
    %swap3A_318 = arith.constant 48 : index
    %swap3A_319 = tpu.vector_load %arg12[%swap3A_317, %swap3A_318] {strides = array<i32>} : memref<128x128xf32, #tpu.memory_space<vmem>>, vector<1x16xf32>,
    %swap3A_320 = vector.shape_cast %swap3A_319 : vector<1x16xf32> to vector<16xf32>
    %swap3A_321 = vector.shape_cast %scan3A_296#3 : vector<16xf32> to vector<1x16xf32>
    tpu.vector_store %arg12[%swap3A_317, %swap3A_318], %swap3A_321 {strides = array<i32>} : memref<128x128xf32, #tpu.memory_space<vmem>>, vector<1x16xf32>,
    %swap3A_322 = arith.constant 127 : i32
    %swap3A_323 = arith.index_cast %swap3A_322 : i32 to index
    %swap3A_324 = arith.constant 64 : index
    %swap3A_325 = tpu.vector_load %arg12[%swap3A_323, %swap3A_324] {strides = array<i32>} : memref<128x128xf32, #tpu.memory_space<vmem>>, vector<1x16xf32>,
    %swap3A_326 = vector.shape_cast %swap3A_325 : vector<1x16xf32> to vector<16xf32>
    %swap3A_327 = vector.shape_cast %scan3A_296#4 : vector<16xf32> to vector<1x16xf32>
    tpu.vector_store %arg12[%swap3A_323, %swap3A_324], %swap3A_327 {strides = array<i32>} : memref<128x128xf32, #tpu.memory_space<vmem>>, vector<1x16xf32>,
    %swap3A_328 = arith.constant 127 : i32
    %swap3A_329 = arith.index_cast %swap3A_328 : i32 to index
    %swap3A_330 = arith.constant 80 : index
    %swap3A_331 = tpu.vector_load %arg12[%swap3A_329, %swap3A_330] {strides = array<i32>} : memref<128x128xf32, #tpu.memory_space<vmem>>, vector<1x16xf32>,
    %swap3A_332 = vector.shape_cast %swap3A_331 : vector<1x16xf32> to vector<16xf32>
    %swap3A_333 = vector.shape_cast %scan3A_296#5 : vector<16xf32> to vector<1x16xf32>
    tpu.vector_store %arg12[%swap3A_329, %swap3A_330], %swap3A_333 {strides = array<i32>} : memref<128x128xf32, #tpu.memory_space<vmem>>, vector<1x16xf32>,
    %swap3A_334 = arith.constant 127 : i32
    %swap3A_335 = arith.index_cast %swap3A_334 : i32 to index
    %swap3A_336 = arith.constant 96 : index
    %swap3A_337 = tpu.vector_load %arg12[%swap3A_335, %swap3A_336] {strides = array<i32>} : memref<128x128xf32, #tpu.memory_space<vmem>>, vector<1x16xf32>,
    %swap3A_338 = vector.shape_cast %swap3A_337 : vector<1x16xf32> to vector<16xf32>
    %swap3A_339 = vector.shape_cast %scan3A_296#6 : vector<16xf32> to vector<1x16xf32>
    tpu.vector_store %arg12[%swap3A_335, %swap3A_336], %swap3A_339 {strides = array<i32>} : memref<128x128xf32, #tpu.memory_space<vmem>>, vector<1x16xf32>,
    %swap3A_340 = arith.constant 127 : i32
    %swap3A_341 = arith.index_cast %swap3A_340 : i32 to index
    %swap3A_342 = arith.constant 112 : index
    %swap3A_343 = tpu.vector_load %arg12[%swap3A_341, %swap3A_342] {strides = array<i32>} : memref<128x128xf32, #tpu.memory_space<vmem>>, vector<1x16xf32>,
    %swap3A_344 = vector.shape_cast %swap3A_343 : vector<1x16xf32> to vector<16xf32>
    %swap3A_345 = vector.shape_cast %scan3A_296#7 : vector<16xf32> to vector<1x16xf32>
    tpu.vector_store %arg12[%swap3A_341, %swap3A_342], %swap3A_345 {strides = array<i32>} : memref<128x128xf32, #tpu.memory_space<vmem>>, vector<1x16xf32>,
    %dma_wait3A_346 = arith.constant 0 : i32
    %dma_wait3A_347 = arith.constant 0 : i32
    %dma_wait3A_348 = tpu.memref_slice %arg5[%dma_wait3A_346, %dma_wait3A_347] : memref<256x100xi32, #tpu.memory_space<vmem>> -> memref<1x100xi32, #tpu.memory_space<vmem>>
    %dma_wait3A_349 = tpu.memref_squeeze %dma_wait3A_348 : memref<1x100xi32, #tpu.memory_space<vmem>> -> memref<100xi32, #tpu.memory_space<vmem>>
    %dma_wait3A_350 = arith.constant 0 : i32
    %dma_wait3A_351 = arith.constant 0 : i32
    %dma_wait3A_352 = tpu.memref_slice %arg2[%dma_wait3A_350, %dma_wait3A_351] : memref<1000000x128xf32, #tpu.memory_space<hbm>> -> memref<1000000x128xf32, #tpu.memory_space<hbm>>
    tpu.wait_indirect_dma semaphore(%arg16 : memref<!tpu.dma_semaphore, #tpu.memory_space<semaphore_mem>>) src(%dma_wait3A_352 : memref<1000000x128xf32, #tpu.memory_space<hbm>>) dst(%arg9 : memref<100x128xf32, #tpu.memory_space<vmem>>)
    %broadcast_in_dim3A_353 = arith.constant 0.000000e+00 : f32
    %broadcast_in_dim3A_354 = vector.broadcast %broadcast_in_dim3A_353 : f32 to vector<16xf32>
    %broadcast_in_dim3A_355 = arith.constant 0.000000e+00 : f32
    %broadcast_in_dim3A_356 = vector.broadcast %broadcast_in_dim3A_355 : f32 to vector<16xf32>
    %broadcast_in_dim3A_357 = arith.constant 0.000000e+00 : f32
    %broadcast_in_dim3A_358 = vector.broadcast %broadcast_in_dim3A_357 : f32 to vector<16xf32>
    %broadcast_in_dim3A_359 = arith.constant 0.000000e+00 : f32
    %broadcast_in_dim3A_360 = vector.broadcast %broadcast_in_dim3A_359 : f32 to vector<16xf32>
    %broadcast_in_dim3A_361 = arith.constant 0.000000e+00 : f32
    %broadcast_in_dim3A_362 = vector.broadcast %broadcast_in_dim3A_361 : f32 to vector<16xf32>
    %broadcast_in_dim3A_363 = arith.constant 0.000000e+00 : f32
    %broadcast_in_dim3A_364 = vector.broadcast %broadcast_in_dim3A_363 : f32 to vector<16xf32>
    %broadcast_in_dim3A_365 = arith.constant 0.000000e+00 : f32
    %broadcast_in_dim3A_366 = vector.broadcast %broadcast_in_dim3A_365 : f32 to vector<16xf32>
    %broadcast_in_dim3A_367 = arith.constant 0.000000e+00 : f32
    %broadcast_in_dim3A_368 = vector.broadcast %broadcast_in_dim3A_367 : f32 to vector<16xf32>
    %scan3A_369 = arith.constant 0 : i32
    %scan3A_370 = arith.constant 100 : i32
    %scan3A_371 = arith.addi %scan3A_369, %scan3A_370 : i32
    %scan3A_372 = arith.constant 2 : i32
    %scan3A_373:8 = scf.for %scan3A_495 = %scan3A_369 to %scan3A_371 step %scan3A_372 iter_args(%scan3A_496 = %broadcast_in_dim3A_354, %scan3A_497 = %broadcast_in_dim3A_356, %scan3A_498 = %broadcast_in_dim3A_358, %scan3A_499 = %broadcast_in_dim3A_360, %scan3A_500 = %broadcast_in_dim3A_362, %scan3A_501 = %broadcast_in_dim3A_364, %scan3A_502 = %broadcast_in_dim3A_366, %scan3A_503 = %broadcast_in_dim3A_368) -> (vector<16xf32>, vector<16xf32>, vector<16xf32>, vector<16xf32>, vector<16xf32>, vector<16xf32>, vector<16xf32>, vector<16xf32>)  : i32 {
      %get3A_504 = arith.index_cast %scan3A_495 : i32 to index
      %get3A_505 = arith.constant 0 : index
      %get3A_506 = tpu.vector_load %arg9[%get3A_504, %get3A_505] {strides = array<i32>} : memref<100x128xf32, #tpu.memory_space<vmem>>, vector<1x16xf32>,
      %get3A_507 = vector.shape_cast %get3A_506 : vector<1x16xf32> to vector<16xf32>
      %add3A_508 = arith.addf %scan3A_496, %get3A_507 : vector<16xf32>
      %get3A_509 = arith.index_cast %scan3A_495 : i32 to index
      %get3A_510 = arith.constant 16 : index
      %get3A_511 = tpu.vector_load %arg9[%get3A_509, %get3A_510] {strides = array<i32>} : memref<100x128xf32, #tpu.memory_space<vmem>>, vector<1x16xf32>,
      %get3A_512 = vector.shape_cast %get3A_511 : vector<1x16xf32> to vector<16xf32>
      %add3A_513 = arith.addf %scan3A_497, %get3A_512 : vector<16xf32>
      %get3A_514 = arith.index_cast %scan3A_495 : i32 to index
      %get3A_515 = arith.constant 32 : index
      %get3A_516 = tpu.vector_load %arg9[%get3A_514, %get3A_515] {strides = array<i32>} : memref<100x128xf32, #tpu.memory_space<vmem>>, vector<1x16xf32>,
      %get3A_517 = vector.shape_cast %get3A_516 : vector<1x16xf32> to vector<16xf32>
      %add3A_518 = arith.addf %scan3A_498, %get3A_517 : vector<16xf32>
      %get3A_519 = arith.index_cast %scan3A_495 : i32 to index
      %get3A_520 = arith.constant 48 : index
      %get3A_521 = tpu.vector_load %arg9[%get3A_519, %get3A_520] {strides = array<i32>} : memref<100x128xf32, #tpu.memory_space<vmem>>, vector<1x16xf32>,
      %get3A_522 = vector.shape_cast %get3A_521 : vector<1x16xf32> to vector<16xf32>
      %add3A_523 = arith.addf %scan3A_499, %get3A_522 : vector<16xf32>
      %get3A_524 = arith.index_cast %scan3A_495 : i32 to index
      %get3A_525 = arith.constant 64 : index
      %get3A_526 = tpu.vector_load %arg9[%get3A_524, %get3A_525] {strides = array<i32>} : memref<100x128xf32, #tpu.memory_space<vmem>>, vector<1x16xf32>,
      %get3A_527 = vector.shape_cast %get3A_526 : vector<1x16xf32> to vector<16xf32>
      %add3A_528 = arith.addf %scan3A_500, %get3A_527 : vector<16xf32>
      %get3A_529 = arith.index_cast %scan3A_495 : i32 to index
      %get3A_530 = arith.constant 80 : index
      %get3A_531 = tpu.vector_load %arg9[%get3A_529, %get3A_530] {strides = array<i32>} : memref<100x128xf32, #tpu.memory_space<vmem>>, vector<1x16xf32>,
      %get3A_532 = vector.shape_cast %get3A_531 : vector<1x16xf32> to vector<16xf32>
      %add3A_533 = arith.addf %scan3A_501, %get3A_532 : vector<16xf32>
      %get3A_534 = arith.index_cast %scan3A_495 : i32 to index
      %get3A_535 = arith.constant 96 : index
      %get3A_536 = tpu.vector_load %arg9[%get3A_534, %get3A_535] {strides = array<i32>} : memref<100x128xf32, #tpu.memory_space<vmem>>, vector<1x16xf32>,
      %get3A_537 = vector.shape_cast %get3A_536 : vector<1x16xf32> to vector<16xf32>
      %add3A_538 = arith.addf %scan3A_502, %get3A_537 : vector<16xf32>
      %get3A_539 = arith.index_cast %scan3A_495 : i32 to index
      %get3A_540 = arith.constant 112 : index
      %get3A_541 = tpu.vector_load %arg9[%get3A_539, %get3A_540] {strides = array<i32>} : memref<100x128xf32, #tpu.memory_space<vmem>>, vector<1x16xf32>,
      %get3A_542 = vector.shape_cast %get3A_541 : vector<1x16xf32> to vector<16xf32>
      %add3A_543 = arith.addf %scan3A_503, %get3A_542 : vector<16xf32>
      %scan3A_544 = arith.constant 1 : i32
      %scan3A_545 = arith.addi %scan3A_495, %scan3A_544 : i32
      %get3A_546 = arith.index_cast %scan3A_545 : i32 to index
      %get3A_547 = arith.constant 0 : index
      %get3A_548 = tpu.vector_load %arg9[%get3A_546, %get3A_547] {strides = array<i32>} : memref<100x128xf32, #tpu.memory_space<vmem>>, vector<1x16xf32>,
      %get3A_549 = vector.shape_cast %get3A_548 : vector<1x16xf32> to vector<16xf32>
      %add3A_550 = arith.addf %add3A_508, %get3A_549 : vector<16xf32>
      %get3A_551 = arith.index_cast %scan3A_545 : i32 to index
      %get3A_552 = arith.constant 16 : index
      %get3A_553 = tpu.vector_load %arg9[%get3A_551, %get3A_552] {strides = array<i32>} : memref<100x128xf32, #tpu.memory_space<vmem>>, vector<1x16xf32>,
      %get3A_554 = vector.shape_cast %get3A_553 : vector<1x16xf32> to vector<16xf32>
      %add3A_555 = arith.addf %add3A_513, %get3A_554 : vector<16xf32>
      %get3A_556 = arith.index_cast %scan3A_545 : i32 to index
      %get3A_557 = arith.constant 32 : index
      %get3A_558 = tpu.vector_load %arg9[%get3A_556, %get3A_557] {strides = array<i32>} : memref<100x128xf32, #tpu.memory_space<vmem>>, vector<1x16xf32>,
      %get3A_559 = vector.shape_cast %get3A_558 : vector<1x16xf32> to vector<16xf32>
      %add3A_560 = arith.addf %add3A_518, %get3A_559 : vector<16xf32>
      %get3A_561 = arith.index_cast %scan3A_545 : i32 to index
      %get3A_562 = arith.constant 48 : index
      %get3A_563 = tpu.vector_load %arg9[%get3A_561, %get3A_562] {strides = array<i32>} : memref<100x128xf32, #tpu.memory_space<vmem>>, vector<1x16xf32>,
      %get3A_564 = vector.shape_cast %get3A_563 : vector<1x16xf32> to vector<16xf32>
      %add3A_565 = arith.addf %add3A_523, %get3A_564 : vector<16xf32>
      %get3A_566 = arith.index_cast %scan3A_545 : i32 to index
      %get3A_567 = arith.constant 64 : index
      %get3A_568 = tpu.vector_load %arg9[%get3A_566, %get3A_567] {strides = array<i32>} : memref<100x128xf32, #tpu.memory_space<vmem>>, vector<1x16xf32>,
      %get3A_569 = vector.shape_cast %get3A_568 : vector<1x16xf32> to vector<16xf32>
      %add3A_570 = arith.addf %add3A_528, %get3A_569 : vector<16xf32>
      %get3A_571 = arith.index_cast %scan3A_545 : i32 to index
      %get3A_572 = arith.constant 80 : index
      %get3A_573 = tpu.vector_load %arg9[%get3A_571, %get3A_572] {strides = array<i32>} : memref<100x128xf32, #tpu.memory_space<vmem>>, vector<1x16xf32>,
      %get3A_574 = vector.shape_cast %get3A_573 : vector<1x16xf32> to vector<16xf32>
      %add3A_575 = arith.addf %add3A_533, %get3A_574 : vector<16xf32>
      %get3A_576 = arith.index_cast %scan3A_545 : i32 to index
      %get3A_577 = arith.constant 96 : index
      %get3A_578 = tpu.vector_load %arg9[%get3A_576, %get3A_577] {strides = array<i32>} : memref<100x128xf32, #tpu.memory_space<vmem>>, vector<1x16xf32>,
      %get3A_579 = vector.shape_cast %get3A_578 : vector<1x16xf32> to vector<16xf32>
      %add3A_580 = arith.addf %add3A_538, %get3A_579 : vector<16xf32>
      %get3A_581 = arith.index_cast %scan3A_545 : i32 to index
      %get3A_582 = arith.constant 112 : index
      %get3A_583 = tpu.vector_load %arg9[%get3A_581, %get3A_582] {strides = array<i32>} : memref<100x128xf32, #tpu.memory_space<vmem>>, vector<1x16xf32>,
      %get3A_584 = vector.shape_cast %get3A_583 : vector<1x16xf32> to vector<16xf32>
      %add3A_585 = arith.addf %add3A_543, %get3A_584 : vector<16xf32>
      scf.yield %add3A_550, %add3A_555, %add3A_560, %add3A_565, %add3A_570, %add3A_575, %add3A_580, %add3A_585 : vector<16xf32>, vector<16xf32>, vector<16xf32>, vector<16xf32>, vector<16xf32>, vector<16xf32>, vector<16xf32>, vector<16xf32>
    }
    %scan3A_374 = arith.constant 100 : i32
    %get3A_375 = arith.constant 127 : i32
    %get3A_376 = arith.index_cast %get3A_375 : i32 to index
    %get3A_377 = arith.constant 0 : index
    %get3A_378 = tpu.vector_load %arg12[%get3A_376, %get3A_377] {strides = array<i32>} : memref<128x128xf32, #tpu.memory_space<vmem>>, vector<1x16xf32>,
    %get3A_379 = vector.shape_cast %get3A_378 : vector<1x16xf32> to vector<16xf32>
    %add3A_380 = arith.addf %get3A_379, %scan3A_373#0 : vector<16xf32>
    %mul3A_381 = arith.constant 5.000000e-03 : f32
    %mul3A_382 = vector.broadcast %mul3A_381 : f32 to vector<16xf32>
    %mul3A_383 = arith.mulf %add3A_380, %mul3A_382 : vector<16xf32>
    %swap3A_384 = arith.constant 127 : i32
    %swap3A_385 = arith.index_cast %swap3A_384 : i32 to index
    %swap3A_386 = arith.constant 0 : index
    %swap3A_387 = tpu.vector_load %arg12[%swap3A_385, %swap3A_386] {strides = array<i32>} : memref<128x128xf32, #tpu.memory_space<vmem>>, vector<1x16xf32>,
    %swap3A_388 = vector.shape_cast %swap3A_387 : vector<1x16xf32> to vector<16xf32>
    %swap3A_389 = vector.shape_cast %mul3A_383 : vector<16xf32> to vector<1x16xf32>
    tpu.vector_store %arg12[%swap3A_385, %swap3A_386], %swap3A_389 {strides = array<i32>} : memref<128x128xf32, #tpu.memory_space<vmem>>, vector<1x16xf32>,
    %get3A_390 = arith.constant 127 : i32
    %get3A_391 = arith.index_cast %get3A_390 : i32 to index
    %get3A_392 = arith.constant 16 : index
    %get3A_393 = tpu.vector_load %arg12[%get3A_391, %get3A_392] {strides = array<i32>} : memref<128x128xf32, #tpu.memory_space<vmem>>, vector<1x16xf32>,
    %get3A_394 = vector.shape_cast %get3A_393 : vector<1x16xf32> to vector<16xf32>
    %add3A_395 = arith.addf %get3A_394, %scan3A_373#1 : vector<16xf32>
    %mul3A_396 = arith.constant 5.000000e-03 : f32
    %mul3A_397 = vector.broadcast %mul3A_396 : f32 to vector<16xf32>
    %mul3A_398 = arith.mulf %add3A_395, %mul3A_397 : vector<16xf32>
    %swap3A_399 = arith.constant 127 : i32
    %swap3A_400 = arith.index_cast %swap3A_399 : i32 to index
    %swap3A_401 = arith.constant 16 : index
    %swap3A_402 = tpu.vector_load %arg12[%swap3A_400, %swap3A_401] {strides = array<i32>} : memref<128x128xf32, #tpu.memory_space<vmem>>, vector<1x16xf32>,
    %swap3A_403 = vector.shape_cast %swap3A_402 : vector<1x16xf32> to vector<16xf32>
    %swap3A_404 = vector.shape_cast %mul3A_398 : vector<16xf32> to vector<1x16xf32>
    tpu.vector_store %arg12[%swap3A_400, %swap3A_401], %swap3A_404 {strides = array<i32>} : memref<128x128xf32, #tpu.memory_space<vmem>>, vector<1x16xf32>,
    %get3A_405 = arith.constant 127 : i32
    %get3A_406 = arith.index_cast %get3A_405 : i32 to index
    %get3A_407 = arith.constant 32 : index
    %get3A_408 = tpu.vector_load %arg12[%get3A_406, %get3A_407] {strides = array<i32>} : memref<128x128xf32, #tpu.memory_space<vmem>>, vector<1x16xf32>,
    %get3A_409 = vector.shape_cast %get3A_408 : vector<1x16xf32> to vector<16xf32>
    %add3A_410 = arith.addf %get3A_409, %scan3A_373#2 : vector<16xf32>
    %mul3A_411 = arith.constant 5.000000e-03 : f32
    %mul3A_412 = vector.broadcast %mul3A_411 : f32 to vector<16xf32>
    %mul3A_413 = arith.mulf %add3A_410, %mul3A_412 : vector<16xf32>
    %swap3A_414 = arith.constant 127 : i32
    %swap3A_415 = arith.index_cast %swap3A_414 : i32 to index
    %swap3A_416 = arith.constant 32 : index
    %swap3A_417 = tpu.vector_load %arg12[%swap3A_415, %swap3A_416] {strides = array<i32>} : memref<128x128xf32, #tpu.memory_space<vmem>>, vector<1x16xf32>,
    %swap3A_418 = vector.shape_cast %swap3A_417 : vector<1x16xf32> to vector<16xf32>
    %swap3A_419 = vector.shape_cast %mul3A_413 : vector<16xf32> to vector<1x16xf32>
    tpu.vector_store %arg12[%swap3A_415, %swap3A_416], %swap3A_419 {strides = array<i32>} : memref<128x128xf32, #tpu.memory_space<vmem>>, vector<1x16xf32>,
    %get3A_420 = arith.constant 127 : i32
    %get3A_421 = arith.index_cast %get3A_420 : i32 to index
    %get3A_422 = arith.constant 48 : index
    %get3A_423 = tpu.vector_load %arg12[%get3A_421, %get3A_422] {strides = array<i32>} : memref<128x128xf32, #tpu.memory_space<vmem>>, vector<1x16xf32>,
    %get3A_424 = vector.shape_cast %get3A_423 : vector<1x16xf32> to vector<16xf32>
    %add3A_425 = arith.addf %get3A_424, %scan3A_373#3 : vector<16xf32>
    %mul3A_426 = arith.constant 5.000000e-03 : f32
    %mul3A_427 = vector.broadcast %mul3A_426 : f32 to vector<16xf32>
    %mul3A_428 = arith.mulf %add3A_425, %mul3A_427 : vector<16xf32>
    %swap3A_429 = arith.constant 127 : i32
    %swap3A_430 = arith.index_cast %swap3A_429 : i32 to index
    %swap3A_431 = arith.constant 48 : index
    %swap3A_432 = tpu.vector_load %arg12[%swap3A_430, %swap3A_431] {strides = array<i32>} : memref<128x128xf32, #tpu.memory_space<vmem>>, vector<1x16xf32>,
    %swap3A_433 = vector.shape_cast %swap3A_432 : vector<1x16xf32> to vector<16xf32>
    %swap3A_434 = vector.shape_cast %mul3A_428 : vector<16xf32> to vector<1x16xf32>
    tpu.vector_store %arg12[%swap3A_430, %swap3A_431], %swap3A_434 {strides = array<i32>} : memref<128x128xf32, #tpu.memory_space<vmem>>, vector<1x16xf32>,
    %get3A_435 = arith.constant 127 : i32
    %get3A_436 = arith.index_cast %get3A_435 : i32 to index
    %get3A_437 = arith.constant 64 : index
    %get3A_438 = tpu.vector_load %arg12[%get3A_436, %get3A_437] {strides = array<i32>} : memref<128x128xf32, #tpu.memory_space<vmem>>, vector<1x16xf32>,
    %get3A_439 = vector.shape_cast %get3A_438 : vector<1x16xf32> to vector<16xf32>
    %add3A_440 = arith.addf %get3A_439, %scan3A_373#4 : vector<16xf32>
    %mul3A_441 = arith.constant 5.000000e-03 : f32
    %mul3A_442 = vector.broadcast %mul3A_441 : f32 to vector<16xf32>
    %mul3A_443 = arith.mulf %add3A_440, %mul3A_442 : vector<16xf32>
    %swap3A_444 = arith.constant 127 : i32
    %swap3A_445 = arith.index_cast %swap3A_444 : i32 to index
    %swap3A_446 = arith.constant 64 : index
    %swap3A_447 = tpu.vector_load %arg12[%swap3A_445, %swap3A_446] {strides = array<i32>} : memref<128x128xf32, #tpu.memory_space<vmem>>, vector<1x16xf32>,
    %swap3A_448 = vector.shape_cast %swap3A_447 : vector<1x16xf32> to vector<16xf32>
    %swap3A_449 = vector.shape_cast %mul3A_443 : vector<16xf32> to vector<1x16xf32>
    tpu.vector_store %arg12[%swap3A_445, %swap3A_446], %swap3A_449 {strides = array<i32>} : memref<128x128xf32, #tpu.memory_space<vmem>>, vector<1x16xf32>,
    %get3A_450 = arith.constant 127 : i32
    %get3A_451 = arith.index_cast %get3A_450 : i32 to index
    %get3A_452 = arith.constant 80 : index
    %get3A_453 = tpu.vector_load %arg12[%get3A_451, %get3A_452] {strides = array<i32>} : memref<128x128xf32, #tpu.memory_space<vmem>>, vector<1x16xf32>,
    %get3A_454 = vector.shape_cast %get3A_453 : vector<1x16xf32> to vector<16xf32>
    %add3A_455 = arith.addf %get3A_454, %scan3A_373#5 : vector<16xf32>
    %mul3A_456 = arith.constant 5.000000e-03 : f32
    %mul3A_457 = vector.broadcast %mul3A_456 : f32 to vector<16xf32>
    %mul3A_458 = arith.mulf %add3A_455, %mul3A_457 : vector<16xf32>
    %swap3A_459 = arith.constant 127 : i32
    %swap3A_460 = arith.index_cast %swap3A_459 : i32 to index
    %swap3A_461 = arith.constant 80 : index
    %swap3A_462 = tpu.vector_load %arg12[%swap3A_460, %swap3A_461] {strides = array<i32>} : memref<128x128xf32, #tpu.memory_space<vmem>>, vector<1x16xf32>,
    %swap3A_463 = vector.shape_cast %swap3A_462 : vector<1x16xf32> to vector<16xf32>
    %swap3A_464 = vector.shape_cast %mul3A_458 : vector<16xf32> to vector<1x16xf32>
    tpu.vector_store %arg12[%swap3A_460, %swap3A_461], %swap3A_464 {strides = array<i32>} : memref<128x128xf32, #tpu.memory_space<vmem>>, vector<1x16xf32>,
    %get3A_465 = arith.constant 127 : i32
    %get3A_466 = arith.index_cast %get3A_465 : i32 to index
    %get3A_467 = arith.constant 96 : index
    %get3A_468 = tpu.vector_load %arg12[%get3A_466, %get3A_467] {strides = array<i32>} : memref<128x128xf32, #tpu.memory_space<vmem>>, vector<1x16xf32>,
    %get3A_469 = vector.shape_cast %get3A_468 : vector<1x16xf32> to vector<16xf32>
    %add3A_470 = arith.addf %get3A_469, %scan3A_373#6 : vector<16xf32>
    %mul3A_471 = arith.constant 5.000000e-03 : f32
    %mul3A_472 = vector.broadcast %mul3A_471 : f32 to vector<16xf32>
    %mul3A_473 = arith.mulf %add3A_470, %mul3A_472 : vector<16xf32>
    %swap3A_474 = arith.constant 127 : i32
    %swap3A_475 = arith.index_cast %swap3A_474 : i32 to index
    %swap3A_476 = arith.constant 96 : index
    %swap3A_477 = tpu.vector_load %arg12[%swap3A_475, %swap3A_476] {strides = array<i32>} : memref<128x128xf32, #tpu.memory_space<vmem>>, vector<1x16xf32>,
    %swap3A_478 = vector.shape_cast %swap3A_477 : vector<1x16xf32> to vector<16xf32>
    %swap3A_479 = vector.shape_cast %mul3A_473 : vector<16xf32> to vector<1x16xf32>
    tpu.vector_store %arg12[%swap3A_475, %swap3A_476], %swap3A_479 {strides = array<i32>} : memref<128x128xf32, #tpu.memory_space<vmem>>, vector<1x16xf32>,
    %get3A_480 = arith.constant 127 : i32
    %get3A_481 = arith.index_cast %get3A_480 : i32 to index
    %get3A_482 = arith.constant 112 : index
    %get3A_483 = tpu.vector_load %arg12[%get3A_481, %get3A_482] {strides = array<i32>} : memref<128x128xf32, #tpu.memory_space<vmem>>, vector<1x16xf32>,
    %get3A_484 = vector.shape_cast %get3A_483 : vector<1x16xf32> to vector<16xf32>
    %add3A_485 = arith.addf %get3A_484, %scan3A_373#7 : vector<16xf32>
    %mul3A_486 = arith.constant 5.000000e-03 : f32
    %mul3A_487 = vector.broadcast %mul3A_486 : f32 to vector<16xf32>
    %mul3A_488 = arith.mulf %add3A_485, %mul3A_487 : vector<16xf32>
    %swap3A_489 = arith.constant 127 : i32
    %swap3A_490 = arith.index_cast %swap3A_489 : i32 to index
    %swap3A_491 = arith.constant 112 : index
    %swap3A_492 = tpu.vector_load %arg12[%swap3A_490, %swap3A_491] {strides = array<i32>} : memref<128x128xf32, #tpu.memory_space<vmem>>, vector<1x16xf32>,
    %swap3A_493 = vector.shape_cast %swap3A_492 : vector<1x16xf32> to vector<16xf32>
    %swap3A_494 = vector.shape_cast %mul3A_488 : vector<16xf32> to vector<1x16xf32>
    tpu.vector_store %arg12[%swap3A_490, %swap3A_491], %swap3A_494 {strides = array<i32>} : memref<128x128xf32, #tpu.memory_space<vmem>>, vector<1x16xf32>,
    "tpu.region"() ({
      %run_scoped3A = tpu.sem_alloc : memref<!tpu.dma_semaphore, #tpu.memory_space<semaphore_mem>>
      %dma_start3A_495 = arith.constant 0 : i32
      %dma_start3A_496 = arith.constant 0 : i32
      %dma_start3A_497 = tpu.memref_slice %arg4[%add3A, %dma_start3A_495, %dma_start3A_496] : memref<32x128x128xf32, #tpu.memory_space<hbm>> -> memref<1x128x128xf32, #tpu.memory_space<hbm>>
      %dma_start3A_498 = tpu.memref_squeeze %dma_start3A_497 : memref<1x128x128xf32, #tpu.memory_space<hbm>> -> memref<128x128xf32, #tpu.memory_space<hbm>>
      %dma_start3A_499 = arith.constant 0 : i32
      %dma_start3A_500 = arith.constant 0 : i32
      %dma_start3A_501 = tpu.memref_slice %arg4[%add3A, %dma_start3A_499, %dma_start3A_500] : memref<32x128x128xf32, #tpu.memory_space<hbm>> -> memref<1x128x128xf32, #tpu.memory_space<hbm>>
      %dma_start3A_502 = tpu.memref_squeeze %dma_start3A_501 : memref<1x128x128xf32, #tpu.memory_space<hbm>> -> memref<128x128xf32, #tpu.memory_space<hbm>>
      tpu.enqueue_dma source(%arg12 : memref<128x128xf32, #tpu.memory_space<vmem>>) target(%dma_start3A_502 : memref<128x128xf32, #tpu.memory_space<hbm>>) target_semaphore(%run_scoped3A : memref<!tpu.dma_semaphore, #tpu.memory_space<semaphore_mem>>)
      %dma_wait3A_503 = arith.constant 0 : i32
      %dma_wait3A_504 = arith.constant 0 : i32
      %dma_wait3A_505 = tpu.memref_slice %arg4[%add3A, %dma_wait3A_503, %dma_wait3A_504] : memref<32x128x128xf32, #tpu.memory_space<hbm>> -> memref<1x128x128xf32, #tpu.memory_space<hbm>>
      %dma_wait3A_506 = tpu.memref_squeeze %dma_wait3A_505 : memref<1x128x128xf32, #tpu.memory_space<hbm>> -> memref<128x128xf32, #tpu.memory_space<hbm>>
      %dma_wait3A_507 = arith.constant 0 : i32
      %dma_wait3A_508 = arith.constant 0 : i32
      %dma_wait3A_509 = tpu.memref_slice %arg4[%add3A, %dma_wait3A_507, %dma_wait3A_508] : memref<32x128x128xf32, #tpu.memory_space<hbm>> -> memref<1x128x128xf32, #tpu.memory_space<hbm>>
      %dma_wait3A_510 = tpu.memref_squeeze %dma_wait3A_509 : memref<1x128x128xf32, #tpu.memory_space<hbm>> -> memref<128x128xf32, #tpu.memory_space<hbm>>
      tpu.wait_dma2 semaphore(%run_scoped3A : memref<!tpu.dma_semaphore, #tpu.memory_space<semaphore_mem>>) src(%arg12 : memref<128x128xf32, #tpu.memory_space<vmem>>) dst(%dma_wait3A_510 : memref<128x128xf32, #tpu.memory_space<hbm>>)
      tpu.yield
    }) : () -> ()
    return
  }
}

module attributes {stable_mosaic.version = 14 : i64} {
  func.func @_tc_head(%arg0: memref<4096x128xf32, #tpu.memory_space<vmem>>, %arg1: memref<50x128xf32, #tpu.memory_space<vmem>>, %arg2: memref<1x50xf32, #tpu.memory_space<vmem>>, %arg3: memref<4096x50xf32, #tpu.memory_space<vmem>>) attributes {dimension_semantics = [], scalar_prefetch = 0 : i64, scratch_operands = 0 : i64, tpu.core_type = #tpu.core_type<tc>} {
    %get3A = arith.constant 0 : index
    %get3A_0 = arith.constant 0 : index
    %get3A_1 = vector.load %arg0[%get3A, %get3A_0] : memref<4096x128xf32, #tpu.memory_space<vmem>>, vector<4096x128xf32>
    %get3A_2 = arith.constant 0 : index
    %get3A_3 = arith.constant 0 : index
    %get3A_4 = vector.load %arg1[%get3A_2, %get3A_3] : memref<50x128xf32, #tpu.memory_space<vmem>>, vector<50x128xf32>
    %dot_general3A = arith.constant dense<0.000000e+00> : vector<4096x50xf32>
    %dot_general3A_5 = tpu.matmul %get3A_1, %get3A_4, %dot_general3A {dimension_numbers = #tpu.dot_dimension_numbers<[1], [1], [0], [0], [0, 0, 1, 0], [], []>, transpose_lhs_hint = false} : vector<4096x128xf32>, vector<50x128xf32>, vector<4096x50xf32> -> vector<4096x50xf32>
    %get3A_6 = arith.constant 0 : index
    %get3A_7 = arith.constant 0 : index
    %get3A_8 = vector.load %arg2[%get3A_6, %get3A_7] : memref<1x50xf32, #tpu.memory_space<vmem>>, vector<1x50xf32>
    %add3A = vector.broadcast %get3A_8 : vector<1x50xf32> to vector<4096x50xf32>
    %add3A_9 = arith.addf %dot_general3A_5, %add3A : vector<4096x50xf32>
    %logistic3A = arith.negf %add3A_9 : vector<4096x50xf32>
    %logistic3A_10 = math.exp %logistic3A : vector<4096x50xf32>
    %logistic3A_11 = arith.constant 1.000000e+00 : f32
    %logistic3A_12 = vector.broadcast %logistic3A_11 : f32 to vector<4096x50xf32>
    %logistic3A_13 = arith.addf %logistic3A_12, %logistic3A_10 : vector<4096x50xf32>
    %logistic3A_14 = arith.divf %logistic3A_12, %logistic3A_13 : vector<4096x50xf32>
    %swap3A = arith.constant 0 : index
    %swap3A_15 = arith.constant 0 : index
    %swap3A_16 = vector.load %arg3[%swap3A, %swap3A_15] : memref<4096x50xf32, #tpu.memory_space<vmem>>, vector<4096x50xf32>
    tpu.vector_store %arg3[%swap3A, %swap3A_15], %logistic3A_14 {strides = array<i32>} : memref<4096x50xf32, #tpu.memory_space<vmem>>, vector<4096x50xf32>,
    return
  }
}

</mosaic_0001>

<sc_bundles>
// kernel: kernel.4.cloned.1.call-start
scs
__scs_entry_jumppad:
0x0: {  	(pc) =	sbr.rel $0x88, $3  }
0x1: {  	(tag) =	ssettag $0x0;
	lr =	simm.s32 $0x1  }
0x2: {  	[smem:$0x3F9D] =	sst lr;
	_ =	strace $0xD0000000  }
0x3: {  	_ = 	snop  }
0x4: {  	_ = 	snop  }
0x5: {  	_ = 	snop  }
0x6: {  	_ = 	snop  }
0x7: {  	_ = 	snop  }
__scs_overlays_trampoline_lowered:
0x8: {  	[smem:$0x3FAC] =	sst s0  }
0x9: {  	[smem:$0x3FAD] =	sst s1  }
0xa: {  	[smem:$0x3FAE] =	sst s2  }
0xb: {  	[smem:$0x3FAF] =	sst s3  }
0xc: {  	[smem:$0x3FB0] =	sst s4  }
0xd: {  	[smem:$0x3FB1] =	sst s5  }
0xe: {  	[smem:$0x3FB2] =	sst s6  }
0xf: {  	[smem:$0x3FB3] =	sst s7  }
0x10: {  	[smem:$0x3FB4] =	sst s8  }
0x11: {  	[smem:$0x3FB5] =	sst s9;
	s0 =	simm.s32 @!p0 $0x0  }
0x12: {  	s1 =	sld [smem:$0x3F9B];
	s0 =	simm.s32 @p0 $0x1  }
0x13: {  	[smem:$0x3FB6] =	sst s0;
	s0 =	simm.s32 @!p1 $0x0  }
0x14: {  	s2 =	sld [smem:$0x3F9A];
	s0 =	simm.s32 @p1 $0x1  }
0x15: {  	[smem:$0x3FB7] =	sst s0;
	s0 =	simm.s32 @!p2 $0x0  }
0x16: {  	s3 =	sld [smem:$0x3FDB];
	s0 =	simm.s32 @p2 $0x1  }
0x17: {  	s4 =	simm.s32 $0x1BF5;
	[smem:$0x3FB9] =	sst s0  }
0x18: {  	s0 =	sld [smem:$0x3F9C];
	_ =	swait.ge [sflag:s4], $0x0  }
0x19: {  	s7 =	sld [smem:$0x3F9D]  }
0x1a: {  	s8 =	sadd.s32 $0xFFFFE003, lr  }
0x1b: {  	s9 =	sadd.s32 $0xFFFFFEF7, lr;
	s5 =	simm.s32 $0xFFFFFFFF;
	p2 =	slt.u32 s8, $0xFFFFF086  }
0x1c: {  	p1 =	slt.u32 s9, $0xF7A;
	s5 =	simm.s32 @!p2 $0x0  }
0x1d: {  	s5 =	simm.s32 @p1 $0x1;
	p0 =	seq.s32 s7, s2  }
0x1e: {  	s7 =	smul.u32 @!p0 $0xF7A, s2;
	p2 =	seq.s32 @!p0 s5, $0x0  }
0x1f: {  	s9 =	smul.u32 $0xF7A, s1;
	s8 =	simm.s32 @!p0 $0x1BF5;
	p2 =	por !p2, p0  }
0x20: {  	[sflag:s8] =	ssyncset.s32 @!p0 $0xFFFFF086;
	s6 =	sadd.s32 @!p0 s3, s7;
	s7 =	simm.s32 @!p0 $0x108  }
0x21: {  	s3 =	sadd.s32 s3, s9;
	s6 =	sadd.s32 @!p0 $0x88, s6;
	s7 =	simm.s32 @p2 $0x1082  }
0x22: {  	[simem:s7], [sflag:s8] =	dma.local @!p0 [hbm:s6], $0xF7A  }
0x23: {  	s9 =	sor.u32 $0xD0000000, s2;
	s6 =	simm.s32 $0x108;
	_ =	swait.ge @!p0 [sflag:s8], $0x0  }
0x24: {  	s3 =	sadd.s32 $0x88, s3;
	s6 =	simm.s32 @!p1 $0x1082;
	[sflag:s4] =	ssyncset.s32 $0xFFFFF086  }
0x25: {  	[simem:s6], [sflag:s4] =	dma.local [hbm:s3], $0xF7A  }
0x26: {  	[smem:$0x3F9D] =	sst s1;
	(tag) =	ssettag s2;
	_ =	strace s9  }
0x27: {  	s1 =	sld [smem:$0x3FAD]  }
0x28: {  	s2 =	sld [smem:$0x3FAE]  }
0x29: {  	s4 =	sld [smem:$0x3FB0]  }
0x2a: {  	p0 =	seq.s32 s5, $0x0;
	s5 =	sld [smem:$0x3FB1]  }
0x2b: {  	s6 =	sld [smem:$0x3FB2]  }
0x2c: {  	s7 =	sld [smem:$0x3FB3]  }
0x2d: {  	s3 =	simm.s32 $0x108;
	s8 =	sld [smem:$0x3FB4]  }
0x2e: {  	s3 =	simm.s32 @!p0 $0x1082;
	s9 =	sld [smem:$0x3FB5]  }
0x2f: {  	lr =	sadd.s32 s0, s3;
	s0 =	sld [smem:$0x3FAC]  }
0x30: {  	s3 =	sld [smem:$0x3FAF]  }
0x31: {  	[smem:$0x3FB8] =	sst s10  }
0x32: {  	s10 =	sld [smem:$0x3FB6];
	_ =	sdelay $0x3  }
0x33: {  	p0 =	seq.s32 s10, $0x1;
	s10 =	sld [smem:$0x3FB8];
	_ =	sdelay $0x3  }
0x34: {  	[smem:$0x3FB8] =	sst s10  }
0x35: {  	s10 =	sld [smem:$0x3FB7];
	_ =	sdelay $0x3  }
0x36: {  	p1 =	seq.s32 s10, $0x1;
	s10 =	sld [smem:$0x3FB8];
	_ =	sdelay $0x3  }
0x37: {  	[smem:$0x3FB8] =	sst s10  }
0x38: {  	s10 =	sld [smem:$0x3FB9]  }
0x39: {  	_ = 	snop;
	(pc) =	sbr.ind lr, $3  }
0x3a: {  	_ = 	snop  }
0x3b: {  	_ = 	snop  }
0x3c: {  	p2 =	seq.s32 s10, $0x1;
	s10 =	sld [smem:$0x3FB8]  }
0x3d: {  	_ =	shalt  }
0x3e: {  	_ =	shalt  }
0x3f: {  	_ =	shalt  }
0x40: {  	_ =	shalt  }
0x41: {  	_ =	shalt  }
0x42: {  	_ =	shalt  }
0x43: {  	_ =	shalt  }
0x44: {  	_ =	shalt  }
0x45: {  	_ =	shalt  }
0x46: {  	_ =	shalt  }
0x47: {  	_ =	shalt  }
0x48: {  	_ =	shalt  }
0x49: {  	_ =	shalt  }
0x4a: {  	_ =	shalt  }
0x4b: {  	_ =	shalt  }
0x4c: {  	_ =	shalt  }
0x4d: {  	_ =	shalt  }
0x4e: {  	_ =	shalt  }
0x4f: {  	_ =	shalt  }
0x50: {  	_ =	shalt  }
0x51: {  	_ =	shalt  }
0x52: {  	_ =	shalt  }
0x53: {  	_ =	shalt  }
0x54: {  	_ =	shalt  }
0x55: {  	_ =	shalt  }
0x56: {  	_ =	shalt  }
0x57: {  	_ =	shalt  }
0x58: {  	_ =	shalt  }
0x59: {  	_ =	shalt  }
0x5a: {  	_ =	shalt  }
0x5b: {  	_ =	shalt  }
0x5c: {  	_ =	shalt  }
0x5d: {  	_ =	shalt  }
0x5e: {  	_ =	shalt  }
0x5f: {  	_ =	shalt  }
0x60: {  	_ =	shalt  }
0x61: {  	_ =	shalt  }
0x62: {  	_ =	shalt  }
0x63: {  	_ =	shalt  }
0x64: {  	_ =	shalt  }
0x65: {  	_ =	shalt  }
0x66: {  	_ =	shalt  }
0x67: {  	_ =	shalt  }
0x68: {  	_ =	shalt  }
0x69: {  	_ =	shalt  }
0x6a: {  	_ =	shalt  }
0x6b: {  	_ =	shalt  }
0x6c: {  	_ =	shalt  }
0x6d: {  	_ =	shalt  }
0x6e: {  	_ =	shalt  }
0x6f: {  	_ =	shalt  }
0x70: {  	_ =	shalt  }
0x71: {  	_ =	shalt  }
0x72: {  	_ =	shalt  }
0x73: {  	_ =	shalt  }
0x74: {  	_ =	shalt  }
0x75: {  	_ =	shalt  }
0x76: {  	_ =	shalt  }
0x77: {  	_ =	shalt  }
0x78: {  	_ =	shalt  }
0x79: {  	_ =	shalt  }
0x7a: {  	_ =	shalt  }
0x7b: {  	_ =	shalt  }
0x7c: {  	_ =	shalt  }
0x7d: {  	_ =	shalt  }
0x7e: {  	_ =	shalt  }
0x7f: {  	_ =	shalt  }
0x80: {  	_ =	shalt  }
0x81: {  	_ =	shalt  }
0x82: {  	_ =	shalt  }
0x83: {  	_ =	shalt  }
0x84: {  	_ =	shalt  }
0x85: {  	_ =	shalt  }
0x86: {  	_ =	shalt  }
0x87: {  	_ =	shalt  }
.Lfunc_end0:
.L_simem_size_0:
called_computation_lowered:
.L_overlay_start_0:
0x88: {  	s2 =	sld [smem:$0x3FD9]  }
0x89: {  	s3 =	sld [smem:$0x3FFE];
	_ =	sdelay $0x1  }
0x8a: {  	s1 =	srdreg.scid  }
0x8b: {  	s0 =	sand.u32 $0x1, s1  }
0x8c: {  	s17 =	sshll.u32 s0, $0xA;
	s2 =	sadd.s32 s3, s2  }
0x8d: {  	s2 =	sadd.s32 s2, s17  }
0x8e: {  	[smem:$0x3FC4] =	sst s2  }
0x8f: {  	_ = 	snop  }
0x90: {  	s2 =	sld [smem:$0x3FC8];
	(tm) =	ssettm $0x1  }
0x91: {  	s18 =	sld [smem:$0x3FFB];
	_ =	sdelay $0x3  }
0x92: {  	_ =	strace s18  }
0x93: {  	s3 =	sld [smem:$0x3FFC];
	_ =	sdelay $0x3  }
0x94: {  	_ =	strace s3  }
0x95: {  	s3 =	sld [smem:$0x3FFD];
	_ =	sdelay $0x3  }
0x96: {  	_ =	strace s3  }
0x97: {  	_ =	strace $0x8FFFFFFF  }
0x98: {  	s19 =	sld [smem:$0x3FDB];
	_ =	sdelay $0x1  }
0x99: {  	s4 =	simm.s32 $_scs_section_size  }
0x9a: {  	s5 =	simm.s32 $_size__tile_overlayer_lowered;
	s6 =	simm.s32 $_tile_overlayer_lowered  }
0x9b: {  	s22 =	simm.s32 $0x1BFF;
	s21 =	sshll.u32 s6, $0x1;
	s3 =	sadd.s32 s4, s19  }
0x9c: {  	s7 =	simm.s32 $0x0;
	s20 =	sshll.u32 s5, $0x1;
	s5 =	sadd.s32 s21, s3  }
0x9d: {  	[timem:s7], [sflag:s22] =	dma.local [hbm:s5], s20  }
0x9e: {  	_ =	swait.ge [sflag:s22], s20  }
0x9f: {  	s4 =	ssub.s32 $0x0, s20;
	[sflag:s22] =	ssyncset.done $0x0  }
0xa0: {  	[sflag:s22] =	ssyncadd.s32 s4;
	_ =	sdelay $0x1  }
0xa1: {  	s23 =	simm.s32 $0x1B8B  }
0xa2: {  	_ =	swait.ge [sflag:s23], $0x1  }
0xa3: {  	[sflag:s23] =	ssyncset.done $0x0  }
0xa4: {  	s25 =	simm.s32 $0x1B8E;
	s24 =	sld [smem:$0x3FFE];
	[sflag:s23] =	ssyncadd.s32 $0xFFFFFFFF  }
0xa5: {  	s26 =	simm.s32 $execute0_lowered;
	[smem:$0x3FD2] =	sst s25  }
0xa6: {  	s5 =	sshll.u32 s26, $0x1;
	_ =	strace $0x80000046;
	[dreg:$0x1] =	wrdreg $0xFFFFFFFF  }
0xa7: {  	s28 =	simm.s32 $_size_execute0_lowered;
	s3 =	sadd.s32 s3, s5;
	[dreg:$0x0] =	wrdreg $0x0  }
0xa8: {  	s5 =	sshll.u32 s28, $0x1;
	[dreg:$0x2] =	wrdreg s3  }
0xa9: {  	[dreg:$0x3] =	wrdreg s5  }
0xaa: {  	[dreg:$0x4] =	wrdreg $0xC0  }
0xab: {  	_ =	task [dreg:s7], $0x5FFFF  }
0xac: {  	[dreg:$0x1] =	wrdreg $0xFFFFFFFF  }
0xad: {  	[dreg:$0x0] =	wrdreg $0x60  }
0xae: {  	[dreg:$0x2] =	wrdreg s2  }
0xaf: {  	[dreg:$0x3] =	wrdreg s24  }
0xb0: {  	[dreg:$0x4] =	wrdreg $0x9  }
0xb1: {  	_ =	task.clear_ibuf [dreg:s7], $0x5FFFF;
	_ =	strace $0x90000046  }
0xb2: {  	s29 =	simm.s32 $0x9;
	_ =	strace $0x80000048  }
0xb3: {  	_ =	swait.ge [sflag:s29], $0x1  }
0xb4: {  	[sflag:s29] =	ssyncadd.s32 $0xFFFFFFFF  }
0xb5: {  	_ =	strace $0x90000048  }
0xb6: {  	_ =	sfence  }
0xb7: {  	s30 =	sld [smem:$0x0];
	_ =	sdelay $0x2  }
0xb8: {  	s31 =	sshll.u32 s1, $0xD;
	s1 =	sshrl.u32 s1, $0x2  }
0xb9: {  	s3 =	sand.u32 $0x4000, s31;
	s1 =	sadd.s32 s1, s30  }
0xba: {  	s0 =	sor.u32 s3, s0;
	s1 =	sshll.u32 s1, $0x11  }
0xbb: {  	s0 =	sor.u32 s1, s0  }
0xbc: {  	s0 =	sadd.s32 $0x8F2B, s0  }
0xbd: {  	[sflag:s0] =	ssyncadd.remote.s32 $0x1  }
0xbe: {  	_ =	sfence.sel $0xFFFF  }
0xbf: {  	[dreg:$0x0] =	wrdreg $0xFFFFFFFF;
	(pc) =	sbr.abs _section_cstart, $3  }
0xc0: {  	[dreg:$0x1] =	wrdreg $0xFFFFFFFF  }
0xc1: {  	_ =	task.clear_ibuf [dreg:s7], $0x2FFFF;
	_ =	strace $0x9FFFFFFF  }
0xc2: {  	(tm) =	ssettm $0x7FFFFFFF  }
0xc3: {  	_ =	shalt  }
tec
execute0_lowered:
.L_overlay_start_1:
0x0: {  	(tag) =	ssettag $0x1  }
0x1: {  	s1 =	rddreg [dreg:$0x0]  }
0x2: {  	s0 =	rddreg [dreg:$0x1];
	s3 =	simm.s32 $0x0;
	s2 =	srdreg.scid  }
0x3: {  	s4 =	stileid.u32;
	s7 =	simm.s32 $0x7;
	s8 =	simm.s32 $0x64  }
0x4: {  	s9 =	simm.s32 $0x8000;
	s11 =	simm.s32 $0xB400;
	s12 =	simm.s32 $0x100  }
0x5: {  	s13 =	simm.s32 $0xE800;
	s14 =	simm.s32 $0x180;
	s15 =	simm.s32 $0x11C00  }
0x6: {  	s16 =	simm.s32 $0x200;
	s17 =	simm.s32 $0x15000;
	s18 =	simm.s32 $0x280  }
0x7: {  	s19 =	simm.s32 $0x18400;
	s20 =	simm.s32 $0x1;
	s21 =	simm.s32 $0x2  }
0x8: {  	s22 =	simm.s32 $0x3;
	s23 =	simm.s32 $0x4;
	s24 =	simm.s32 $0x5  }
0x9: {  	s25 =	simm.s32 $0x6;
	s26 =	simm.s32 $0x1B800;
	s28 =	simm.s32 $0x0  }
0xa: {  	[smem:$0x7FF] =	sst s3;
	s2 =	sand.u32 $0x1, s2;
	s4 =	sshll.u32 s4, $0x1  }
0xb: {  	_ =	strace $0x80000047;
	s4 =	sor.u32 s2, s4;
	s2 =	ssub.s32 $0x2, s2  }
0xc: {  	s5 =	sshll.u32 s4, $0xC;
	s4 =	sshll.u32 s4, $0xB;
	s6 =	sshrl.u32 s2, $0x1  }
0xd: {  	s5 =	sadd.s32 s5, s0;
	s0 =	sadd.s32 s4, s0;
	s2 =	ssub.s32 s2, s6  }
0xe: {  	s4 =	sadd.s32 $0xA00, s5;
	s5 =	sadd.s32 $0x20A00, s0;
	s6 =	smax.u32 s2, $0x1  }
.LBB2_1:
0xf: {  	[tilespmem:s3], [sflag:$0x7] =	stream.linear.gather [hbm4b:s4+s3], $0x8000, $0x38;
	[tilespmem:$0x1F800] =	vst v63  }
0x10: {  	_ =	swait.ge [sflag:s7], $0x8000  }
0x11: {  	[sflag:s7] =	ssyncset.done $0x0  }
0x12: {  	[sflag:s7] =	ssyncadd.s32 $0xFFFF8000  }
0x13: {  	[tilespmem:s9], [sflag:$0x1] =	stream.indirect.gather [hbm4b:s1+s8], $0x80, s3, s8, $0xb8;
	[tilespmem:$0x1F800] =	vst v63  }
0x14: {  	s0 =	simm.s32 $0x80  }
0x15: {  	[tilespmem:s11], [sflag:$0x2] =	stream.indirect.gather [hbm4b:s1+s8], $0x80, s0, s8, $0xb8;
	[tilespmem:$0x1F800] =	vst v63  }
0x16: {  	_ = 	snop  }
0x17: {  	[tilespmem:s13], [sflag:$0x3] =	stream.indirect.gather [hbm4b:s1+s8], $0x80, s12, s8, $0xb8;
	[tilespmem:$0x1F800] =	vst v63  }
0x18: {  	_ = 	snop  }
0x19: {  	[tilespmem:s15], [sflag:$0x4] =	stream.indirect.gather [hbm4b:s1+s8], $0x80, s14, s8, $0xb8;
	[tilespmem:$0x1F800] =	vst v63  }
0x1a: {  	_ = 	snop  }
0x1b: {  	[tilespmem:s17], [sflag:$0x5] =	stream.indirect.gather [hbm4b:s1+s8], $0x80, s16, s8, $0xb8;
	[tilespmem:$0x1F800] =	vst v63  }
0x1c: {  	s29 =	simm.s32 $0x0  }
0x1d: {  	[tilespmem:s19], [sflag:$0x6] =	stream.indirect.gather [hbm4b:s1+s8], $0x80, s18, s8, $0xb8;
	[tilespmem:$0x1F800] =	vst v63  }
.LBB2_2:
0x1e: {  	_ =	swait.ge [sflag:s20], $0x3200  }
0x1f: {  	[sflag:s20] =	ssyncset.done $0x0  }
0x20: {  	s0 =	simm.s32 $0x8080;
	[sflag:s20] =	ssyncadd.s32 $0xFFFFCE00  }
0x21: {  	v5 =	vld [tilespmem:s0+$0x0]  }
0x22: {  	v6 =	vld [tilespmem:s0+$0x10]  }
0x23: {  	v2 =	vld [tilespmem:s0+$0x20]  }
0x24: {  	v3 =	vld [tilespmem:s0+$0x30]  }
0x25: {  	v0 =	vld [tilespmem:s0+$0x40]  }
0x26: {  	v7 =	vld [tilespmem:s0+$0xFFFFFF80]  }
0x27: {  	v8 =	vld [tilespmem:s0+$0xFFFFFF90]  }
0x28: {  	v9 =	vld [tilespmem:s0+$0xFFFFFFA0]  }
0x29: {  	v11 =	vld [tilespmem:s0+$0xFFFFFFB0]  }
0x2a: {  	v1 =	vld [tilespmem:s0+$0x50]  }
0x2b: {  	v12 =	vld [tilespmem:s0+$0xFFFFFFC0]  }
0x2c: {  	v4 =	vimm.f32 $0.0e+00;
	v13 =	vld [tilespmem:s0+$0xFFFFFFD0]  }
0x2d: {  	v10 =	vld [tilespmem:s0+$0xFFFFFFE0];
	v7 =	vadd.f32 v7, v4  }
0x2e: {  	v14 =	vld [tilespmem:s0+$0xFFFFFFF0];
	v15 =	vadd.f32 v8, v4;
	v17 =	vadd.f32 v9, v4  }
0x2f: {  	v16 =	vadd.f32 v11, v4;
	v11 =	vld [tilespmem:s0+$0x60];
	v9 =	vimm.f32 $0.0e+00;
	v8 =	vadd.f32 v5, v7  }
0x30: {  	s30 =	simm.s32 $0x0;
	v6 =	vadd.f32 v6, v15;
	v15 =	vld [tilespmem:s0+$0x70];
	s0 =	simm.s32 $0x8180;
	v7 =	vimm.f32 $0.0e+00;
	v5 =	vimm.f32 $0.0e+00  }
.LBB2_3:
0x31: {  	v18 =	vld [tilespmem:s0+$0x0];
	v17 =	vadd.f32 v2, v17;
	v16 =	vadd.f32 v3, v16  }
0x32: {  	v4 =	vadd.f32 v12, v4;
	v9 =	vadd.f32 v13, v9;
	v19 =	vld [tilespmem:s0+$0x10]  }
0x33: {  	v7 =	vadd.f32 v10, v7;
	v2 =	vld [tilespmem:s0+$0x20];
	v5 =	vadd.f32 v14, v5  }
0x34: {  	v4 =	vadd.f32 v0, v4;
	v9 =	vadd.f32 v1, v9;
	v3 =	vld [tilespmem:s0+$0x30]  }
0x35: {  	v7 =	vadd.f32 v11, v7;
	v0 =	vld [tilespmem:s0+$0x40];
	v5 =	vadd.f32 v15, v5  }
0x36: {  	v1 =	vld [tilespmem:s0+$0x50]  }
0x37: {  	v11 =	vld [tilespmem:s0+$0xFFFFFF80]  }
0x38: {  	v14 =	vld [tilespmem:s0+$0xFFFFFF90]  }
0x39: {  	v15 =	vld [tilespmem:s0+$0xFFFFFFA0]  }
0x3a: {  	s30 =	sadd.s32 $0x2, s30;
	v20 =	vld [tilespmem:s0+$0xFFFFFFB0]  }
0x3b: {  	p0 =	slt.u32 s30, $0x62;
	v12 =	vld [tilespmem:s0+$0xFFFFFFC0]  }
.Ltmp0:
0x3c: {  	v13 =	vld [tilespmem:s0+$0xFFFFFFD0];
	(pc) =	sbr.rel @p0 .LBB2_3-.Ltmp0, $4  }
0x3d: {  	v10 =	vld [tilespmem:s0+$0xFFFFFFE0]  }
0x3e: {  	v8 =	vadd.f32 v11, v8;
	v6 =	vadd.f32 v14, v6;
	v14 =	vld [tilespmem:s0+$0xFFFFFFF0]  }
0x3f: {  	v17 =	vadd.f32 v15, v17;
	v16 =	vadd.f32 v20, v16;
	v11 =	vld [tilespmem:s0+$0x60]  }
0x40: {  	v8 =	vadd.f32 v18, v8;
	v6 =	vadd.f32 v19, v6;
	v15 =	vld [tilespmem:s0+$0x70];
	s0 =	sadd.s32 $0x100, s0  }
0x41: {  	s0 =	smul.u32 $0x600, s29;
	_ =	sdelay $0x1  }
0x42: {  	s30 =	sshra.s32 s0, $0x2  }
0x43: {  	v2 =	vadd.f32 v2, v17;
	v4 =	vadd.f32 v12, v4;
	[tilespmem:s30+$0x1B800] =	vst v8  }
0x44: {  	v3 =	vadd.f32 v3, v16;
	v8 =	vadd.f32 v13, v9;
	[tilespmem:s30+$0x1B810] =	vst v6  }
0x45: {  	v0 =	vadd.f32 v0, v4;
	v6 =	vadd.f32 v10, v7;
	[tilespmem:s30+$0x1B820] =	vst v2  }
0x46: {  	v2 =	vadd.f32 v14, v5;
	[tilespmem:s30+$0x1B830] =	vst v3;
	v1 =	vadd.f32 v1, v8  }
0x47: {  	s10 =	smul.u32 $0xC00, s29;
	[tilespmem:s30+$0x1B840] =	vst v0;
	v3 =	vadd.f32 v11, v6  }
0x48: {  	v0 =	vadd.f32 v15, v2;
	[tilespmem:s30+$0x1B850] =	vst v1  }
0x49: {  	s31 =	sshra.s32 s10, $0x2;
	[tilespmem:s30+$0x1B860] =	vst v3  }
0x4a: {  	s0 =	sadd.s32 $0x300, s31;
	[tilespmem:s30+$0x1B870] =	vst v0  }
0x4b: {  	[tilespmem:s9], [sflag:$0x1] =	stream.indirect.gather [hbm4b:s1+s8], $0x80, s0, s8, $0xb8;
	[tilespmem:$0x1F800] =	vst v63  }
0x4c: {  	_ =	swait.ge [sflag:s21], $0x3200  }
0x4d: {  	[sflag:s21] =	ssyncset.done $0x0  }
0x4e: {  	s2 =	simm.s32 $0xB480;
	[sflag:s21] =	ssyncadd.s32 $0xFFFFCE00  }
0x4f: {  	v5 =	vld [tilespmem:s2+$0x0]  }
0x50: {  	v7 =	vld [tilespmem:s2+$0x10]  }
0x51: {  	v2 =	vld [tilespmem:s2+$0x20]  }
0x52: {  	v3 =	vld [tilespmem:s2+$0x30]  }
0x53: {  	v0 =	vld [tilespmem:s2+$0x40]  }
0x54: {  	v6 =	vld [tilespmem:s2+$0xFFFFFF80]  }
0x55: {  	v8 =	vld [tilespmem:s2+$0xFFFFFF90]  }
0x56: {  	v9 =	vld [tilespmem:s2+$0xFFFFFFA0]  }
0x57: {  	v10 =	vld [tilespmem:s2+$0xFFFFFFB0]  }
0x58: {  	v1 =	vld [tilespmem:s2+$0x50]  }
0x59: {  	v12 =	vld [tilespmem:s2+$0xFFFFFFC0]  }
0x5a: {  	v4 =	vimm.f32 $0.0e+00;
	v14 =	vld [tilespmem:s2+$0xFFFFFFD0]  }
0x5b: {  	v13 =	vld [tilespmem:s2+$0xFFFFFFE0];
	v6 =	vadd.f32 v6, v4  }
0x5c: {  	v15 =	vld [tilespmem:s2+$0xFFFFFFF0];
	v11 =	vadd.f32 v8, v4;
	v16 =	vadd.f32 v9, v4  }
0x5d: {  	v17 =	vadd.f32 v10, v4;
	v8 =	vld [tilespmem:s2+$0x60];
	v10 =	vimm.f32 $0.0e+00;
	v9 =	vimm.f32 $0.0e+00  }
0x5e: {  	s0 =	simm.s32 $0x0;
	v6 =	vadd.f32 v5, v6;
	v5 =	vadd.f32 v7, v11;
	v11 =	vld [tilespmem:s2+$0x70];
	s2 =	simm.s32 $0xB580;
	v7 =	vimm.f32 $0.0e+00  }
.LBB2_5:
0x5f: {  	v18 =	vld [tilespmem:s2+$0x0];
	v16 =	vadd.f32 v2, v16;
	v17 =	vadd.f32 v3, v17  }
0x60: {  	v4 =	vadd.f32 v12, v4;
	v10 =	vadd.f32 v14, v10;
	v19 =	vld [tilespmem:s2+$0x10]  }
0x61: {  	v9 =	vadd.f32 v13, v9;
	v2 =	vld [tilespmem:s2+$0x20];
	v7 =	vadd.f32 v15, v7  }
0x62: {  	v4 =	vadd.f32 v0, v4;
	v10 =	vadd.f32 v1, v10;
	v3 =	vld [tilespmem:s2+$0x30]  }
0x63: {  	v9 =	vadd.f32 v8, v9;
	v0 =	vld [tilespmem:s2+$0x40];
	v7 =	vadd.f32 v11, v7  }
0x64: {  	v1 =	vld [tilespmem:s2+$0x50]  }
0x65: {  	v8 =	vld [tilespmem:s2+$0xFFFFFF80]  }
0x66: {  	v11 =	vld [tilespmem:s2+$0xFFFFFF90]  }
0x67: {  	v20 =	vld [tilespmem:s2+$0xFFFFFFA0]  }
0x68: {  	s0 =	sadd.s32 $0x2, s0;
	v21 =	vld [tilespmem:s2+$0xFFFFFFB0]  }
0x69: {  	p0 =	slt.u32 s0, $0x62;
	v12 =	vld [tilespmem:s2+$0xFFFFFFC0]  }
.Ltmp1:
0x6a: {  	v14 =	vld [tilespmem:s2+$0xFFFFFFD0];
	(pc) =	sbr.rel @p0 .LBB2_5-.Ltmp1, $4  }
0x6b: {  	v13 =	vld [tilespmem:s2+$0xFFFFFFE0]  }
0x6c: {  	v6 =	vadd.f32 v8, v6;
	v5 =	vadd.f32 v11, v5;
	v15 =	vld [tilespmem:s2+$0xFFFFFFF0]  }
0x6d: {  	v16 =	vadd.f32 v20, v16;
	v17 =	vadd.f32 v21, v17;
	v8 =	vld [tilespmem:s2+$0x60]  }
0x6e: {  	v6 =	vadd.f32 v18, v6;
	v5 =	vadd.f32 v19, v5;
	v11 =	vld [tilespmem:s2+$0x70];
	s2 =	sadd.s32 $0x100, s2  }
0x6f: {  	v18 =	vld [tilespmem:s30+$0x1B800]  }
0x70: {  	v19 =	vld [tilespmem:s30+$0x1B810]  }
0x71: {  	v20 =	vld [tilespmem:s30+$0x1B820]  }
0x72: {  	v2 =	vadd.f32 v2, v16;
	v3 =	vadd.f32 v3, v17;
	v16 =	vld [tilespmem:s30+$0x1B830]  }
0x73: {  	v4 =	vadd.f32 v12, v4;
	v10 =	vadd.f32 v14, v10;
	v12 =	vld [tilespmem:s30+$0x1B840]  }
0x74: {  	v9 =	vadd.f32 v13, v9;
	v13 =	vld [tilespmem:s30+$0x1B850];
	v6 =	vadd.f32 v18, v6  }
0x75: {  	v14 =	vld [tilespmem:s30+$0x1B860];
	v7 =	vadd.f32 v15, v7;
	v5 =	vadd.f32 v19, v5  }
0x76: {  	v0 =	vadd.f32 v0, v4;
	v2 =	vadd.f32 v20, v2;
	v4 =	vmul.f32 $4.999999890e-03, v6;
	v6 =	vld [tilespmem:s30+$0x1B870]  }
0x77: {  	v1 =	vadd.f32 v1, v10;
	v3 =	vadd.f32 v16, v3;
	v5 =	vmul.f32 $4.999999890e-03, v5  }
0x78: {  	v8 =	vadd.f32 v8, v9;
	v0 =	vadd.f32 v12, v0;
	v2 =	vmul.f32 $4.999999890e-03, v2;
	[tilespmem:s30+$0x1B800] =	vst v4  }
0x79: {  	v1 =	vadd.f32 v13, v1;
	v3 =	vmul.f32 $4.999999890e-03, v3;
	v4 =	vadd.f32 v11, v7;
	[tilespmem:s30+$0x1B810] =	vst v5  }
0x7a: {  	v0 =	vmul.f32 $4.999999890e-03, v0;
	[tilespmem:s30+$0x1B820] =	vst v2;
	v2 =	vadd.f32 v14, v8  }
0x7b: {  	v1 =	vmul.f32 $4.999999890e-03, v1;
	[tilespmem:s30+$0x1B830] =	vst v3;
	v3 =	vadd.f32 v6, v4  }
0x7c: {  	[tilespmem:s30+$0x1B840] =	vst v0;
	v0 =	vmul.f32 $4.999999890e-03, v2  }
0x7d: {  	[tilespmem:s30+$0x1B850] =	vst v1;
	v1 =	vmul.f32 $4.999999890e-03, v3  }
0x7e: {  	[tilespmem:s30+$0x1B860] =	vst v0  }
0x7f: {  	s0 =	sadd.s32 $0x380, s31;
	[tilespmem:s30+$0x1B870] =	vst v1  }
0x80: {  	[tilespmem:s11], [sflag:$0x2] =	stream.indirect.gather [hbm4b:s1+s8], $0x80, s0, s8, $0xb8;
	[tilespmem:$0x1F800] =	vst v63  }
0x81: {  	_ =	swait.ge [sflag:s22], $0x3200  }
0x82: {  	[sflag:s22] =	ssyncset.done $0x0  }
0x83: {  	s2 =	simm.s32 $0xE880;
	[sflag:s22] =	ssyncadd.s32 $0xFFFFCE00  }
0x84: {  	v5 =	vld [tilespmem:s2+$0x0]  }
0x85: {  	v6 =	vld [tilespmem:s2+$0x10]  }
0x86: {  	v2 =	vld [tilespmem:s2+$0x20]  }
0x87: {  	v3 =	vld [tilespmem:s2+$0x30]  }
0x88: {  	v0 =	vld [tilespmem:s2+$0x40]  }
0x89: {  	v7 =	vld [tilespmem:s2+$0xFFFFFF80]  }
0x8a: {  	v8 =	vld [tilespmem:s2+$0xFFFFFF90]  }
0x8b: {  	v9 =	vld [tilespmem:s2+$0xFFFFFFA0]  }
0x8c: {  	v11 =	vld [tilespmem:s2+$0xFFFFFFB0]  }
0x8d: {  	v1 =	vld [tilespmem:s2+$0x50]  }
0x8e: {  	v12 =	vld [tilespmem:s2+$0xFFFFFFC0]  }
0x8f: {  	v4 =	vimm.f32 $0.0e+00;
	v13 =	vld [tilespmem:s2+$0xFFFFFFD0]  }
0x90: {  	v10 =	vld [tilespmem:s2+$0xFFFFFFE0];
	v7 =	vadd.f32 v7, v4  }
0x91: {  	v14 =	vld [tilespmem:s2+$0xFFFFFFF0];
	v15 =	vadd.f32 v8, v4;
	v17 =	vadd.f32 v9, v4  }
0x92: {  	v16 =	vadd.f32 v11, v4;
	v11 =	vld [tilespmem:s2+$0x60];
	v9 =	vimm.f32 $0.0e+00;
	v8 =	vadd.f32 v5, v7  }
0x93: {  	s0 =	simm.s32 $0x0;
	v6 =	vadd.f32 v6, v15;
	v15 =	vld [tilespmem:s2+$0x70];
	s2 =	simm.s32 $0xE980;
	v7 =	vimm.f32 $0.0e+00;
	v5 =	vimm.f32 $0.0e+00  }
.LBB2_7:
0x94: {  	v18 =	vld [tilespmem:s2+$0x0];
	v17 =	vadd.f32 v2, v17;
	v16 =	vadd.f32 v3, v16  }
0x95: {  	v4 =	vadd.f32 v12, v4;
	v9 =	vadd.f32 v13, v9;
	v19 =	vld [tilespmem:s2+$0x10]  }
0x96: {  	v7 =	vadd.f32 v10, v7;
	v2 =	vld [tilespmem:s2+$0x20];
	v5 =	vadd.f32 v14, v5  }
0x97: {  	v4 =	vadd.f32 v0, v4;
	v9 =	vadd.f32 v1, v9;
	v3 =	vld [tilespmem:s2+$0x30]  }
0x98: {  	v7 =	vadd.f32 v11, v7;
	v0 =	vld [tilespmem:s2+$0x40];
	v5 =	vadd.f32 v15, v5  }
0x99: {  	v1 =	vld [tilespmem:s2+$0x50]  }
0x9a: {  	v11 =	vld [tilespmem:s2+$0xFFFFFF80]  }
0x9b: {  	v14 =	vld [tilespmem:s2+$0xFFFFFF90]  }
0x9c: {  	v15 =	vld [tilespmem:s2+$0xFFFFFFA0]  }
0x9d: {  	s0 =	sadd.s32 $0x2, s0;
	v20 =	vld [tilespmem:s2+$0xFFFFFFB0]  }
0x9e: {  	p0 =	slt.u32 s0, $0x62;
	v12 =	vld [tilespmem:s2+$0xFFFFFFC0]  }
.Ltmp2:
0x9f: {  	v13 =	vld [tilespmem:s2+$0xFFFFFFD0];
	(pc) =	sbr.rel @p0 .LBB2_7-.Ltmp2, $4  }
0xa0: {  	v10 =	vld [tilespmem:s2+$0xFFFFFFE0]  }
0xa1: {  	v8 =	vadd.f32 v11, v8;
	v6 =	vadd.f32 v14, v6;
	v14 =	vld [tilespmem:s2+$0xFFFFFFF0]  }
0xa2: {  	v17 =	vadd.f32 v15, v17;
	v16 =	vadd.f32 v20, v16;
	v11 =	vld [tilespmem:s2+$0x60]  }
0xa3: {  	v8 =	vadd.f32 v18, v8;
	v6 =	vadd.f32 v19, v6;
	v15 =	vld [tilespmem:s2+$0x70];
	s2 =	sadd.s32 $0x100, s2  }
0xa4: {  	_ = 	snop  }
0xa5: {  	v2 =	vadd.f32 v2, v17;
	v4 =	vadd.f32 v12, v4;
	[tilespmem:s30+$0x1B880] =	vst v8  }
0xa6: {  	v3 =	vadd.f32 v3, v16;
	v8 =	vadd.f32 v13, v9;
	[tilespmem:s30+$0x1B890] =	vst v6  }
0xa7: {  	v6 =	vadd.f32 v10, v7;
	v0 =	vadd.f32 v0, v4;
	[tilespmem:s30+$0x1B8A0] =	vst v2  }
0xa8: {  	v2 =	vadd.f32 v14, v5;
	[tilespmem:s30+$0x1B8B0] =	vst v3;
	v1 =	vadd.f32 v1, v8  }
0xa9: {  	v3 =	vadd.f32 v11, v6;
	[tilespmem:s30+$0x1B8C0] =	vst v0  }
0xaa: {  	v0 =	vadd.f32 v15, v2;
	[tilespmem:s30+$0x1B8D0] =	vst v1  }
0xab: {  	[tilespmem:s30+$0x1B8E0] =	vst v3  }
0xac: {  	s0 =	sadd.s32 $0x400, s31;
	[tilespmem:s30+$0x1B8F0] =	vst v0  }
0xad: {  	[tilespmem:s13], [sflag:$0x3] =	stream.indirect.gather [hbm4b:s1+s8], $0x80, s0, s8, $0xb8;
	[tilespmem:$0x1F800] =	vst v63  }
0xae: {  	_ =	swait.ge [sflag:s23], $0x3200  }
0xaf: {  	[sflag:s23] =	ssyncset.done $0x0  }
0xb0: {  	s2 =	simm.s32 $0x11C80;
	[sflag:s23] =	ssyncadd.s32 $0xFFFFCE00  }
0xb1: {  	v5 =	vld [tilespmem:s2+$0x0]  }
0xb2: {  	v7 =	vld [tilespmem:s2+$0x10]  }
0xb3: {  	v2 =	vld [tilespmem:s2+$0x20]  }
0xb4: {  	v3 =	vld [tilespmem:s2+$0x30]  }
0xb5: {  	v0 =	vld [tilespmem:s2+$0x40]  }
0xb6: {  	v6 =	vld [tilespmem:s2+$0xFFFFFF80]  }
0xb7: {  	v8 =	vld [tilespmem:s2+$0xFFFFFF90]  }
0xb8: {  	v9 =	vld [tilespmem:s2+$0xFFFFFFA0]  }
0xb9: {  	v10 =	vld [tilespmem:s2+$0xFFFFFFB0]  }
0xba: {  	v1 =	vld [tilespmem:s2+$0x50]  }
0xbb: {  	v12 =	vld [tilespmem:s2+$0xFFFFFFC0]  }
0xbc: {  	v4 =	vimm.f32 $0.0e+00;
	v14 =	vld [tilespmem:s2+$0xFFFFFFD0]  }
0xbd: {  	v13 =	vld [tilespmem:s2+$0xFFFFFFE0];
	v6 =	vadd.f32 v6, v4  }
0xbe: {  	v15 =	vld [tilespmem:s2+$0xFFFFFFF0];
	v11 =	vadd.f32 v8, v4;
	v16 =	vadd.f32 v9, v4  }
0xbf: {  	v17 =	vadd.f32 v10, v4;
	v8 =	vld [tilespmem:s2+$0x60];
	v10 =	vimm.f32 $0.0e+00;
	v9 =	vimm.f32 $0.0e+00  }
0xc0: {  	s0 =	simm.s32 $0x0;
	v6 =	vadd.f32 v5, v6;
	v5 =	vadd.f32 v7, v11;
	v11 =	vld [tilespmem:s2+$0x70];
	s2 =	simm.s32 $0x11D80;
	v7 =	vimm.f32 $0.0e+00  }
.LBB2_9:
0xc1: {  	v18 =	vld [tilespmem:s2+$0x0];
	v16 =	vadd.f32 v2, v16;
	v17 =	vadd.f32 v3, v17  }
0xc2: {  	v4 =	vadd.f32 v12, v4;
	v10 =	vadd.f32 v14, v10;
	v19 =	vld [tilespmem:s2+$0x10]  }
0xc3: {  	v9 =	vadd.f32 v13, v9;
	v2 =	vld [tilespmem:s2+$0x20];
	v7 =	vadd.f32 v15, v7  }
0xc4: {  	v4 =	vadd.f32 v0, v4;
	v10 =	vadd.f32 v1, v10;
	v3 =	vld [tilespmem:s2+$0x30]  }
0xc5: {  	v9 =	vadd.f32 v8, v9;
	v0 =	vld [tilespmem:s2+$0x40];
	v7 =	vadd.f32 v11, v7  }
0xc6: {  	v1 =	vld [tilespmem:s2+$0x50]  }
0xc7: {  	v8 =	vld [tilespmem:s2+$0xFFFFFF80]  }
0xc8: {  	v11 =	vld [tilespmem:s2+$0xFFFFFF90]  }
0xc9: {  	v20 =	vld [tilespmem:s2+$0xFFFFFFA0]  }
0xca: {  	s0 =	sadd.s32 $0x2, s0;
	v21 =	vld [tilespmem:s2+$0xFFFFFFB0]  }
0xcb: {  	p0 =	slt.u32 s0, $0x62;
	v12 =	vld [tilespmem:s2+$0xFFFFFFC0]  }
.Ltmp3:
0xcc: {  	v14 =	vld [tilespmem:s2+$0xFFFFFFD0];
	(pc) =	sbr.rel @p0 .LBB2_9-.Ltmp3, $4  }
0xcd: {  	v13 =	vld [tilespmem:s2+$0xFFFFFFE0]  }
0xce: {  	v6 =	vadd.f32 v8, v6;
	v5 =	vadd.f32 v11, v5;
	v15 =	vld [tilespmem:s2+$0xFFFFFFF0]  }
0xcf: {  	v16 =	vadd.f32 v20, v16;
	v17 =	vadd.f32 v21, v17;
	v8 =	vld [tilespmem:s2+$0x60]  }
0xd0: {  	v6 =	vadd.f32 v18, v6;
	v5 =	vadd.f32 v19, v5;
	v11 =	vld [tilespmem:s2+$0x70];
	s2 =	sadd.s32 $0x100, s2  }
0xd1: {  	v18 =	vld [tilespmem:s30+$0x1B880]  }
0xd2: {  	v19 =	vld [tilespmem:s30+$0x1B890]  }
0xd3: {  	v20 =	vld [tilespmem:s30+$0x1B8A0]  }
0xd4: {  	v2 =	vadd.f32 v2, v16;
	v3 =	vadd.f32 v3, v17;
	v16 =	vld [tilespmem:s30+$0x1B8B0]  }
0xd5: {  	v4 =	vadd.f32 v12, v4;
	v10 =	vadd.f32 v14, v10;
	v12 =	vld [tilespmem:s30+$0x1B8C0]  }
0xd6: {  	v9 =	vadd.f32 v13, v9;
	v13 =	vld [tilespmem:s30+$0x1B8D0];
	v6 =	vadd.f32 v18, v6  }
0xd7: {  	v14 =	vld [tilespmem:s30+$0x1B8E0];
	v7 =	vadd.f32 v15, v7;
	v5 =	vadd.f32 v19, v5  }
0xd8: {  	v0 =	vadd.f32 v0, v4;
	v2 =	vadd.f32 v20, v2;
	v4 =	vmul.f32 $4.999999890e-03, v6;
	v6 =	vld [tilespmem:s30+$0x1B8F0]  }
0xd9: {  	v1 =	vadd.f32 v1, v10;
	v3 =	vadd.f32 v16, v3;
	v5 =	vmul.f32 $4.999999890e-03, v5  }
0xda: {  	v8 =	vadd.f32 v8, v9;
	v0 =	vadd.f32 v12, v0;
	v2 =	vmul.f32 $4.999999890e-03, v2;
	[tilespmem:s30+$0x1B880] =	vst v4  }
0xdb: {  	v1 =	vadd.f32 v13, v1;
	v3 =	vmul.f32 $4.999999890e-03, v3;
	v4 =	vadd.f32 v11, v7;
	[tilespmem:s30+$0x1B890] =	vst v5  }
0xdc: {  	v0 =	vmul.f32 $4.999999890e-03, v0;
	[tilespmem:s30+$0x1B8A0] =	vst v2;
	v2 =	vadd.f32 v14, v8  }
0xdd: {  	v1 =	vmul.f32 $4.999999890e-03, v1;
	[tilespmem:s30+$0x1B8B0] =	vst v3;
	v3 =	vadd.f32 v6, v4  }
0xde: {  	[tilespmem:s30+$0x1B8C0] =	vst v0;
	v0 =	vmul.f32 $4.999999890e-03, v2  }
0xdf: {  	[tilespmem:s30+$0x1B8D0] =	vst v1;
	v1 =	vmul.f32 $4.999999890e-03, v3  }
0xe0: {  	[tilespmem:s30+$0x1B8E0] =	vst v0  }
0xe1: {  	s0 =	sadd.s32 $0x480, s31;
	[tilespmem:s30+$0x1B8F0] =	vst v1  }
0xe2: {  	[tilespmem:s15], [sflag:$0x4] =	stream.indirect.gather [hbm4b:s1+s8], $0x80, s0, s8, $0xb8;
	[tilespmem:$0x1F800] =	vst v63  }
0xe3: {  	_ =	swait.ge [sflag:s24], $0x3200  }
0xe4: {  	[sflag:s24] =	ssyncset.done $0x0  }
0xe5: {  	s2 =	simm.s32 $0x15080;
	[sflag:s24] =	ssyncadd.s32 $0xFFFFCE00  }
0xe6: {  	v5 =	vld [tilespmem:s2+$0x0]  }
0xe7: {  	v6 =	vld [tilespmem:s2+$0x10]  }
0xe8: {  	v2 =	vld [tilespmem:s2+$0x20]  }
0xe9: {  	v3 =	vld [tilespmem:s2+$0x30]  }
0xea: {  	v0 =	vld [tilespmem:s2+$0x40]  }
0xeb: {  	v7 =	vld [tilespmem:s2+$0xFFFFFF80]  }
0xec: {  	v8 =	vld [tilespmem:s2+$0xFFFFFF90]  }
0xed: {  	v9 =	vld [tilespmem:s2+$0xFFFFFFA0]  }
0xee: {  	v11 =	vld [tilespmem:s2+$0xFFFFFFB0]  }
0xef: {  	v1 =	vld [tilespmem:s2+$0x50]  }
0xf0: {  	v12 =	vld [tilespmem:s2+$0xFFFFFFC0]  }
0xf1: {  	v4 =	vimm.f32 $0.0e+00;
	v13 =	vld [tilespmem:s2+$0xFFFFFFD0]  }
0xf2: {  	v10 =	vld [tilespmem:s2+$0xFFFFFFE0];
	v7 =	vadd.f32 v7, v4  }
0xf3: {  	v14 =	vld [tilespmem:s2+$0xFFFFFFF0];
	v15 =	vadd.f32 v8, v4;
	v17 =	vadd.f32 v9, v4  }
0xf4: {  	v16 =	vadd.f32 v11, v4;
	v11 =	vld [tilespmem:s2+$0x60];
	v9 =	vimm.f32 $0.0e+00;
	v8 =	vadd.f32 v5, v7  }
0xf5: {  	s0 =	simm.s32 $0x0;
	v6 =	vadd.f32 v6, v15;
	v15 =	vld [tilespmem:s2+$0x70];
	s2 =	simm.s32 $0x15180;
	v7 =	vimm.f32 $0.0e+00;
	v5 =	vimm.f32 $0.0e+00  }
.LBB2_11:
0xf6: {  	v18 =	vld [tilespmem:s2+$0x0];
	v17 =	vadd.f32 v2, v17;
	v16 =	vadd.f32 v3, v16  }
0xf7: {  	v4 =	vadd.f32 v12, v4;
	v9 =	vadd.f32 v13, v9;
	v19 =	vld [tilespmem:s2+$0x10]  }
0xf8: {  	v7 =	vadd.f32 v10, v7;
	v2 =	vld [tilespmem:s2+$0x20];
	v5 =	vadd.f32 v14, v5  }
0xf9: {  	v4 =	vadd.f32 v0, v4;
	v9 =	vadd.f32 v1, v9;
	v3 =	vld [tilespmem:s2+$0x30]  }
0xfa: {  	v7 =	vadd.f32 v11, v7;
	v0 =	vld [tilespmem:s2+$0x40];
	v5 =	vadd.f32 v15, v5  }
0xfb: {  	v1 =	vld [tilespmem:s2+$0x50]  }
0xfc: {  	v11 =	vld [tilespmem:s2+$0xFFFFFF80]  }
0xfd: {  	v14 =	vld [tilespmem:s2+$0xFFFFFF90]  }
0xfe: {  	v15 =	vld [tilespmem:s2+$0xFFFFFFA0]  }
0xff: {  	s0 =	sadd.s32 $0x2, s0;
	v20 =	vld [tilespmem:s2+$0xFFFFFFB0]  }
0x100: {  	p0 =	slt.u32 s0, $0x62;
	v12 =	vld [tilespmem:s2+$0xFFFFFFC0]  }
.Ltmp4:
0x101: {  	v13 =	vld [tilespmem:s2+$0xFFFFFFD0];
	(pc) =	sbr.rel @p0 .LBB2_11-.Ltmp4, $4  }
0x102: {  	v10 =	vld [tilespmem:s2+$0xFFFFFFE0]  }
0x103: {  	v8 =	vadd.f32 v11, v8;
	v6 =	vadd.f32 v14, v6;
	v14 =	vld [tilespmem:s2+$0xFFFFFFF0]  }
0x104: {  	v17 =	vadd.f32 v15, v17;
	v16 =	vadd.f32 v20, v16;
	v11 =	vld [tilespmem:s2+$0x60]  }
0x105: {  	v8 =	vadd.f32 v18, v8;
	v6 =	vadd.f32 v19, v6;
	v15 =	vld [tilespmem:s2+$0x70];
	s2 =	sadd.s32 $0x100, s2  }
0x106: {  	_ = 	snop  }
0x107: {  	v2 =	vadd.f32 v2, v17;
	v4 =	vadd.f32 v12, v4;
	[tilespmem:s30+$0x1B900] =	vst v8  }
0x108: {  	v3 =	vadd.f32 v3, v16;
	v8 =	vadd.f32 v13, v9;
	[tilespmem:s30+$0x1B910] =	vst v6  }
0x109: {  	v6 =	vadd.f32 v10, v7;
	v0 =	vadd.f32 v0, v4;
	[tilespmem:s30+$0x1B920] =	vst v2  }
0x10a: {  	v2 =	vadd.f32 v14, v5;
	[tilespmem:s30+$0x1B930] =	vst v3;
	v1 =	vadd.f32 v1, v8  }
0x10b: {  	v3 =	vadd.f32 v11, v6;
	[tilespmem:s30+$0x1B940] =	vst v0  }
0x10c: {  	v0 =	vadd.f32 v15, v2;
	[tilespmem:s30+$0x1B950] =	vst v1  }
0x10d: {  	p0 =	seq.s32 s29, $0x29;
	[tilespmem:s30+$0x1B960] =	vst v3  }
0x10e: {  	s0 =	sadd.s32 @!p0 $0x500, s31;
	s2 =	simm.s32 @!p0 $0x64;
	s10 =	simm.s32 @!p0 $0x15000;
	[tilespmem:s30+$0x1B970] =	vst v0  }
0x10f: {  	[tilespmem:s10], [sflag:$0x5] =	stream.indirect.gather @!p0 [hbm4b:s1+s2], $0x80, s0, s2, $0xb8;
	[tilespmem:$0x1F800] =	vst v63  }
0x110: {  	_ =	swait.ge [sflag:s25], $0x3200  }
0x111: {  	[sflag:s25] =	ssyncset.done $0x0  }
0x112: {  	s10 =	simm.s32 $0x18480;
	[sflag:s25] =	ssyncadd.s32 $0xFFFFCE00  }
0x113: {  	v5 =	vld [tilespmem:s10+$0x0]  }
0x114: {  	v7 =	vld [tilespmem:s10+$0x10]  }
0x115: {  	v2 =	vld [tilespmem:s10+$0x20]  }
0x116: {  	v3 =	vld [tilespmem:s10+$0x30]  }
0x117: {  	v0 =	vld [tilespmem:s10+$0x40]  }
0x118: {  	v6 =	vld [tilespmem:s10+$0xFFFFFF80]  }
0x119: {  	v8 =	vld [tilespmem:s10+$0xFFFFFF90]  }
0x11a: {  	v9 =	vld [tilespmem:s10+$0xFFFFFFA0]  }
0x11b: {  	v10 =	vld [tilespmem:s10+$0xFFFFFFB0]  }
0x11c: {  	v1 =	vld [tilespmem:s10+$0x50]  }
0x11d: {  	v12 =	vld [tilespmem:s10+$0xFFFFFFC0]  }
0x11e: {  	v4 =	vimm.f32 $0.0e+00;
	v14 =	vld [tilespmem:s10+$0xFFFFFFD0]  }
0x11f: {  	v13 =	vld [tilespmem:s10+$0xFFFFFFE0];
	v6 =	vadd.f32 v6, v4  }
0x120: {  	v15 =	vld [tilespmem:s10+$0xFFFFFFF0];
	v11 =	vadd.f32 v8, v4;
	v16 =	vadd.f32 v9, v4  }
0x121: {  	v17 =	vadd.f32 v10, v4;
	v8 =	vld [tilespmem:s10+$0x60];
	v10 =	vimm.f32 $0.0e+00;
	v9 =	vimm.f32 $0.0e+00  }
0x122: {  	s0 =	simm.s32 $0x0;
	s2 =	simm.s32 $0x18580;
	v6 =	vadd.f32 v5, v6;
	v5 =	vadd.f32 v7, v11;
	v11 =	vld [tilespmem:s10+$0x70];
	v7 =	vimm.f32 $0.0e+00  }
.LBB2_13:
0x123: {  	v18 =	vld [tilespmem:s2+$0x0];
	v16 =	vadd.f32 v2, v16;
	v17 =	vadd.f32 v3, v17  }
0x124: {  	v4 =	vadd.f32 v12, v4;
	v10 =	vadd.f32 v14, v10;
	v19 =	vld [tilespmem:s2+$0x10]  }
0x125: {  	v9 =	vadd.f32 v13, v9;
	v2 =	vld [tilespmem:s2+$0x20];
	v7 =	vadd.f32 v15, v7  }
0x126: {  	v4 =	vadd.f32 v0, v4;
	v10 =	vadd.f32 v1, v10;
	v3 =	vld [tilespmem:s2+$0x30]  }
0x127: {  	v9 =	vadd.f32 v8, v9;
	v0 =	vld [tilespmem:s2+$0x40];
	v7 =	vadd.f32 v11, v7  }
0x128: {  	v1 =	vld [tilespmem:s2+$0x50]  }
0x129: {  	v8 =	vld [tilespmem:s2+$0xFFFFFF80]  }
0x12a: {  	v11 =	vld [tilespmem:s2+$0xFFFFFF90]  }
0x12b: {  	v20 =	vld [tilespmem:s2+$0xFFFFFFA0]  }
0x12c: {  	s0 =	sadd.s32 $0x2, s0;
	v21 =	vld [tilespmem:s2+$0xFFFFFFB0]  }
0x12d: {  	p1 =	slt.u32 s0, $0x62;
	v12 =	vld [tilespmem:s2+$0xFFFFFFC0]  }
.Ltmp5:
0x12e: {  	v14 =	vld [tilespmem:s2+$0xFFFFFFD0];
	(pc) =	sbr.rel @p1 .LBB2_13-.Ltmp5, $4  }
0x12f: {  	v13 =	vld [tilespmem:s2+$0xFFFFFFE0]  }
0x130: {  	v6 =	vadd.f32 v8, v6;
	v5 =	vadd.f32 v11, v5;
	v15 =	vld [tilespmem:s2+$0xFFFFFFF0]  }
0x131: {  	v16 =	vadd.f32 v20, v16;
	v17 =	vadd.f32 v21, v17;
	v8 =	vld [tilespmem:s2+$0x60]  }
0x132: {  	v6 =	vadd.f32 v18, v6;
	v5 =	vadd.f32 v19, v5;
	v11 =	vld [tilespmem:s2+$0x70];
	s2 =	sadd.s32 $0x100, s2  }
0x133: {  	v18 =	vld [tilespmem:s30+$0x1B900]  }
0x134: {  	v19 =	vld [tilespmem:s30+$0x1B910]  }
0x135: {  	v20 =	vld [tilespmem:s30+$0x1B920]  }
0x136: {  	v2 =	vadd.f32 v2, v16;
	v3 =	vadd.f32 v3, v17;
	v53 =	vld [tilespmem:s30+$0x1B930]  }
0x137: {  	v4 =	vadd.f32 v12, v4;
	v10 =	vadd.f32 v14, v10;
	v54 =	vld [tilespmem:s30+$0x1B940]  }
0x138: {  	v55 =	vld [tilespmem:s30+$0x1B950];
	v9 =	vadd.f32 v13, v9;
	v6 =	vadd.f32 v18, v6  }
0x139: {  	v56 =	vld [tilespmem:s30+$0x1B960];
	v7 =	vadd.f32 v15, v7;
	v5 =	vadd.f32 v19, v5  }
0x13a: {  	v58 =	vld [tilespmem:s30+$0x1B970];
	v0 =	vadd.f32 v0, v4;
	v2 =	vadd.f32 v20, v2;
	v57 =	vmul.f32 $4.999999890e-03, v6  }
0x13b: {  	v1 =	vadd.f32 v1, v10;
	v3 =	vadd.f32 v53, v3;
	v5 =	vmul.f32 $4.999999890e-03, v5  }
0x13c: {  	v8 =	vadd.f32 v8, v9;
	v0 =	vadd.f32 v54, v0;
	v2 =	vmul.f32 $4.999999890e-03, v2;
	[tilespmem:s30+$0x1B900] =	vst v57  }
0x13d: {  	v59 =	vadd.f32 v11, v7;
	v1 =	vadd.f32 v55, v1;
	v3 =	vmul.f32 $4.999999890e-03, v3;
	[tilespmem:s30+$0x1B910] =	vst v5  }
0x13e: {  	v60 =	vadd.f32 v56, v8;
	v0 =	vmul.f32 $4.999999890e-03, v0;
	[tilespmem:s30+$0x1B920] =	vst v2  }
.Ltmp6:
0x13f: {  	v61 =	vadd.f32 v58, v59;
	v1 =	vmul.f32 $4.999999890e-03, v1;
	[tilespmem:s30+$0x1B930] =	vst v3;
	(pc) =	sbr.rel @p0 .LBB2_16-.Ltmp6, $4  }
0x140: {  	v62 =	vmul.f32 $4.999999890e-03, v60;
	[tilespmem:s30+$0x1B940] =	vst v0  }
0x141: {  	v63 =	vmul.f32 $4.999999890e-03, v61;
	[tilespmem:s30+$0x1B950] =	vst v1  }
0x142: {  	[tilespmem:s30+$0x1B960] =	vst v62  }
0x143: {  	[tilespmem:s30+$0x1B970] =	vst v63  }
.Ltmp7:
0x144: {  	(pc) =	sbr.rel .LBB2_2-.Ltmp7, $3  }
0x145: {  	_ =	sdelay $0x1  }
0x146: {  	s0 =	sadd.s32 $0x580, s31;
	s29 =	sadd.s32 $0x1, s29  }
0x147: {  	[tilespmem:s19], [sflag:$0x6] =	stream.indirect.gather [hbm4b:s1+s8], $0x80, s0, s8, $0xb8;
	[tilespmem:$0x1F800] =	vst v63  }
.LBB2_16:
0x148: {  	_ =	swait.ge [sflag:s20], $0x3200  }
0x149: {  	[sflag:s20] =	ssyncset.done $0x0  }
0x14a: {  	s2 =	simm.s32 $0x8080;
	[sflag:s20] =	ssyncadd.s32 $0xFFFFCE00  }
0x14b: {  	v0 =	vld [tilespmem:s2+$0x0]  }
0x14c: {  	v8 =	vld [tilespmem:s2+$0x10]  }
0x14d: {  	v4 =	vld [tilespmem:s2+$0x20]  }
0x14e: {  	v6 =	vld [tilespmem:s2+$0x30]  }
0x14f: {  	v2 =	vld [tilespmem:s2+$0x40]  }
0x150: {  	v1 =	vld [tilespmem:s2+$0xFFFFFF80]  }
0x151: {  	v5 =	vld [tilespmem:s2+$0xFFFFFF90]  }
0x152: {  	v9 =	vld [tilespmem:s2+$0xFFFFFFA0]  }
0x153: {  	v10 =	vld [tilespmem:s2+$0xFFFFFFB0]  }
0x154: {  	v3 =	vld [tilespmem:s2+$0x50]  }
0x155: {  	v13 =	vld [tilespmem:s2+$0xFFFFFFC0]  }
0x156: {  	v7 =	vimm.f32 $0.0e+00;
	v14 =	vld [tilespmem:s2+$0xFFFFFFD0]  }
0x157: {  	v11 =	vld [tilespmem:s2+$0xFFFFFFE0];
	v1 =	vadd.f32 v1, v7  }
0x158: {  	v15 =	vld [tilespmem:s2+$0xFFFFFFF0];
	v16 =	vadd.f32 v5, v7;
	v5 =	vadd.f32 v9, v7  }
0x159: {  	v12 =	vld [tilespmem:s2+$0x60];
	v17 =	vadd.f32 v10, v7;
	v10 =	vimm.f32 $0.0e+00;
	v9 =	vimm.f32 $0.0e+00  }
0x15a: {  	s0 =	simm.s32 $0x0;
	v1 =	vadd.f32 v0, v1;
	v0 =	vadd.f32 v8, v16;
	v16 =	vld [tilespmem:s2+$0x70];
	s2 =	simm.s32 $0x8180;
	v8 =	vimm.f32 $0.0e+00  }
.LBB2_17:
0x15b: {  	v18 =	vld [tilespmem:s2+$0x0];
	v5 =	vadd.f32 v4, v5;
	v17 =	vadd.f32 v6, v17  }
0x15c: {  	v7 =	vadd.f32 v13, v7;
	v10 =	vadd.f32 v14, v10;
	v19 =	vld [tilespmem:s2+$0x10]  }
0x15d: {  	v9 =	vadd.f32 v11, v9;
	v4 =	vld [tilespmem:s2+$0x20];
	v8 =	vadd.f32 v15, v8  }
0x15e: {  	v7 =	vadd.f32 v2, v7;
	v10 =	vadd.f32 v3, v10;
	v6 =	vld [tilespmem:s2+$0x30]  }
0x15f: {  	v9 =	vadd.f32 v12, v9;
	v2 =	vld [tilespmem:s2+$0x40];
	v8 =	vadd.f32 v16, v8  }
0x160: {  	v3 =	vld [tilespmem:s2+$0x50]  }
0x161: {  	v12 =	vld [tilespmem:s2+$0xFFFFFF80]  }
0x162: {  	v15 =	vld [tilespmem:s2+$0xFFFFFF90]  }
0x163: {  	v16 =	vld [tilespmem:s2+$0xFFFFFFA0]  }
0x164: {  	s0 =	sadd.s32 $0x2, s0;
	v20 =	vld [tilespmem:s2+$0xFFFFFFB0]  }
0x165: {  	p0 =	slt.u32 s0, $0x62;
	v13 =	vld [tilespmem:s2+$0xFFFFFFC0]  }
.Ltmp8:
0x166: {  	v14 =	vld [tilespmem:s2+$0xFFFFFFD0];
	(pc) =	sbr.rel @p0 .LBB2_17-.Ltmp8, $4  }
0x167: {  	v11 =	vld [tilespmem:s2+$0xFFFFFFE0]  }
0x168: {  	v1 =	vadd.f32 v12, v1;
	v0 =	vadd.f32 v15, v0;
	v15 =	vld [tilespmem:s2+$0xFFFFFFF0]  }
0x169: {  	v5 =	vadd.f32 v16, v5;
	v17 =	vadd.f32 v20, v17;
	v12 =	vld [tilespmem:s2+$0x60]  }
0x16a: {  	v1 =	vadd.f32 v18, v1;
	v0 =	vadd.f32 v19, v0;
	v16 =	vld [tilespmem:s2+$0x70];
	s2 =	sadd.s32 $0x100, s2  }
0x16b: {  	_ = 	snop  }
0x16c: {  	v5 =	vadd.f32 v4, v5;
	v4 =	vadd.f32 v13, v7;
	[tilespmem:$0x1F700] =	vst v1  }
0x16d: {  	v6 =	vadd.f32 v6, v17;
	v10 =	vadd.f32 v14, v10;
	[tilespmem:$0x1F710] =	vst v0  }
0x16e: {  	v9 =	vadd.f32 v11, v9;
	v7 =	vadd.f32 v2, v4;
	[tilespmem:$0x1F720] =	vst v5  }
0x16f: {  	v2 =	vadd.f32 v15, v8;
	v4 =	vadd.f32 v3, v10;
	[tilespmem:$0x1F730] =	vst v6  }
0x170: {  	v3 =	vadd.f32 v12, v9;
	[tilespmem:$0x1F740] =	vst v7  }
0x171: {  	v2 =	vadd.f32 v16, v2;
	[tilespmem:$0x1F750] =	vst v4  }
0x172: {  	[tilespmem:$0x1F760] =	vst v3  }
0x173: {  	[tilespmem:$0x1F770] =	vst v2  }
0x174: {  	_ =	swait.ge [sflag:s21], $0x3200  }
0x175: {  	[sflag:s21] =	ssyncset.done $0x0  }
0x176: {  	s2 =	simm.s32 $0xB480;
	[sflag:s21] =	ssyncadd.s32 $0xFFFFCE00  }
0x177: {  	v13 =	vld [tilespmem:s2+$0x0]  }
0x178: {  	v15 =	vld [tilespmem:s2+$0x10]  }
0x179: {  	v10 =	vld [tilespmem:s2+$0x20]  }
0x17a: {  	v11 =	vld [tilespmem:s2+$0x30]  }
0x17b: {  	v8 =	vld [tilespmem:s2+$0x40]  }
0x17c: {  	v14 =	vld [tilespmem:s2+$0xFFFFFF80]  }
0x17d: {  	v16 =	vld [tilespmem:s2+$0xFFFFFF90]  }
0x17e: {  	v17 =	vld [tilespmem:s2+$0xFFFFFFA0]  }
0x17f: {  	v18 =	vld [tilespmem:s2+$0xFFFFFFB0]  }
0x180: {  	v9 =	vld [tilespmem:s2+$0x50]  }
0x181: {  	v19 =	vld [tilespmem:s2+$0xFFFFFFC0]  }
0x182: {  	v12 =	vimm.f32 $0.0e+00;
	v21 =	vld [tilespmem:s2+$0xFFFFFFD0]  }
0x183: {  	v20 =	vld [tilespmem:s2+$0xFFFFFFE0];
	v14 =	vadd.f32 v14, v12  }
0x184: {  	v23 =	vld [tilespmem:s2+$0xFFFFFFF0];
	v16 =	vadd.f32 v16, v12;
	v24 =	vadd.f32 v17, v12  }
0x185: {  	v22 =	vld [tilespmem:s2+$0x70];
	v25 =	vadd.f32 v18, v12;
	v17 =	vimm.f32 $0.0e+00;
	v14 =	vadd.f32 v13, v14  }
0x186: {  	s0 =	simm.s32 $0x0;
	v18 =	vld [tilespmem:s2+$0x60];
	s2 =	simm.s32 $0xB580;
	v13 =	vadd.f32 v15, v16;
	v16 =	vimm.f32 $0.0e+00;
	v15 =	vimm.f32 $0.0e+00  }
.LBB2_19:
0x187: {  	v26 =	vld [tilespmem:s2+$0x0];
	v24 =	vadd.f32 v10, v24;
	v25 =	vadd.f32 v11, v25  }
0x188: {  	v12 =	vadd.f32 v19, v12;
	v16 =	vadd.f32 v21, v16;
	v27 =	vld [tilespmem:s2+$0x10]  }
0x189: {  	v17 =	vadd.f32 v20, v17;
	v10 =	vld [tilespmem:s2+$0x20];
	v15 =	vadd.f32 v23, v15  }
0x18a: {  	v12 =	vadd.f32 v8, v12;
	v16 =	vadd.f32 v9, v16;
	v11 =	vld [tilespmem:s2+$0x30]  }
0x18b: {  	v17 =	vadd.f32 v18, v17;
	v8 =	vld [tilespmem:s2+$0x40];
	v15 =	vadd.f32 v22, v15  }
0x18c: {  	v9 =	vld [tilespmem:s2+$0x50]  }
0x18d: {  	v18 =	vld [tilespmem:s2+$0xFFFFFF80]  }
0x18e: {  	v22 =	vld [tilespmem:s2+$0xFFFFFF90]  }
0x18f: {  	v28 =	vld [tilespmem:s2+$0xFFFFFFA0]  }
0x190: {  	s0 =	sadd.s32 $0x2, s0;
	v29 =	vld [tilespmem:s2+$0xFFFFFFB0]  }
0x191: {  	p0 =	slt.u32 s0, $0x62;
	v19 =	vld [tilespmem:s2+$0xFFFFFFC0]  }
.Ltmp9:
0x192: {  	v21 =	vld [tilespmem:s2+$0xFFFFFFD0];
	(pc) =	sbr.rel @p0 .LBB2_19-.Ltmp9, $4  }
0x193: {  	v20 =	vld [tilespmem:s2+$0xFFFFFFE0]  }
0x194: {  	v14 =	vadd.f32 v18, v14;
	v13 =	vadd.f32 v22, v13;
	v23 =	vld [tilespmem:s2+$0xFFFFFFF0]  }
0x195: {  	v24 =	vadd.f32 v28, v24;
	v25 =	vadd.f32 v29, v25;
	v18 =	vld [tilespmem:s2+$0x60]  }
0x196: {  	v14 =	vadd.f32 v26, v14;
	v13 =	vadd.f32 v27, v13;
	v22 =	vld [tilespmem:s2+$0x70];
	s2 =	sadd.s32 $0x100, s2  }
0x197: {  	v10 =	vadd.f32 v10, v24;
	v11 =	vadd.f32 v11, v25  }
0x198: {  	v12 =	vadd.f32 v19, v12;
	v16 =	vadd.f32 v21, v16  }
0x199: {  	v17 =	vadd.f32 v20, v17;
	v1 =	vadd.f32 v14, v1  }
0x19a: {  	v0 =	vadd.f32 v13, v0;
	v14 =	vadd.f32 v23, v15  }
0x19b: {  	v8 =	vadd.f32 v8, v12;
	v5 =	vadd.f32 v10, v5;
	v1 =	vmul.f32 $4.999999890e-03, v1  }
0x19c: {  	v9 =	vadd.f32 v9, v16;
	v6 =	vadd.f32 v11, v6;
	v0 =	vmul.f32 $4.999999890e-03, v0  }
0x19d: {  	v10 =	vadd.f32 v18, v17;
	[tilespmem:$0x1F700] =	vst v1;
	v1 =	vmul.f32 $4.999999890e-03, v5;
	v5 =	vadd.f32 v8, v7  }
0x19e: {  	v4 =	vadd.f32 v9, v4;
	v7 =	vadd.f32 v22, v14;
	[tilespmem:$0x1F710] =	vst v0;
	v0 =	vmul.f32 $4.999999890e-03, v6  }
0x19f: {  	v3 =	vadd.f32 v10, v3;
	[tilespmem:$0x1F720] =	vst v1;
	v1 =	vmul.f32 $4.999999890e-03, v5  }
0x1a0: {  	[tilespmem:$0x1F730] =	vst v0;
	v0 =	vmul.f32 $4.999999890e-03, v4;
	v2 =	vadd.f32 v7, v2  }
0x1a1: {  	[tilespmem:$0x1F740] =	vst v1;
	v1 =	vmul.f32 $4.999999890e-03, v3  }
0x1a2: {  	[tilespmem:$0x1F750] =	vst v0;
	v0 =	vmul.f32 $4.999999890e-03, v2  }
0x1a3: {  	[tilespmem:$0x1F760] =	vst v1  }
0x1a4: {  	[tilespmem:$0x1F770] =	vst v0  }
0x1a5: {  	_ =	swait.ge [sflag:s22], $0x3200  }
0x1a6: {  	[sflag:s22] =	ssyncset.done $0x0  }
0x1a7: {  	s2 =	simm.s32 $0xE880;
	[sflag:s22] =	ssyncadd.s32 $0xFFFFCE00  }
0x1a8: {  	v0 =	vld [tilespmem:s2+$0x0]  }
0x1a9: {  	v8 =	vld [tilespmem:s2+$0x10]  }
0x1aa: {  	v4 =	vld [tilespmem:s2+$0x20]  }
0x1ab: {  	v6 =	vld [tilespmem:s2+$0x30]  }
0x1ac: {  	v2 =	vld [tilespmem:s2+$0x40]  }
0x1ad: {  	v1 =	vld [tilespmem:s2+$0xFFFFFF80]  }
0x1ae: {  	v5 =	vld [tilespmem:s2+$0xFFFFFF90]  }
0x1af: {  	v9 =	vld [tilespmem:s2+$0xFFFFFFA0]  }
0x1b0: {  	v10 =	vld [tilespmem:s2+$0xFFFFFFB0]  }
0x1b1: {  	v3 =	vld [tilespmem:s2+$0x50]  }
0x1b2: {  	v13 =	vld [tilespmem:s2+$0xFFFFFFC0]  }
0x1b3: {  	v7 =	vimm.f32 $0.0e+00;
	v14 =	vld [tilespmem:s2+$0xFFFFFFD0]  }
0x1b4: {  	v11 =	vld [tilespmem:s2+$0xFFFFFFE0];
	v1 =	vadd.f32 v1, v7  }
0x1b5: {  	v15 =	vld [tilespmem:s2+$0xFFFFFFF0];
	v16 =	vadd.f32 v5, v7;
	v5 =	vadd.f32 v9, v7  }
0x1b6: {  	v12 =	vld [tilespmem:s2+$0x60];
	v17 =	vadd.f32 v10, v7;
	v10 =	vimm.f32 $0.0e+00;
	v9 =	vimm.f32 $0.0e+00  }
0x1b7: {  	s0 =	simm.s32 $0x0;
	v1 =	vadd.f32 v0, v1;
	v0 =	vadd.f32 v8, v16;
	v16 =	vld [tilespmem:s2+$0x70];
	s2 =	simm.s32 $0xE980;
	v8 =	vimm.f32 $0.0e+00  }
.LBB2_21:
0x1b8: {  	v18 =	vld [tilespmem:s2+$0x0];
	v5 =	vadd.f32 v4, v5;
	v17 =	vadd.f32 v6, v17  }
0x1b9: {  	v7 =	vadd.f32 v13, v7;
	v10 =	vadd.f32 v14, v10;
	v19 =	vld [tilespmem:s2+$0x10]  }
0x1ba: {  	v9 =	vadd.f32 v11, v9;
	v4 =	vld [tilespmem:s2+$0x20];
	v8 =	vadd.f32 v15, v8  }
0x1bb: {  	v7 =	vadd.f32 v2, v7;
	v10 =	vadd.f32 v3, v10;
	v6 =	vld [tilespmem:s2+$0x30]  }
0x1bc: {  	v9 =	vadd.f32 v12, v9;
	v2 =	vld [tilespmem:s2+$0x40];
	v8 =	vadd.f32 v16, v8  }
0x1bd: {  	v3 =	vld [tilespmem:s2+$0x50]  }
0x1be: {  	v12 =	vld [tilespmem:s2+$0xFFFFFF80]  }
0x1bf: {  	v15 =	vld [tilespmem:s2+$0xFFFFFF90]  }
0x1c0: {  	v16 =	vld [tilespmem:s2+$0xFFFFFFA0]  }
0x1c1: {  	s0 =	sadd.s32 $0x2, s0;
	v20 =	vld [tilespmem:s2+$0xFFFFFFB0]  }
0x1c2: {  	p0 =	slt.u32 s0, $0x62;
	v13 =	vld [tilespmem:s2+$0xFFFFFFC0]  }
.Ltmp10:
0x1c3: {  	v14 =	vld [tilespmem:s2+$0xFFFFFFD0];
	(pc) =	sbr.rel @p0 .LBB2_21-.Ltmp10, $4  }
0x1c4: {  	v11 =	vld [tilespmem:s2+$0xFFFFFFE0]  }
0x1c5: {  	v1 =	vadd.f32 v12, v1;
	v0 =	vadd.f32 v15, v0;
	v15 =	vld [tilespmem:s2+$0xFFFFFFF0]  }
0x1c6: {  	v5 =	vadd.f32 v16, v5;
	v17 =	vadd.f32 v20, v17;
	v12 =	vld [tilespmem:s2+$0x60]  }
0x1c7: {  	v1 =	vadd.f32 v18, v1;
	v0 =	vadd.f32 v19, v0;
	v16 =	vld [tilespmem:s2+$0x70];
	s2 =	sadd.s32 $0x100, s2  }
0x1c8: {  	_ = 	snop  }
0x1c9: {  	v5 =	vadd.f32 v4, v5;
	v4 =	vadd.f32 v13, v7;
	[tilespmem:$0x1F780] =	vst v1  }
0x1ca: {  	v6 =	vadd.f32 v6, v17;
	v10 =	vadd.f32 v14, v10;
	[tilespmem:$0x1F790] =	vst v0  }
0x1cb: {  	v9 =	vadd.f32 v11, v9;
	v7 =	vadd.f32 v2, v4;
	[tilespmem:$0x1F7A0] =	vst v5  }
0x1cc: {  	v2 =	vadd.f32 v15, v8;
	v4 =	vadd.f32 v3, v10;
	[tilespmem:$0x1F7B0] =	vst v6  }
0x1cd: {  	v3 =	vadd.f32 v12, v9;
	[tilespmem:$0x1F7C0] =	vst v7  }
0x1ce: {  	v2 =	vadd.f32 v16, v2;
	[tilespmem:$0x1F7D0] =	vst v4  }
0x1cf: {  	[tilespmem:$0x1F7E0] =	vst v3  }
0x1d0: {  	[tilespmem:$0x1F7F0] =	vst v2  }
0x1d1: {  	_ =	swait.ge [sflag:s23], $0x3200  }
0x1d2: {  	[sflag:s23] =	ssyncset.done $0x0  }
0x1d3: {  	s2 =	simm.s32 $0x11C80;
	[sflag:s23] =	ssyncadd.s32 $0xFFFFCE00  }
0x1d4: {  	v13 =	vld [tilespmem:s2+$0x0]  }
0x1d5: {  	v15 =	vld [tilespmem:s2+$0x10]  }
0x1d6: {  	v10 =	vld [tilespmem:s2+$0x20]  }
0x1d7: {  	v11 =	vld [tilespmem:s2+$0x30]  }
0x1d8: {  	v8 =	vld [tilespmem:s2+$0x40]  }
0x1d9: {  	v14 =	vld [tilespmem:s2+$0xFFFFFF80]  }
0x1da: {  	v16 =	vld [tilespmem:s2+$0xFFFFFF90]  }
0x1db: {  	v17 =	vld [tilespmem:s2+$0xFFFFFFA0]  }
0x1dc: {  	v18 =	vld [tilespmem:s2+$0xFFFFFFB0]  }
0x1dd: {  	v9 =	vld [tilespmem:s2+$0x50]  }
0x1de: {  	v19 =	vld [tilespmem:s2+$0xFFFFFFC0]  }
0x1df: {  	v12 =	vimm.f32 $0.0e+00;
	v21 =	vld [tilespmem:s2+$0xFFFFFFD0]  }
0x1e0: {  	v20 =	vld [tilespmem:s2+$0xFFFFFFE0];
	v14 =	vadd.f32 v14, v12  }
0x1e1: {  	v23 =	vld [tilespmem:s2+$0xFFFFFFF0];
	v16 =	vadd.f32 v16, v12;
	v24 =	vadd.f32 v17, v12  }
0x1e2: {  	v22 =	vld [tilespmem:s2+$0x70];
	v25 =	vadd.f32 v18, v12;
	v17 =	vimm.f32 $0.0e+00;
	v14 =	vadd.f32 v13, v14  }
0x1e3: {  	s0 =	simm.s32 $0x0;
	v18 =	vld [tilespmem:s2+$0x60];
	s2 =	simm.s32 $0x11D80;
	v13 =	vadd.f32 v15, v16;
	v16 =	vimm.f32 $0.0e+00;
	v15 =	vimm.f32 $0.0e+00  }
.LBB2_23:
0x1e4: {  	v26 =	vld [tilespmem:s2+$0x0];
	v24 =	vadd.f32 v10, v24;
	v25 =	vadd.f32 v11, v25  }
0x1e5: {  	v12 =	vadd.f32 v19, v12;
	v16 =	vadd.f32 v21, v16;
	v27 =	vld [tilespmem:s2+$0x10]  }
0x1e6: {  	v17 =	vadd.f32 v20, v17;
	v10 =	vld [tilespmem:s2+$0x20];
	v15 =	vadd.f32 v23, v15  }
0x1e7: {  	v12 =	vadd.f32 v8, v12;
	v16 =	vadd.f32 v9, v16;
	v11 =	vld [tilespmem:s2+$0x30]  }
0x1e8: {  	v17 =	vadd.f32 v18, v17;
	v8 =	vld [tilespmem:s2+$0x40];
	v15 =	vadd.f32 v22, v15  }
0x1e9: {  	v9 =	vld [tilespmem:s2+$0x50]  }
0x1ea: {  	v18 =	vld [tilespmem:s2+$0xFFFFFF80]  }
0x1eb: {  	v22 =	vld [tilespmem:s2+$0xFFFFFF90]  }
0x1ec: {  	v28 =	vld [tilespmem:s2+$0xFFFFFFA0]  }
0x1ed: {  	s0 =	sadd.s32 $0x2, s0;
	v29 =	vld [tilespmem:s2+$0xFFFFFFB0]  }
0x1ee: {  	p0 =	slt.u32 s0, $0x62;
	v19 =	vld [tilespmem:s2+$0xFFFFFFC0]  }
.Ltmp11:
0x1ef: {  	v21 =	vld [tilespmem:s2+$0xFFFFFFD0];
	(pc) =	sbr.rel @p0 .LBB2_23-.Ltmp11, $4  }
0x1f0: {  	v20 =	vld [tilespmem:s2+$0xFFFFFFE0]  }
0x1f1: {  	v14 =	vadd.f32 v18, v14;
	v13 =	vadd.f32 v22, v13;
	v23 =	vld [tilespmem:s2+$0xFFFFFFF0]  }
0x1f2: {  	v24 =	vadd.f32 v28, v24;
	v25 =	vadd.f32 v29, v25;
	v18 =	vld [tilespmem:s2+$0x60]  }
0x1f3: {  	v14 =	vadd.f32 v26, v14;
	v13 =	vadd.f32 v27, v13;
	v22 =	vld [tilespmem:s2+$0x70];
	s2 =	sadd.s32 $0x100, s2  }
0x1f4: {  	v10 =	vadd.f32 v10, v24;
	v11 =	vadd.f32 v11, v25  }
0x1f5: {  	v12 =	vadd.f32 v19, v12;
	v16 =	vadd.f32 v21, v16  }
0x1f6: {  	v17 =	vadd.f32 v20, v17;
	v1 =	vadd.f32 v14, v1  }
0x1f7: {  	v0 =	vadd.f32 v13, v0;
	v54 =	vadd.f32 v23, v15  }
0x1f8: {  	v8 =	vadd.f32 v8, v12;
	v5 =	vadd.f32 v10, v5;
	v1 =	vmul.f32 $4.999999890e-03, v1  }
0x1f9: {  	v9 =	vadd.f32 v9, v16;
	v6 =	vadd.f32 v11, v6;
	v0 =	vmul.f32 $4.999999890e-03, v0  }
0x1fa: {  	v55 =	vadd.f32 v18, v17;
	v56 =	vmul.f32 $4.999999890e-03, v5;
	v57 =	vadd.f32 v8, v7;
	[tilespmem:$0x1F780] =	vst v1  }
0x1fb: {  	v58 =	vadd.f32 v22, v54;
	v59 =	vmul.f32 $4.999999890e-03, v6;
	v4 =	vadd.f32 v9, v4;
	[tilespmem:$0x1F790] =	vst v0  }
0x1fc: {  	v3 =	vadd.f32 v55, v3;
	[tilespmem:$0x1F7A0] =	vst v56;
	v60 =	vmul.f32 $4.999999890e-03, v57  }
0x1fd: {  	[tilespmem:$0x1F7B0] =	vst v59;
	v61 =	vmul.f32 $4.999999890e-03, v4;
	v2 =	vadd.f32 v58, v2  }
0x1fe: {  	v62 =	vmul.f32 $4.999999890e-03, v3;
	[tilespmem:$0x1F7C0] =	vst v60  }
0x1ff: {  	s28 =	sadd.s32 $0x1, s28;
	[tilespmem:$0x1F7D0] =	vst v61;
	v63 =	vmul.f32 $4.999999890e-03, v2  }
0x200: {  	p0 =	sne.s32 s28, s6;
	[tilespmem:$0x1F7E0] =	vst v62  }
.Ltmp12:
0x201: {  	[tilespmem:$0x1F7F0] =	vst v63;
	(pc) =	sbr.rel @p0 .LBB2_1-.Ltmp12, $4  }
0x202: {  	[hbm4b:s5+s3] =	stream.linear.scatter [tilespmem:s26], [sflag:$0x7], $0x4000, $0x38;
	[tilespmem:$0x1F800] =	vst v63  }
0x203: {  	_ =	swait.ge [sflag:s7], $0x4000  }
0x204: {  	[sflag:s7] =	ssyncset.done $0x0  }
0x205: {  	[sflag:s7] =	ssyncadd.s32 $0xFFFFC000  }
0x206: {  	_ =	sfence.sel $0x180000  }
0x207: {  	[bflag:$0x0] =	sbarrier.arrive $0xFFFF  }
0x208: {  	_ =	strace $0x90000047  }
0x209: {  	s0 =	stileid.u32;
	[bflag:$0x2] =	sbarrier.arrive $0xFFFF  }
0x20a: {  	p0 =	sne.s32 s0, $0x0;
	s0 =	rddreg [dreg:$0x2]  }
0x20b: {  	s0 =	sadd.s32 @!p0 $0x100000, s0  }
0x20c: {  	[sflag:s0] =	ssyncadd.tile.s32 @!p0 $0x1;
	_ =	shalt  }
.Lfunc_end2:
_tile_overlayer_lowered:
.L_overlay_start_2:
0x20d: {  	(tag) =	ssettag $0x2  }
0x20e: {  	s0 =	rddreg [dreg:$0x0];
	s2 =	stileid.u32  }
0x20f: {  	s1 =	rddreg [dreg:$0x1];
	p0 =	sne.s32 s2, $0x0  }
0x210: {  	s3 =	rddreg [dreg:$0x2];
	[bflag:$0x3] =	sbarrier.arrive $0xFFFF;
	s2 =	simm.s32 @!p0 $0x1C07  }
0x211: {  	[timem:s3], [sflag:s2] =	dma.local @!p0 [hbm:s0], s1  }
0x212: {  	s0 =	simm.s32 @!p0 $0x7  }
0x213: {  	_ =	swait.ge @!p0 [sflag:s0], s1  }
0x214: {  	s1 =	ssub.s32 @!p0 $0x0, s1;
	[sflag:s0] =	ssyncset.done @!p0 $0x0  }
0x215: {  	[sflag:s0] =	ssyncadd.s32 @!p0 s1  }
0x216: {  	[bflag:$0x3] =	sbarrier.arrive $0xFFFF  }
0x217: {  	_ =	shalt  }

</sc_bundles>
